<compile_context>
chip_gen: v7x
topology: tpu7x:2x2x1
jax: 0.10.2.dev20260603
libtpu: 0.0.44.dev20260713+nightly
codegen_flags: <defaults>
</compile_context>

<pallas_src>
import functools

import jax
import jax.numpy as jnp
from jax import lax
from jax.experimental import pallas as pl
from jax.experimental.pallas import tpu as pltpu
from jax.experimental.pallas import tpu_sc as plsc

N = 10000
E = 320000
D = 128
NC = 2
NS = 16
CH = 80
EPT = E // (NC * NS)
KC = EPT // CH
RPW = 624


def _rowwise(s, copy):
    copy(pl.ds(s * RPW, RPW))

    @pl.when(s == NS - 1)
    def _():
        copy(pl.ds(NS * RPW, N - NS * RPW))


def _agg_body(h, src2d, dst2d, zeros, out0, out1,
              acc, src_v, dst_v, rows0, rows1, sem0, sem1):
    c = lax.axis_index("c")
    s = lax.axis_index("s")
    sems = (sem0, sem1)
    rows = (rows0, rows1)

    def gather(j, b):
        return pltpu.make_async_copy(
            h.at[src_v.at[pl.ds(j * CH, CH)]], rows[b], sems[b])

    def zcopy(r):
        return pltpu.make_async_copy(zeros.at[r], acc.at[r], sem1)

    rmain = pl.ds(s * RPW, RPW)
    rtail = pl.ds(NS * RPW, N - NS * RPW)
    zcopy(rmain).start()

    @pl.when(s == NS - 1)
    def _():
        zcopy(rtail).start()

    tile = c * NS + s
    pltpu.sync_copy(src2d.at[tile], src_v)
    gather(0, 0).start()
    pltpu.sync_copy(dst2d.at[tile], dst_v)

    zcopy(rmain).wait()

    @pl.when(s == NS - 1)
    def _():
        zcopy(rtail).wait()

    plsc.subcore_barrier()

    def scatter(j, b):
        gather(j, b).wait()
        pltpu.sync_copy(rows[b], acc.at[dst_v.at[j]], add=True)


    def step(i, carry):
        j = 2 * i
        gather(j + 1, 1).start()
        scatter(j, 0)

        @pl.when(j + 2 < KC)
        def _():
            gather(j + 2, 0).start()

        scatter(j + 1, 1)
        return carry

    lax.fori_loop(0, KC // 2, step, 0)
    if KC % 2:
        scatter(KC - 1, 0)

    plsc.subcore_barrier()

    @pl.when(c == 0)
    def _():
        _rowwise(s, lambda r: pltpu.sync_copy(acc.at[r], out0.at[r]))

    @pl.when(c == 1)
    def _():
        _rowwise(s, lambda r: pltpu.sync_copy(acc.at[r], out1.at[r]))


_agg_plain = pl.kernel(
    _agg_body,
    out_type=[jax.ShapeDtypeStruct((N, D), jnp.float32),
              jax.ShapeDtypeStruct((N, D), jnp.float32)],
    mesh=plsc.VectorSubcoreMesh(core_axis_name="c", subcore_axis_name="s"),
    scratch_types=[
        pltpu.VMEM_SHARED((N, D), jnp.float32),
        pltpu.VMEM((EPT,), jnp.int32),
        pltpu.VMEM((KC, CH), jnp.int32),
        pltpu.VMEM((CH, D), jnp.float32),
        pltpu.VMEM((CH, D), jnp.float32),
        pltpu.SemaphoreType.DMA,
        pltpu.SemaphoreType.DMA,
    ])


_L = 16
_NV = EPT // _L
_NPAD = 10112
_CB = 640


def _count_body(dst1d, zerosp, cnt0, cnt1,
                cnt_all, dst_flat, cnt_local, slab, out_stage):
    c = lax.axis_index("c")
    s = lax.axis_index("s")

    pltpu.sync_copy(dst1d.at[c * NS + s], dst_flat)
    pltpu.sync_copy(zerosp, cnt_local)
    ones_v = jnp.ones((_L,), jnp.float32)

    def cstep(i, carry):
        idx = dst_flat[pl.ds(i * _L, _L)]
        plsc.addupdate_scatter(cnt_local, [idx], ones_v)
        return carry

    lax.fori_loop(0, _NV, cstep, 0)

    pltpu.sync_copy(cnt_local, cnt_all.at[s])
    plsc.subcore_barrier()

    def reduce_range(ncols):
        pltpu.sync_copy(cnt_all.at[:, pl.ds(s * _CB, ncols)],
                        slab.at[:, pl.ds(0, ncols)])

        col0 = jnp.zeros((_L,), jnp.int32)
        lanes = lax.iota(jnp.int32, _L)

        def rstep(b, carry):
            tot = slab[0, pl.ds(b * _L, _L)]
            for t in range(1, NS):
                tot = tot + slab[t, pl.ds(b * _L, _L)]
            plsc.store_scatter(out_stage, [b * _L + lanes, col0], tot)
            return carry

        lax.fori_loop(0, ncols // _L, rstep, 0)

    @pl.when(s < NS - 1)
    def _():
        reduce_range(_CB)

    @pl.when(s == NS - 1)
    def _():
        reduce_range(_NPAD - (NS - 1) * _CB)

    def write(o):
        @pl.when(s < NS - 1)
        def _():
            pltpu.sync_copy(out_stage.at[pl.ds(0, _CB)],
                            o.at[pl.ds(s * _CB, _CB)])

        @pl.when(s == NS - 1)
        def _():
            pltpu.sync_copy(out_stage.at[pl.ds(0, N - (NS - 1) * _CB)],
                            o.at[pl.ds((NS - 1) * _CB, N - (NS - 1) * _CB)])

    @pl.when(c == 0)
    def _():
        write(cnt0)

    @pl.when(c == 1)
    def _():
        write(cnt1)


_count = pl.kernel(
    _count_body,
    out_type=[jax.ShapeDtypeStruct((N, _L), jnp.float32),
              jax.ShapeDtypeStruct((N, _L), jnp.float32)],
    mesh=plsc.VectorSubcoreMesh(core_axis_name="c", subcore_axis_name="s"),
    compiler_params=pltpu.CompilerParams(needs_layout_passes=False),
    scratch_types=[
        pltpu.VMEM_SHARED((NS, _NPAD), jnp.float32),
        pltpu.VMEM((EPT,), jnp.int32),
        pltpu.VMEM((_NPAD,), jnp.float32),
        pltpu.VMEM((NS, _CB), jnp.float32),
        pltpu.VMEM((_CB, _L), jnp.float32),
    ])


_BLK = 1000
_row_spec = pl.BlockSpec((_BLK, D), lambda i: (i, 0))
_cnt_spec = pl.BlockSpec((_BLK, _L), lambda i: (i, 0))
_w_spec = pl.BlockSpec((D, D), lambda i: (0, 0))
_b_spec = pl.BlockSpec((1, D), lambda i: (0, 0))


def _densew_body(h, wr, b, o):
    o[...] = (jnp.dot(h[...], wr[...], preferred_element_type=jnp.float32)
              + b[...])


def _densew(h, wrt, b2d):
    return pl.pallas_call(
        _densew_body,
        grid=(N // _BLK,),
        in_specs=[_row_spec, _w_spec, _b_spec],
        out_specs=_row_spec,
        out_shape=jax.ShapeDtypeStruct((N, D), jnp.float32),
    )(h, wrt, b2d)


def _densec_body(relu, p0, p1, c0, c1, hr, wl, o):
    cnt = c0[:, 0:1] + c1[:, 0:1]
    inv = 1.0 / jnp.maximum(cnt, 1.0)
    agg = (p0[...] + p1[...]) * inv
    out = jnp.dot(agg, wl[...], preferred_element_type=jnp.float32) + hr[...]
    o[...] = jnp.maximum(out, 0.0) if relu else out


def _densec(p0, p1, c0, c1, hr, wlt, relu):
    return pl.pallas_call(
        functools.partial(_densec_body, relu),
        grid=(N // _BLK,),
        in_specs=[_row_spec, _row_spec, _cnt_spec, _cnt_spec, _row_spec,
                  _w_spec],
        out_specs=_row_spec,
        out_shape=jax.ShapeDtypeStruct((N, D), jnp.float32),
    )(p0, p1, c0, c1, hr, wlt)


def kernel(x, e, Wl1, Wr1, b1, Wl2, Wr2, b2, Wl3, Wr3, b3):
    src2d = e[0].reshape(NC * NS, EPT)
    dst2d = e[1].reshape(NC * NS, KC, CH)
    dst1d = e[1].reshape(NC * NS, EPT)
    zeros = jnp.zeros((N, D), jnp.float32)
    zerosp = jnp.zeros((_NPAD,), jnp.float32)

    hr1 = _densew(x, Wr1.T, b1.reshape(1, D))
    c0, c1 = _count(dst1d, zerosp)
    p0, p1 = _agg_plain(x, src2d, dst2d, zeros)
    h1 = _densec(p0, p1, c0, c1, hr1, Wl1.T, True)
    hr2 = _densew(h1, Wr2.T, b2.reshape(1, D))
    p0, p1 = _agg_plain(h1, src2d, dst2d, zeros)
    h2 = _densec(p0, p1, c0, c1, hr2, Wl2.T, True)
    hr3 = _densew(h2, Wr3.T, b3.reshape(1, D))
    p0, p1 = _agg_plain(h2, src2d, dst2d, zeros)
    return _densec(p0, p1, c0, c1, hr3, Wl3.T, False)

# --- scband reference (transcript-rebuilt; emitter-appended) ---
"""Pipeline reference for scband-graph-encoder-14937896255717 (READ-ONLY COPY).

The authoritative reference and input builder live on the scoring server;
editing this copy changes nothing except your own understanding.
"""

import jax, jax.numpy as jnp
import numpy as np

N = 10000
E = 320000
D_IN = 128
HID = 128
D_OUT = 128


def setup_inputs(seed: int = 0) -> dict:
    key = jax.random.key(seed)
    ks = jax.random.split(key, 12)
    x = jax.random.normal(ks[0], (N, D_IN), dtype=jnp.float32)
    e = jax.random.randint(ks[1], (2, E), 0, N, dtype=jnp.int32)
    def lin(k, fan_in, fan_out):
        return jax.random.normal(k, (fan_out, fan_in), dtype=jnp.float32) * (1.0 / np.sqrt(fan_in))
    return {
        'x': x,
        'e': e,
        'Wl1': lin(ks[2], D_IN, HID), 'Wr1': lin(ks[3], D_IN, HID), 'b1': jnp.zeros((HID,), jnp.float32),
        'Wl2': lin(ks[4], HID, HID), 'Wr2': lin(ks[5], HID, HID), 'b2': jnp.zeros((HID,), jnp.float32),
        'Wl3': lin(ks[6], HID, D_OUT), 'Wr3': lin(ks[7], HID, D_OUT), 'b3': jnp.zeros((D_OUT,), jnp.float32),
    }


def _sage_conv(x, src, dst, Wl, Wr, b):
    # PyG SAGEConv (aggr='mean', root_weight=True): out = lin_l(mean_j x_j) + lin_r(x) + b
    msg = jnp.take(x, src, axis=0)                       # gather over E edges
    summed = jax.ops.segment_sum(msg, dst, num_segments=N)  # scatter-add
    cnt = jax.ops.segment_sum(jnp.ones((msg.shape[0],), jnp.float32), dst, num_segments=N)
    agg = summed / jnp.clip(cnt, 1.0, None)[:, None]
    return agg @ Wl.T + x @ Wr.T + b


def reference(x, e, Wl1, Wr1, b1, Wl2, Wr2, b2, Wl3, Wr3, b3):
    src, dst = e[0], e[1]
    h = jax.nn.relu(_sage_conv(x, src, dst, Wl1, Wr1, b1))
    h = jax.nn.relu(_sage_conv(h, src, dst, Wl2, Wr2, b2))
    return _sage_conv(h, src, dst, Wl3, Wr3, b3)

if __name__ == "__main__":
    import jax
    _d = setup_inputs()
    print(jax.jit(kernel)(*tuple(_d.values())))

</pallas_src>

<mosaic_0001>
#map = affine_map<(d0, d1) -> (0, 0)>
#map1 = affine_map<(d0, d1) -> (0, 0, 0)>
module attributes {stable_mosaic.version = 14 : i64} {
  func.func @_agg_body(%arg0: i32, %arg1: i32, %arg2: memref<10000x128xf32, #tpu.memory_space<hbm>>, %arg3: memref<32x10000xi32, #tpu.memory_space<hbm>>, %arg4: memref<32x125x80xi32, #tpu.memory_space<hbm>>, %arg5: memref<10000x128xf32, #tpu.memory_space<hbm>>, %arg6: memref<10000x128xf32, #tpu.memory_space<hbm>>, %arg7: memref<10000x128xf32, #tpu.memory_space<hbm>>, %arg8: memref<10000x128xf32, #tpu.memory_space<vmem_shared>>, %arg9: memref<10000xi32, #tpu.memory_space<vmem>>, %arg10: memref<125x80xi32, #tpu.memory_space<vmem>>, %arg11: memref<80x128xf32, #tpu.memory_space<vmem>>, %arg12: memref<80x128xf32, #tpu.memory_space<vmem>>, %arg13: memref<!tpu.dma_semaphore, #tpu.memory_space<semaphore_mem>>, %arg14: memref<!tpu.dma_semaphore, #tpu.memory_space<semaphore_mem>>) attributes {dimension_semantics = [#tpu.dimension_semantics<core_parallel>, #tpu.dimension_semantics<subcore_parallel>], iteration_bounds = array<i64: 2, 16>, scalar_prefetch = 0 : i64, scratch_operands = 7 : i64, tpu.core_type = #tpu.core_type<sc_vector_subcore>, window_params = [{transform_indices = #map}, {transform_indices = #map}, {transform_indices = #map1}, {transform_indices = #map}, {transform_indices = #map}, {transform_indices = #map}]} {
    %mul3A = arith.constant 624 : i32
    %mul3A_0 = arith.muli %arg1, %mul3A : i32
    %dma_start3A = arith.constant 0 : i32
    %dma_start3A_1 = tpu.memref_slice %arg8[%mul3A_0, %dma_start3A] : memref<10000x128xf32, #tpu.memory_space<vmem_shared>> -> memref<624x128xf32, #tpu.memory_space<vmem_shared>>
    %dma_start3A_2 = arith.constant 0 : i32
    %dma_start3A_3 = tpu.memref_slice %arg5[%mul3A_0, %dma_start3A_2] : memref<10000x128xf32, #tpu.memory_space<hbm>> -> memref<624x128xf32, #tpu.memory_space<hbm>>
    tpu.enqueue_dma source(%dma_start3A_3 : memref<624x128xf32, #tpu.memory_space<hbm>>) target(%dma_start3A_1 : memref<624x128xf32, #tpu.memory_space<vmem_shared>>) target_semaphore(%arg14 : memref<!tpu.dma_semaphore, #tpu.memory_space<semaphore_mem>>)
    %eq3A = arith.constant 15 : i32
    %eq3A_4 = arith.cmpi eq, %arg1, %eq3A : i32
    %convert_element_type3A = arith.extui %eq3A_4 : i1 to i32
    %cond3A = arith.constant 0 : i32
    %cond3A_5 = arith.cmpi ne, %convert_element_type3A, %cond3A : i32
    scf.if %cond3A_5 {
      %dma_start3A_42 = arith.constant 9984 : i32
      %dma_start3A_43 = arith.constant 0 : i32
      %dma_start3A_44 = tpu.memref_slice %arg8[%dma_start3A_42, %dma_start3A_43] : memref<10000x128xf32, #tpu.memory_space<vmem_shared>> -> memref<16x128xf32, #tpu.memory_space<vmem_shared>>
      %dma_start3A_45 = arith.constant 9984 : i32
      %dma_start3A_46 = arith.constant 0 : i32
      %dma_start3A_47 = tpu.memref_slice %arg5[%dma_start3A_45, %dma_start3A_46] : memref<10000x128xf32, #tpu.memory_space<hbm>> -> memref<16x128xf32, #tpu.memory_space<hbm>>
      tpu.enqueue_dma source(%dma_start3A_47 : memref<16x128xf32, #tpu.memory_space<hbm>>) target(%dma_start3A_44 : memref<16x128xf32, #tpu.memory_space<vmem_shared>>) target_semaphore(%arg14 : memref<!tpu.dma_semaphore, #tpu.memory_space<semaphore_mem>>)
    } else {
    }
    %mul3A_6 = arith.constant 16 : i32
    %mul3A_7 = arith.muli %arg0, %mul3A_6 : i32
    %add3A = arith.addi %mul3A_7, %arg1 : i32
    "tpu.region"() ({
      %run_scoped3A_42 = tpu.sem_alloc : memref<!tpu.dma_semaphore, #tpu.memory_space<semaphore_mem>>
      %dma_start3A_43 = arith.constant 0 : i32
      %dma_start3A_44 = tpu.memref_slice %arg3[%add3A, %dma_start3A_43] : memref<32x10000xi32, #tpu.memory_space<hbm>> -> memref<1x10000xi32, #tpu.memory_space<hbm>>
      %dma_start3A_45 = tpu.memref_squeeze %dma_start3A_44 : memref<1x10000xi32, #tpu.memory_space<hbm>> -> memref<10000xi32, #tpu.memory_space<hbm>>
      %dma_start3A_46 = arith.constant 0 : i32
      %dma_start3A_47 = tpu.memref_slice %arg3[%add3A, %dma_start3A_46] : memref<32x10000xi32, #tpu.memory_space<hbm>> -> memref<1x10000xi32, #tpu.memory_space<hbm>>
      %dma_start3A_48 = tpu.memref_squeeze %dma_start3A_47 : memref<1x10000xi32, #tpu.memory_space<hbm>> -> memref<10000xi32, #tpu.memory_space<hbm>>
      tpu.enqueue_dma source(%dma_start3A_48 : memref<10000xi32, #tpu.memory_space<hbm>>) target(%arg9 : memref<10000xi32, #tpu.memory_space<vmem>>) target_semaphore(%run_scoped3A_42 : memref<!tpu.dma_semaphore, #tpu.memory_space<semaphore_mem>>)
      %dma_wait3A_49 = arith.constant 0 : i32
      %dma_wait3A_50 = tpu.memref_slice %arg3[%add3A, %dma_wait3A_49] : memref<32x10000xi32, #tpu.memory_space<hbm>> -> memref<1x10000xi32, #tpu.memory_space<hbm>>
      %dma_wait3A_51 = tpu.memref_squeeze %dma_wait3A_50 : memref<1x10000xi32, #tpu.memory_space<hbm>> -> memref<10000xi32, #tpu.memory_space<hbm>>
      %dma_wait3A_52 = arith.constant 0 : i32
      %dma_wait3A_53 = tpu.memref_slice %arg3[%add3A, %dma_wait3A_52] : memref<32x10000xi32, #tpu.memory_space<hbm>> -> memref<1x10000xi32, #tpu.memory_space<hbm>>
      %dma_wait3A_54 = tpu.memref_squeeze %dma_wait3A_53 : memref<1x10000xi32, #tpu.memory_space<hbm>> -> memref<10000xi32, #tpu.memory_space<hbm>>
      tpu.wait_dma2 semaphore(%run_scoped3A_42 : memref<!tpu.dma_semaphore, #tpu.memory_space<semaphore_mem>>) src(%dma_wait3A_54 : memref<10000xi32, #tpu.memory_space<hbm>>) dst(%arg9 : memref<10000xi32, #tpu.memory_space<vmem>>)
      tpu.yield
    }) : () -> ()
    %dma_start3A_8 = arith.constant 0 : i32
    %dma_start3A_9 = tpu.memref_slice %arg9[%dma_start3A_8] : memref<10000xi32, #tpu.memory_space<vmem>> -> memref<80xi32, #tpu.memory_space<vmem>>
    %dma_start3A_10 = arith.constant 0 : i32
    %dma_start3A_11 = arith.constant 0 : i32
    %dma_start3A_12 = tpu.memref_slice %arg2[%dma_start3A_10, %dma_start3A_11] : memref<10000x128xf32, #tpu.memory_space<hbm>> -> memref<10000x128xf32, #tpu.memory_space<hbm>>
    tpu.enqueue_indirect_dma source(%dma_start3A_12 : memref<10000x128xf32, #tpu.memory_space<hbm>>) target(%arg11 : memref<80x128xf32, #tpu.memory_space<vmem>>) offsets(%dma_start3A_9 : memref<80xi32, #tpu.memory_space<vmem>>) semaphore(%arg13 : memref<!tpu.dma_semaphore, #tpu.memory_space<semaphore_mem>>)
    "tpu.region"() ({
      %run_scoped3A_42 = tpu.sem_alloc : memref<!tpu.dma_semaphore, #tpu.memory_space<semaphore_mem>>
      %dma_start3A_43 = arith.constant 0 : i32
      %dma_start3A_44 = arith.constant 0 : i32
      %dma_start3A_45 = tpu.memref_slice %arg4[%add3A, %dma_start3A_43, %dma_start3A_44] : memref<32x125x80xi32, #tpu.memory_space<hbm>> -> memref<1x125x80xi32, #tpu.memory_space<hbm>>
      %dma_start3A_46 = tpu.memref_squeeze %dma_start3A_45 : memref<1x125x80xi32, #tpu.memory_space<hbm>> -> memref<125x80xi32, #tpu.memory_space<hbm>>
      %dma_start3A_47 = arith.constant 0 : i32
      %dma_start3A_48 = arith.constant 0 : i32
      %dma_start3A_49 = tpu.memref_slice %arg4[%add3A, %dma_start3A_47, %dma_start3A_48] : memref<32x125x80xi32, #tpu.memory_space<hbm>> -> memref<1x125x80xi32, #tpu.memory_space<hbm>>
      %dma_start3A_50 = tpu.memref_squeeze %dma_start3A_49 : memref<1x125x80xi32, #tpu.memory_space<hbm>> -> memref<125x80xi32, #tpu.memory_space<hbm>>
      tpu.enqueue_dma source(%dma_start3A_50 : memref<125x80xi32, #tpu.memory_space<hbm>>) target(%arg10 : memref<125x80xi32, #tpu.memory_space<vmem>>) target_semaphore(%run_scoped3A_42 : memref<!tpu.dma_semaphore, #tpu.memory_space<semaphore_mem>>)
      %dma_wait3A_51 = arith.constant 0 : i32
      %dma_wait3A_52 = arith.constant 0 : i32
      %dma_wait3A_53 = tpu.memref_slice %arg4[%add3A, %dma_wait3A_51, %dma_wait3A_52] : memref<32x125x80xi32, #tpu.memory_space<hbm>> -> memref<1x125x80xi32, #tpu.memory_space<hbm>>
      %dma_wait3A_54 = tpu.memref_squeeze %dma_wait3A_53 : memref<1x125x80xi32, #tpu.memory_space<hbm>> -> memref<125x80xi32, #tpu.memory_space<hbm>>
      %dma_wait3A_55 = arith.constant 0 : i32
      %dma_wait3A_56 = arith.constant 0 : i32
      %dma_wait3A_57 = tpu.memref_slice %arg4[%add3A, %dma_wait3A_55, %dma_wait3A_56] : memref<32x125x80xi32, #tpu.memory_space<hbm>> -> memref<1x125x80xi32, #tpu.memory_space<hbm>>
      %dma_wait3A_58 = tpu.memref_squeeze %dma_wait3A_57 : memref<1x125x80xi32, #tpu.memory_space<hbm>> -> memref<125x80xi32, #tpu.memory_space<hbm>>
      tpu.wait_dma2 semaphore(%run_scoped3A_42 : memref<!tpu.dma_semaphore, #tpu.memory_space<semaphore_mem>>) src(%dma_wait3A_58 : memref<125x80xi32, #tpu.memory_space<hbm>>) dst(%arg10 : memref<125x80xi32, #tpu.memory_space<vmem>>)
      tpu.yield
    }) : () -> ()
    %dma_wait3A = arith.constant 0 : i32
    %dma_wait3A_13 = tpu.memref_slice %arg8[%mul3A_0, %dma_wait3A] : memref<10000x128xf32, #tpu.memory_space<vmem_shared>> -> memref<624x128xf32, #tpu.memory_space<vmem_shared>>
    %dma_wait3A_14 = arith.constant 0 : i32
    %dma_wait3A_15 = tpu.memref_slice %arg5[%mul3A_0, %dma_wait3A_14] : memref<10000x128xf32, #tpu.memory_space<hbm>> -> memref<624x128xf32, #tpu.memory_space<hbm>>
    tpu.wait_dma2 semaphore(%arg14 : memref<!tpu.dma_semaphore, #tpu.memory_space<semaphore_mem>>) src(%dma_wait3A_15 : memref<624x128xf32, #tpu.memory_space<hbm>>) dst(%dma_wait3A_13 : memref<624x128xf32, #tpu.memory_space<vmem_shared>>)
    %eq3A_16 = arith.constant 15 : i32
    %eq3A_17 = arith.cmpi eq, %arg1, %eq3A_16 : i32
    %convert_element_type3A_18 = arith.extui %eq3A_17 : i1 to i32
    %cond3A_19 = arith.constant 0 : i32
    %cond3A_20 = arith.cmpi ne, %convert_element_type3A_18, %cond3A_19 : i32
    scf.if %cond3A_20 {
      %dma_wait3A_42 = arith.constant 9984 : i32
      %dma_wait3A_43 = arith.constant 0 : i32
      %dma_wait3A_44 = tpu.memref_slice %arg8[%dma_wait3A_42, %dma_wait3A_43] : memref<10000x128xf32, #tpu.memory_space<vmem_shared>> -> memref<16x128xf32, #tpu.memory_space<vmem_shared>>
      %dma_wait3A_45 = arith.constant 9984 : i32
      %dma_wait3A_46 = arith.constant 0 : i32
      %dma_wait3A_47 = tpu.memref_slice %arg5[%dma_wait3A_45, %dma_wait3A_46] : memref<10000x128xf32, #tpu.memory_space<hbm>> -> memref<16x128xf32, #tpu.memory_space<hbm>>
      tpu.wait_dma2 semaphore(%arg14 : memref<!tpu.dma_semaphore, #tpu.memory_space<semaphore_mem>>) src(%dma_wait3A_47 : memref<16x128xf32, #tpu.memory_space<hbm>>) dst(%dma_wait3A_44 : memref<16x128xf32, #tpu.memory_space<vmem_shared>>)
    } else {
    }
    %barrier3A = arith.constant 0 : index
    tpu.barrier barrier_id(%barrier3A)
    %scan3A = arith.constant 0 : i32
    %scan3A_21 = arith.constant 0 : i32
    %scan3A_22 = arith.constant 62 : i32
    %scan3A_23 = arith.addi %scan3A_21, %scan3A_22 : i32
    %scan3A_24 = arith.constant 1 : i32
    scf.for %scan3A_42 = %scan3A_21 to %scan3A_23 step %scan3A_24  : i32 {
      %mul3A_43 = arith.constant 2 : i32
      %mul3A_44 = arith.muli %mul3A_43, %scan3A_42 : i32
      %add3A_45 = arith.constant 1 : i32
      %add3A_46 = arith.addi %mul3A_44, %add3A_45 : i32
      %mul3A_47 = arith.constant 80 : i32
      %mul3A_48 = arith.muli %add3A_46, %mul3A_47 : i32
      %dma_start3A_49 = tpu.memref_slice %arg9[%mul3A_48] : memref<10000xi32, #tpu.memory_space<vmem>> -> memref<80xi32, #tpu.memory_space<vmem>>
      %dma_start3A_50 = arith.constant 0 : i32
      %dma_start3A_51 = arith.constant 0 : i32
      %dma_start3A_52 = tpu.memref_slice %arg2[%dma_start3A_50, %dma_start3A_51] : memref<10000x128xf32, #tpu.memory_space<hbm>> -> memref<10000x128xf32, #tpu.memory_space<hbm>>
      tpu.enqueue_indirect_dma source(%dma_start3A_52 : memref<10000x128xf32, #tpu.memory_space<hbm>>) target(%arg12 : memref<80x128xf32, #tpu.memory_space<vmem>>) offsets(%dma_start3A_49 : memref<80xi32, #tpu.memory_space<vmem>>) semaphore(%arg14 : memref<!tpu.dma_semaphore, #tpu.memory_space<semaphore_mem>>)
      %mul3A_53 = arith.constant 80 : i32
      %mul3A_54 = arith.muli %mul3A_44, %mul3A_53 : i32
      %dma_wait3A_55 = tpu.memref_slice %arg9[%mul3A_54] : memref<10000xi32, #tpu.memory_space<vmem>> -> memref<80xi32, #tpu.memory_space<vmem>>
      %dma_wait3A_56 = arith.constant 0 : i32
      %dma_wait3A_57 = arith.constant 0 : i32
      %dma_wait3A_58 = tpu.memref_slice %arg2[%dma_wait3A_56, %dma_wait3A_57] : memref<10000x128xf32, #tpu.memory_space<hbm>> -> memref<10000x128xf32, #tpu.memory_space<hbm>>
      tpu.wait_indirect_dma semaphore(%arg13 : memref<!tpu.dma_semaphore, #tpu.memory_space<semaphore_mem>>) src(%dma_wait3A_58 : memref<10000x128xf32, #tpu.memory_space<hbm>>) dst(%arg11 : memref<80x128xf32, #tpu.memory_space<vmem>>)
      "tpu.region"() ({
        %run_scoped3A_73 = tpu.sem_alloc : memref<!tpu.dma_semaphore, #tpu.memory_space<semaphore_mem>>
        %dma_start3A_74 = arith.constant 0 : i32
        %dma_start3A_75 = tpu.memref_slice %arg10[%mul3A_44, %dma_start3A_74] : memref<125x80xi32, #tpu.memory_space<vmem>> -> memref<1x80xi32, #tpu.memory_space<vmem>>
        %dma_start3A_76 = tpu.memref_squeeze %dma_start3A_75 : memref<1x80xi32, #tpu.memory_space<vmem>> -> memref<80xi32, #tpu.memory_space<vmem>>
        %dma_start3A_77 = arith.constant 0 : i32
        %dma_start3A_78 = arith.constant 0 : i32
        %dma_start3A_79 = tpu.memref_slice %arg8[%dma_start3A_77, %dma_start3A_78] : memref<10000x128xf32, #tpu.memory_space<vmem_shared>> -> memref<10000x128xf32, #tpu.memory_space<vmem_shared>>
        tpu.enqueue_indirect_dma source(%arg11 : memref<80x128xf32, #tpu.memory_space<vmem>>) target(%dma_start3A_79 : memref<10000x128xf32, #tpu.memory_space<vmem_shared>>) offsets(%dma_start3A_76 : memref<80xi32, #tpu.memory_space<vmem>>) semaphore(%run_scoped3A_73 : memref<!tpu.dma_semaphore, #tpu.memory_space<semaphore_mem>>) {add = true}
        %dma_wait3A_80 = arith.constant 0 : i32
        %dma_wait3A_81 = tpu.memref_slice %arg10[%mul3A_44, %dma_wait3A_80] : memref<125x80xi32, #tpu.memory_space<vmem>> -> memref<1x80xi32, #tpu.memory_space<vmem>>
        %dma_wait3A_82 = tpu.memref_squeeze %dma_wait3A_81 : memref<1x80xi32, #tpu.memory_space<vmem>> -> memref<80xi32, #tpu.memory_space<vmem>>
        %dma_wait3A_83 = arith.constant 0 : i32
        %dma_wait3A_84 = arith.constant 0 : i32
        %dma_wait3A_85 = tpu.memref_slice %arg8[%dma_wait3A_83, %dma_wait3A_84] : memref<10000x128xf32, #tpu.memory_space<vmem_shared>> -> memref<10000x128xf32, #tpu.memory_space<vmem_shared>>
        tpu.wait_indirect_dma semaphore(%run_scoped3A_73 : memref<!tpu.dma_semaphore, #tpu.memory_space<semaphore_mem>>) src(%arg11 : memref<80x128xf32, #tpu.memory_space<vmem>>) dst(%dma_wait3A_85 : memref<10000x128xf32, #tpu.memory_space<vmem_shared>>)
        tpu.yield
      }) : () -> ()
      %add3A_59 = arith.constant 2 : i32
      %add3A_60 = arith.addi %mul3A_44, %add3A_59 : i32
      %lt3A = arith.constant 125 : i32
      %lt3A_61 = arith.cmpi slt, %add3A_60, %lt3A : i32
      %convert_element_type3A_62 = arith.extui %lt3A_61 : i1 to i32
      %cond3A_63 = arith.constant 0 : i32
      %cond3A_64 = arith.cmpi ne, %convert_element_type3A_62, %cond3A_63 : i32
      scf.if %cond3A_64 {
        %add3A_73 = arith.constant 2 : i32
        %add3A_74 = arith.addi %mul3A_44, %add3A_73 : i32
        %mul3A_75 = arith.constant 80 : i32
        %mul3A_76 = arith.muli %add3A_74, %mul3A_75 : i32
        %dma_start3A_77 = tpu.memref_slice %arg9[%mul3A_76] : memref<10000xi32, #tpu.memory_space<vmem>> -> memref<80xi32, #tpu.memory_space<vmem>>
        %dma_start3A_78 = arith.constant 0 : i32
        %dma_start3A_79 = arith.constant 0 : i32
        %dma_start3A_80 = tpu.memref_slice %arg2[%dma_start3A_78, %dma_start3A_79] : memref<10000x128xf32, #tpu.memory_space<hbm>> -> memref<10000x128xf32, #tpu.memory_space<hbm>>
        tpu.enqueue_indirect_dma source(%dma_start3A_80 : memref<10000x128xf32, #tpu.memory_space<hbm>>) target(%arg11 : memref<80x128xf32, #tpu.memory_space<vmem>>) offsets(%dma_start3A_77 : memref<80xi32, #tpu.memory_space<vmem>>) semaphore(%arg13 : memref<!tpu.dma_semaphore, #tpu.memory_space<semaphore_mem>>)
      } else {
      }
      %add3A_65 = arith.constant 1 : i32
      %add3A_66 = arith.addi %mul3A_44, %add3A_65 : i32
      %mul3A_67 = arith.constant 80 : i32
      %mul3A_68 = arith.muli %add3A_66, %mul3A_67 : i32
      %dma_wait3A_69 = tpu.memref_slice %arg9[%mul3A_68] : memref<10000xi32, #tpu.memory_space<vmem>> -> memref<80xi32, #tpu.memory_space<vmem>>
      %dma_wait3A_70 = arith.constant 0 : i32
      %dma_wait3A_71 = arith.constant 0 : i32
      %dma_wait3A_72 = tpu.memref_slice %arg2[%dma_wait3A_70, %dma_wait3A_71] : memref<10000x128xf32, #tpu.memory_space<hbm>> -> memref<10000x128xf32, #tpu.memory_space<hbm>>
      tpu.wait_indirect_dma semaphore(%arg14 : memref<!tpu.dma_semaphore, #tpu.memory_space<semaphore_mem>>) src(%dma_wait3A_72 : memref<10000x128xf32, #tpu.memory_space<hbm>>) dst(%arg12 : memref<80x128xf32, #tpu.memory_space<vmem>>)
      "tpu.region"() ({
        %run_scoped3A_73 = tpu.sem_alloc : memref<!tpu.dma_semaphore, #tpu.memory_space<semaphore_mem>>
        %dma_start3A_74 = arith.constant 0 : i32
        %dma_start3A_75 = tpu.memref_slice %arg10[%add3A_66, %dma_start3A_74] : memref<125x80xi32, #tpu.memory_space<vmem>> -> memref<1x80xi32, #tpu.memory_space<vmem>>
        %dma_start3A_76 = tpu.memref_squeeze %dma_start3A_75 : memref<1x80xi32, #tpu.memory_space<vmem>> -> memref<80xi32, #tpu.memory_space<vmem>>
        %dma_start3A_77 = arith.constant 0 : i32
        %dma_start3A_78 = arith.constant 0 : i32
        %dma_start3A_79 = tpu.memref_slice %arg8[%dma_start3A_77, %dma_start3A_78] : memref<10000x128xf32, #tpu.memory_space<vmem_shared>> -> memref<10000x128xf32, #tpu.memory_space<vmem_shared>>
        tpu.enqueue_indirect_dma source(%arg12 : memref<80x128xf32, #tpu.memory_space<vmem>>) target(%dma_start3A_79 : memref<10000x128xf32, #tpu.memory_space<vmem_shared>>) offsets(%dma_start3A_76 : memref<80xi32, #tpu.memory_space<vmem>>) semaphore(%run_scoped3A_73 : memref<!tpu.dma_semaphore, #tpu.memory_space<semaphore_mem>>) {add = true}
        %dma_wait3A_80 = arith.constant 0 : i32
        %dma_wait3A_81 = tpu.memref_slice %arg10[%add3A_66, %dma_wait3A_80] : memref<125x80xi32, #tpu.memory_space<vmem>> -> memref<1x80xi32, #tpu.memory_space<vmem>>
        %dma_wait3A_82 = tpu.memref_squeeze %dma_wait3A_81 : memref<1x80xi32, #tpu.memory_space<vmem>> -> memref<80xi32, #tpu.memory_space<vmem>>
        %dma_wait3A_83 = arith.constant 0 : i32
        %dma_wait3A_84 = arith.constant 0 : i32
        %dma_wait3A_85 = tpu.memref_slice %arg8[%dma_wait3A_83, %dma_wait3A_84] : memref<10000x128xf32, #tpu.memory_space<vmem_shared>> -> memref<10000x128xf32, #tpu.memory_space<vmem_shared>>
        tpu.wait_indirect_dma semaphore(%run_scoped3A_73 : memref<!tpu.dma_semaphore, #tpu.memory_space<semaphore_mem>>) src(%arg12 : memref<80x128xf32, #tpu.memory_space<vmem>>) dst(%dma_wait3A_85 : memref<10000x128xf32, #tpu.memory_space<vmem_shared>>)
        tpu.yield
      }) : () -> ()
    }
    %scan3A_25 = arith.constant 62 : i32
    %dma_wait3A_26 = arith.constant 9920 : i32
    %dma_wait3A_27 = tpu.memref_slice %arg9[%dma_wait3A_26] : memref<10000xi32, #tpu.memory_space<vmem>> -> memref<80xi32, #tpu.memory_space<vmem>>
    %dma_wait3A_28 = arith.constant 0 : i32
    %dma_wait3A_29 = arith.constant 0 : i32
    %dma_wait3A_30 = tpu.memref_slice %arg2[%dma_wait3A_28, %dma_wait3A_29] : memref<10000x128xf32, #tpu.memory_space<hbm>> -> memref<10000x128xf32, #tpu.memory_space<hbm>>
    tpu.wait_indirect_dma semaphore(%arg13 : memref<!tpu.dma_semaphore, #tpu.memory_space<semaphore_mem>>) src(%dma_wait3A_30 : memref<10000x128xf32, #tpu.memory_space<hbm>>) dst(%arg11 : memref<80x128xf32, #tpu.memory_space<vmem>>)
    %run_scoped3A = arith.constant 124 : i32
    "tpu.region"() ({
      %run_scoped3A_42 = tpu.sem_alloc : memref<!tpu.dma_semaphore, #tpu.memory_space<semaphore_mem>>
      %dma_start3A_43 = arith.constant 0 : i32
      %dma_start3A_44 = tpu.memref_slice %arg10[%run_scoped3A, %dma_start3A_43] : memref<125x80xi32, #tpu.memory_space<vmem>> -> memref<1x80xi32, #tpu.memory_space<vmem>>
      %dma_start3A_45 = tpu.memref_squeeze %dma_start3A_44 : memref<1x80xi32, #tpu.memory_space<vmem>> -> memref<80xi32, #tpu.memory_space<vmem>>
      %dma_start3A_46 = arith.constant 0 : i32
      %dma_start3A_47 = arith.constant 0 : i32
      %dma_start3A_48 = tpu.memref_slice %arg8[%dma_start3A_46, %dma_start3A_47] : memref<10000x128xf32, #tpu.memory_space<vmem_shared>> -> memref<10000x128xf32, #tpu.memory_space<vmem_shared>>
      tpu.enqueue_indirect_dma source(%arg11 : memref<80x128xf32, #tpu.memory_space<vmem>>) target(%dma_start3A_48 : memref<10000x128xf32, #tpu.memory_space<vmem_shared>>) offsets(%dma_start3A_45 : memref<80xi32, #tpu.memory_space<vmem>>) semaphore(%run_scoped3A_42 : memref<!tpu.dma_semaphore, #tpu.memory_space<semaphore_mem>>) {add = true}
      %dma_wait3A_49 = arith.constant 0 : i32
      %dma_wait3A_50 = tpu.memref_slice %arg10[%run_scoped3A, %dma_wait3A_49] : memref<125x80xi32, #tpu.memory_space<vmem>> -> memref<1x80xi32, #tpu.memory_space<vmem>>
      %dma_wait3A_51 = tpu.memref_squeeze %dma_wait3A_50 : memref<1x80xi32, #tpu.memory_space<vmem>> -> memref<80xi32, #tpu.memory_space<vmem>>
      %dma_wait3A_52 = arith.constant 0 : i32
      %dma_wait3A_53 = arith.constant 0 : i32
      %dma_wait3A_54 = tpu.memref_slice %arg8[%dma_wait3A_52, %dma_wait3A_53] : memref<10000x128xf32, #tpu.memory_space<vmem_shared>> -> memref<10000x128xf32, #tpu.memory_space<vmem_shared>>
      tpu.wait_indirect_dma semaphore(%run_scoped3A_42 : memref<!tpu.dma_semaphore, #tpu.memory_space<semaphore_mem>>) src(%arg11 : memref<80x128xf32, #tpu.memory_space<vmem>>) dst(%dma_wait3A_54 : memref<10000x128xf32, #tpu.memory_space<vmem_shared>>)
      tpu.yield
    }) : () -> ()
    %barrier3A_31 = arith.constant 0 : index
    tpu.barrier barrier_id(%barrier3A_31)
    %eq3A_32 = arith.constant 0 : i32
    %eq3A_33 = arith.cmpi eq, %arg0, %eq3A_32 : i32
    %convert_element_type3A_34 = arith.extui %eq3A_33 : i1 to i32
    %cond3A_35 = arith.constant 0 : i32
    %cond3A_36 = arith.cmpi ne, %convert_element_type3A_34, %cond3A_35 : i32
    scf.if %cond3A_36 {
      %mul3A_42 = arith.constant 624 : i32
      %mul3A_43 = arith.muli %arg1, %mul3A_42 : i32
      "tpu.region"() ({
        %run_scoped3A_49 = tpu.sem_alloc : memref<!tpu.dma_semaphore, #tpu.memory_space<semaphore_mem>>
        %dma_start3A_50 = arith.constant 0 : i32
        %dma_start3A_51 = tpu.memref_slice %arg6[%mul3A_43, %dma_start3A_50] : memref<10000x128xf32, #tpu.memory_space<hbm>> -> memref<624x128xf32, #tpu.memory_space<hbm>>
        %dma_start3A_52 = arith.constant 0 : i32
        %dma_start3A_53 = tpu.memref_slice %arg8[%mul3A_43, %dma_start3A_52] : memref<10000x128xf32, #tpu.memory_space<vmem_shared>> -> memref<624x128xf32, #tpu.memory_space<vmem_shared>>
        tpu.enqueue_dma source(%dma_start3A_53 : memref<624x128xf32, #tpu.memory_space<vmem_shared>>) target(%dma_start3A_51 : memref<624x128xf32, #tpu.memory_space<hbm>>) target_semaphore(%run_scoped3A_49 : memref<!tpu.dma_semaphore, #tpu.memory_space<semaphore_mem>>)
        %dma_wait3A_54 = arith.constant 0 : i32
        %dma_wait3A_55 = tpu.memref_slice %arg6[%mul3A_43, %dma_wait3A_54] : memref<10000x128xf32, #tpu.memory_space<hbm>> -> memref<624x128xf32, #tpu.memory_space<hbm>>
        %dma_wait3A_56 = arith.constant 0 : i32
        %dma_wait3A_57 = tpu.memref_slice %arg8[%mul3A_43, %dma_wait3A_56] : memref<10000x128xf32, #tpu.memory_space<vmem_shared>> -> memref<624x128xf32, #tpu.memory_space<vmem_shared>>
        tpu.wait_dma2 semaphore(%run_scoped3A_49 : memref<!tpu.dma_semaphore, #tpu.memory_space<semaphore_mem>>) src(%dma_wait3A_57 : memref<624x128xf32, #tpu.memory_space<vmem_shared>>) dst(%dma_wait3A_55 : memref<624x128xf32, #tpu.memory_space<hbm>>)
        tpu.yield
      }) : () -> ()
      %eq3A_44 = arith.constant 15 : i32
      %eq3A_45 = arith.cmpi eq, %arg1, %eq3A_44 : i32
      %convert_element_type3A_46 = arith.extui %eq3A_45 : i1 to i32
      %cond3A_47 = arith.constant 0 : i32
      %cond3A_48 = arith.cmpi ne, %convert_element_type3A_46, %cond3A_47 : i32
      scf.if %cond3A_48 {
        "tpu.region"() ({
          %run_scoped3A_49 = tpu.sem_alloc : memref<!tpu.dma_semaphore, #tpu.memory_space<semaphore_mem>>
          %dma_start3A_50 = arith.constant 9984 : i32
          %dma_start3A_51 = arith.constant 0 : i32
          %dma_start3A_52 = tpu.memref_slice %arg6[%dma_start3A_50, %dma_start3A_51] : memref<10000x128xf32, #tpu.memory_space<hbm>> -> memref<16x128xf32, #tpu.memory_space<hbm>>
          %dma_start3A_53 = arith.constant 9984 : i32
          %dma_start3A_54 = arith.constant 0 : i32
          %dma_start3A_55 = tpu.memref_slice %arg8[%dma_start3A_53, %dma_start3A_54] : memref<10000x128xf32, #tpu.memory_space<vmem_shared>> -> memref<16x128xf32, #tpu.memory_space<vmem_shared>>
          tpu.enqueue_dma source(%dma_start3A_55 : memref<16x128xf32, #tpu.memory_space<vmem_shared>>) target(%dma_start3A_52 : memref<16x128xf32, #tpu.memory_space<hbm>>) target_semaphore(%run_scoped3A_49 : memref<!tpu.dma_semaphore, #tpu.memory_space<semaphore_mem>>)
          %dma_wait3A_56 = arith.constant 9984 : i32
          %dma_wait3A_57 = arith.constant 0 : i32
          %dma_wait3A_58 = tpu.memref_slice %arg6[%dma_wait3A_56, %dma_wait3A_57] : memref<10000x128xf32, #tpu.memory_space<hbm>> -> memref<16x128xf32, #tpu.memory_space<hbm>>
          %dma_wait3A_59 = arith.constant 9984 : i32
          %dma_wait3A_60 = arith.constant 0 : i32
          %dma_wait3A_61 = tpu.memref_slice %arg8[%dma_wait3A_59, %dma_wait3A_60] : memref<10000x128xf32, #tpu.memory_space<vmem_shared>> -> memref<16x128xf32, #tpu.memory_space<vmem_shared>>
          tpu.wait_dma2 semaphore(%run_scoped3A_49 : memref<!tpu.dma_semaphore, #tpu.memory_space<semaphore_mem>>) src(%dma_wait3A_61 : memref<16x128xf32, #tpu.memory_space<vmem_shared>>) dst(%dma_wait3A_58 : memref<16x128xf32, #tpu.memory_space<hbm>>)
          tpu.yield
        }) : () -> ()
      } else {
      }
    } else {
    }
    %eq3A_37 = arith.constant 1 : i32
    %eq3A_38 = arith.cmpi eq, %arg0, %eq3A_37 : i32
    %convert_element_type3A_39 = arith.extui %eq3A_38 : i1 to i32
    %cond3A_40 = arith.constant 0 : i32
    %cond3A_41 = arith.cmpi ne, %convert_element_type3A_39, %cond3A_40 : i32
    scf.if %cond3A_41 {
      %mul3A_42 = arith.constant 624 : i32
      %mul3A_43 = arith.muli %arg1, %mul3A_42 : i32
      "tpu.region"() ({
        %run_scoped3A_49 = tpu.sem_alloc : memref<!tpu.dma_semaphore, #tpu.memory_space<semaphore_mem>>
        %dma_start3A_50 = arith.constant 0 : i32
        %dma_start3A_51 = tpu.memref_slice %arg7[%mul3A_43, %dma_start3A_50] : memref<10000x128xf32, #tpu.memory_space<hbm>> -> memref<624x128xf32, #tpu.memory_space<hbm>>
        %dma_start3A_52 = arith.constant 0 : i32
        %dma_start3A_53 = tpu.memref_slice %arg8[%mul3A_43, %dma_start3A_52] : memref<10000x128xf32, #tpu.memory_space<vmem_shared>> -> memref<624x128xf32, #tpu.memory_space<vmem_shared>>
        tpu.enqueue_dma source(%dma_start3A_53 : memref<624x128xf32, #tpu.memory_space<vmem_shared>>) target(%dma_start3A_51 : memref<624x128xf32, #tpu.memory_space<hbm>>) target_semaphore(%run_scoped3A_49 : memref<!tpu.dma_semaphore, #tpu.memory_space<semaphore_mem>>)
        %dma_wait3A_54 = arith.constant 0 : i32
        %dma_wait3A_55 = tpu.memref_slice %arg7[%mul3A_43, %dma_wait3A_54] : memref<10000x128xf32, #tpu.memory_space<hbm>> -> memref<624x128xf32, #tpu.memory_space<hbm>>
        %dma_wait3A_56 = arith.constant 0 : i32
        %dma_wait3A_57 = tpu.memref_slice %arg8[%mul3A_43, %dma_wait3A_56] : memref<10000x128xf32, #tpu.memory_space<vmem_shared>> -> memref<624x128xf32, #tpu.memory_space<vmem_shared>>
        tpu.wait_dma2 semaphore(%run_scoped3A_49 : memref<!tpu.dma_semaphore, #tpu.memory_space<semaphore_mem>>) src(%dma_wait3A_57 : memref<624x128xf32, #tpu.memory_space<vmem_shared>>) dst(%dma_wait3A_55 : memref<624x128xf32, #tpu.memory_space<hbm>>)
        tpu.yield
      }) : () -> ()
      %eq3A_44 = arith.constant 15 : i32
      %eq3A_45 = arith.cmpi eq, %arg1, %eq3A_44 : i32
      %convert_element_type3A_46 = arith.extui %eq3A_45 : i1 to i32
      %cond3A_47 = arith.constant 0 : i32
      %cond3A_48 = arith.cmpi ne, %convert_element_type3A_46, %cond3A_47 : i32
      scf.if %cond3A_48 {
        "tpu.region"() ({
          %run_scoped3A_49 = tpu.sem_alloc : memref<!tpu.dma_semaphore, #tpu.memory_space<semaphore_mem>>
          %dma_start3A_50 = arith.constant 9984 : i32
          %dma_start3A_51 = arith.constant 0 : i32
          %dma_start3A_52 = tpu.memref_slice %arg7[%dma_start3A_50, %dma_start3A_51] : memref<10000x128xf32, #tpu.memory_space<hbm>> -> memref<16x128xf32, #tpu.memory_space<hbm>>
          %dma_start3A_53 = arith.constant 9984 : i32
          %dma_start3A_54 = arith.constant 0 : i32
          %dma_start3A_55 = tpu.memref_slice %arg8[%dma_start3A_53, %dma_start3A_54] : memref<10000x128xf32, #tpu.memory_space<vmem_shared>> -> memref<16x128xf32, #tpu.memory_space<vmem_shared>>
          tpu.enqueue_dma source(%dma_start3A_55 : memref<16x128xf32, #tpu.memory_space<vmem_shared>>) target(%dma_start3A_52 : memref<16x128xf32, #tpu.memory_space<hbm>>) target_semaphore(%run_scoped3A_49 : memref<!tpu.dma_semaphore, #tpu.memory_space<semaphore_mem>>)
          %dma_wait3A_56 = arith.constant 9984 : i32
          %dma_wait3A_57 = arith.constant 0 : i32
          %dma_wait3A_58 = tpu.memref_slice %arg7[%dma_wait3A_56, %dma_wait3A_57] : memref<10000x128xf32, #tpu.memory_space<hbm>> -> memref<16x128xf32, #tpu.memory_space<hbm>>
          %dma_wait3A_59 = arith.constant 9984 : i32
          %dma_wait3A_60 = arith.constant 0 : i32
          %dma_wait3A_61 = tpu.memref_slice %arg8[%dma_wait3A_59, %dma_wait3A_60] : memref<10000x128xf32, #tpu.memory_space<vmem_shared>> -> memref<16x128xf32, #tpu.memory_space<vmem_shared>>
          tpu.wait_dma2 semaphore(%run_scoped3A_49 : memref<!tpu.dma_semaphore, #tpu.memory_space<semaphore_mem>>) src(%dma_wait3A_61 : memref<16x128xf32, #tpu.memory_space<vmem_shared>>) dst(%dma_wait3A_58 : memref<16x128xf32, #tpu.memory_space<hbm>>)
          tpu.yield
        }) : () -> ()
      } else {
      }
    } else {
    }
    return
  }
}

#map = affine_map<(d0, d1) -> (0, 0)>
#map1 = affine_map<(d0, d1) -> (0, 0, 0)>
module attributes {stable_mosaic.version = 14 : i64} {
  func.func @_agg_body(%arg0: i32, %arg1: i32, %arg2: memref<10000x128xf32, #tpu.memory_space<hbm>>, %arg3: memref<32x10000xi32, #tpu.memory_space<hbm>>, %arg4: memref<32x125x80xi32, #tpu.memory_space<hbm>>, %arg5: memref<10000x128xf32, #tpu.memory_space<hbm>>, %arg6: memref<10000x128xf32, #tpu.memory_space<hbm>>, %arg7: memref<10000x128xf32, #tpu.memory_space<hbm>>, %arg8: memref<10000x128xf32, #tpu.memory_space<vmem_shared>>, %arg9: memref<10000xi32, #tpu.memory_space<vmem>>, %arg10: memref<125x80xi32, #tpu.memory_space<vmem>>, %arg11: memref<80x128xf32, #tpu.memory_space<vmem>>, %arg12: memref<80x128xf32, #tpu.memory_space<vmem>>, %arg13: memref<!tpu.dma_semaphore, #tpu.memory_space<semaphore_mem>>, %arg14: memref<!tpu.dma_semaphore, #tpu.memory_space<semaphore_mem>>) attributes {dimension_semantics = [#tpu.dimension_semantics<core_parallel>, #tpu.dimension_semantics<subcore_parallel>], iteration_bounds = array<i64: 2, 16>, scalar_prefetch = 0 : i64, scratch_operands = 7 : i64, tpu.core_type = #tpu.core_type<sc_vector_subcore>, window_params = [{transform_indices = #map}, {transform_indices = #map}, {transform_indices = #map1}, {transform_indices = #map}, {transform_indices = #map}, {transform_indices = #map}]} {
    %mul3A = arith.constant 624 : i32
    %mul3A_0 = arith.muli %arg1, %mul3A : i32
    %dma_start3A = arith.constant 0 : i32
    %dma_start3A_1 = tpu.memref_slice %arg8[%mul3A_0, %dma_start3A] : memref<10000x128xf32, #tpu.memory_space<vmem_shared>> -> memref<624x128xf32, #tpu.memory_space<vmem_shared>>
    %dma_start3A_2 = arith.constant 0 : i32
    %dma_start3A_3 = tpu.memref_slice %arg5[%mul3A_0, %dma_start3A_2] : memref<10000x128xf32, #tpu.memory_space<hbm>> -> memref<624x128xf32, #tpu.memory_space<hbm>>
    tpu.enqueue_dma source(%dma_start3A_3 : memref<624x128xf32, #tpu.memory_space<hbm>>) target(%dma_start3A_1 : memref<624x128xf32, #tpu.memory_space<vmem_shared>>) target_semaphore(%arg14 : memref<!tpu.dma_semaphore, #tpu.memory_space<semaphore_mem>>)
    %eq3A = arith.constant 15 : i32
    %eq3A_4 = arith.cmpi eq, %arg1, %eq3A : i32
    %convert_element_type3A = arith.extui %eq3A_4 : i1 to i32
    %cond3A = arith.constant 0 : i32
    %cond3A_5 = arith.cmpi ne, %convert_element_type3A, %cond3A : i32
    scf.if %cond3A_5 {
      %dma_start3A_42 = arith.constant 9984 : i32
      %dma_start3A_43 = arith.constant 0 : i32
      %dma_start3A_44 = tpu.memref_slice %arg8[%dma_start3A_42, %dma_start3A_43] : memref<10000x128xf32, #tpu.memory_space<vmem_shared>> -> memref<16x128xf32, #tpu.memory_space<vmem_shared>>
      %dma_start3A_45 = arith.constant 9984 : i32
      %dma_start3A_46 = arith.constant 0 : i32
      %dma_start3A_47 = tpu.memref_slice %arg5[%dma_start3A_45, %dma_start3A_46] : memref<10000x128xf32, #tpu.memory_space<hbm>> -> memref<16x128xf32, #tpu.memory_space<hbm>>
      tpu.enqueue_dma source(%dma_start3A_47 : memref<16x128xf32, #tpu.memory_space<hbm>>) target(%dma_start3A_44 : memref<16x128xf32, #tpu.memory_space<vmem_shared>>) target_semaphore(%arg14 : memref<!tpu.dma_semaphore, #tpu.memory_space<semaphore_mem>>)
    } else {
    }
    %mul3A_6 = arith.constant 16 : i32
    %mul3A_7 = arith.muli %arg0, %mul3A_6 : i32
    %add3A = arith.addi %mul3A_7, %arg1 : i32
    "tpu.region"() ({
      %run_scoped3A_42 = tpu.sem_alloc : memref<!tpu.dma_semaphore, #tpu.memory_space<semaphore_mem>>
      %dma_start3A_43 = arith.constant 0 : i32
      %dma_start3A_44 = tpu.memref_slice %arg3[%add3A, %dma_start3A_43] : memref<32x10000xi32, #tpu.memory_space<hbm>> -> memref<1x10000xi32, #tpu.memory_space<hbm>>
      %dma_start3A_45 = tpu.memref_squeeze %dma_start3A_44 : memref<1x10000xi32, #tpu.memory_space<hbm>> -> memref<10000xi32, #tpu.memory_space<hbm>>
      %dma_start3A_46 = arith.constant 0 : i32
      %dma_start3A_47 = tpu.memref_slice %arg3[%add3A, %dma_start3A_46] : memref<32x10000xi32, #tpu.memory_space<hbm>> -> memref<1x10000xi32, #tpu.memory_space<hbm>>
      %dma_start3A_48 = tpu.memref_squeeze %dma_start3A_47 : memref<1x10000xi32, #tpu.memory_space<hbm>> -> memref<10000xi32, #tpu.memory_space<hbm>>
      tpu.enqueue_dma source(%dma_start3A_48 : memref<10000xi32, #tpu.memory_space<hbm>>) target(%arg9 : memref<10000xi32, #tpu.memory_space<vmem>>) target_semaphore(%run_scoped3A_42 : memref<!tpu.dma_semaphore, #tpu.memory_space<semaphore_mem>>)
      %dma_wait3A_49 = arith.constant 0 : i32
      %dma_wait3A_50 = tpu.memref_slice %arg3[%add3A, %dma_wait3A_49] : memref<32x10000xi32, #tpu.memory_space<hbm>> -> memref<1x10000xi32, #tpu.memory_space<hbm>>
      %dma_wait3A_51 = tpu.memref_squeeze %dma_wait3A_50 : memref<1x10000xi32, #tpu.memory_space<hbm>> -> memref<10000xi32, #tpu.memory_space<hbm>>
      %dma_wait3A_52 = arith.constant 0 : i32
      %dma_wait3A_53 = tpu.memref_slice %arg3[%add3A, %dma_wait3A_52] : memref<32x10000xi32, #tpu.memory_space<hbm>> -> memref<1x10000xi32, #tpu.memory_space<hbm>>
      %dma_wait3A_54 = tpu.memref_squeeze %dma_wait3A_53 : memref<1x10000xi32, #tpu.memory_space<hbm>> -> memref<10000xi32, #tpu.memory_space<hbm>>
      tpu.wait_dma2 semaphore(%run_scoped3A_42 : memref<!tpu.dma_semaphore, #tpu.memory_space<semaphore_mem>>) src(%dma_wait3A_54 : memref<10000xi32, #tpu.memory_space<hbm>>) dst(%arg9 : memref<10000xi32, #tpu.memory_space<vmem>>)
      tpu.yield
    }) : () -> ()
    %dma_start3A_8 = arith.constant 0 : i32
    %dma_start3A_9 = tpu.memref_slice %arg9[%dma_start3A_8] : memref<10000xi32, #tpu.memory_space<vmem>> -> memref<80xi32, #tpu.memory_space<vmem>>
    %dma_start3A_10 = arith.constant 0 : i32
    %dma_start3A_11 = arith.constant 0 : i32
    %dma_start3A_12 = tpu.memref_slice %arg2[%dma_start3A_10, %dma_start3A_11] : memref<10000x128xf32, #tpu.memory_space<hbm>> -> memref<10000x128xf32, #tpu.memory_space<hbm>>
    tpu.enqueue_indirect_dma source(%dma_start3A_12 : memref<10000x128xf32, #tpu.memory_space<hbm>>) target(%arg11 : memref<80x128xf32, #tpu.memory_space<vmem>>) offsets(%dma_start3A_9 : memref<80xi32, #tpu.memory_space<vmem>>) semaphore(%arg13 : memref<!tpu.dma_semaphore, #tpu.memory_space<semaphore_mem>>)
    "tpu.region"() ({
      %run_scoped3A_42 = tpu.sem_alloc : memref<!tpu.dma_semaphore, #tpu.memory_space<semaphore_mem>>
      %dma_start3A_43 = arith.constant 0 : i32
      %dma_start3A_44 = arith.constant 0 : i32
      %dma_start3A_45 = tpu.memref_slice %arg4[%add3A, %dma_start3A_43, %dma_start3A_44] : memref<32x125x80xi32, #tpu.memory_space<hbm>> -> memref<1x125x80xi32, #tpu.memory_space<hbm>>
      %dma_start3A_46 = tpu.memref_squeeze %dma_start3A_45 : memref<1x125x80xi32, #tpu.memory_space<hbm>> -> memref<125x80xi32, #tpu.memory_space<hbm>>
      %dma_start3A_47 = arith.constant 0 : i32
      %dma_start3A_48 = arith.constant 0 : i32
      %dma_start3A_49 = tpu.memref_slice %arg4[%add3A, %dma_start3A_47, %dma_start3A_48] : memref<32x125x80xi32, #tpu.memory_space<hbm>> -> memref<1x125x80xi32, #tpu.memory_space<hbm>>
      %dma_start3A_50 = tpu.memref_squeeze %dma_start3A_49 : memref<1x125x80xi32, #tpu.memory_space<hbm>> -> memref<125x80xi32, #tpu.memory_space<hbm>>
      tpu.enqueue_dma source(%dma_start3A_50 : memref<125x80xi32, #tpu.memory_space<hbm>>) target(%arg10 : memref<125x80xi32, #tpu.memory_space<vmem>>) target_semaphore(%run_scoped3A_42 : memref<!tpu.dma_semaphore, #tpu.memory_space<semaphore_mem>>)
      %dma_wait3A_51 = arith.constant 0 : i32
      %dma_wait3A_52 = arith.constant 0 : i32
      %dma_wait3A_53 = tpu.memref_slice %arg4[%add3A, %dma_wait3A_51, %dma_wait3A_52] : memref<32x125x80xi32, #tpu.memory_space<hbm>> -> memref<1x125x80xi32, #tpu.memory_space<hbm>>
      %dma_wait3A_54 = tpu.memref_squeeze %dma_wait3A_53 : memref<1x125x80xi32, #tpu.memory_space<hbm>> -> memref<125x80xi32, #tpu.memory_space<hbm>>
      %dma_wait3A_55 = arith.constant 0 : i32
      %dma_wait3A_56 = arith.constant 0 : i32
      %dma_wait3A_57 = tpu.memref_slice %arg4[%add3A, %dma_wait3A_55, %dma_wait3A_56] : memref<32x125x80xi32, #tpu.memory_space<hbm>> -> memref<1x125x80xi32, #tpu.memory_space<hbm>>
      %dma_wait3A_58 = tpu.memref_squeeze %dma_wait3A_57 : memref<1x125x80xi32, #tpu.memory_space<hbm>> -> memref<125x80xi32, #tpu.memory_space<hbm>>
      tpu.wait_dma2 semaphore(%run_scoped3A_42 : memref<!tpu.dma_semaphore, #tpu.memory_space<semaphore_mem>>) src(%dma_wait3A_58 : memref<125x80xi32, #tpu.memory_space<hbm>>) dst(%arg10 : memref<125x80xi32, #tpu.memory_space<vmem>>)
      tpu.yield
    }) : () -> ()
    %dma_wait3A = arith.constant 0 : i32
    %dma_wait3A_13 = tpu.memref_slice %arg8[%mul3A_0, %dma_wait3A] : memref<10000x128xf32, #tpu.memory_space<vmem_shared>> -> memref<624x128xf32, #tpu.memory_space<vmem_shared>>
    %dma_wait3A_14 = arith.constant 0 : i32
    %dma_wait3A_15 = tpu.memref_slice %arg5[%mul3A_0, %dma_wait3A_14] : memref<10000x128xf32, #tpu.memory_space<hbm>> -> memref<624x128xf32, #tpu.memory_space<hbm>>
    tpu.wait_dma2 semaphore(%arg14 : memref<!tpu.dma_semaphore, #tpu.memory_space<semaphore_mem>>) src(%dma_wait3A_15 : memref<624x128xf32, #tpu.memory_space<hbm>>) dst(%dma_wait3A_13 : memref<624x128xf32, #tpu.memory_space<vmem_shared>>)
    %eq3A_16 = arith.constant 15 : i32
    %eq3A_17 = arith.cmpi eq, %arg1, %eq3A_16 : i32
    %convert_element_type3A_18 = arith.extui %eq3A_17 : i1 to i32
    %cond3A_19 = arith.constant 0 : i32
    %cond3A_20 = arith.cmpi ne, %convert_element_type3A_18, %cond3A_19 : i32
    scf.if %cond3A_20 {
      %dma_wait3A_42 = arith.constant 9984 : i32
      %dma_wait3A_43 = arith.constant 0 : i32
      %dma_wait3A_44 = tpu.memref_slice %arg8[%dma_wait3A_42, %dma_wait3A_43] : memref<10000x128xf32, #tpu.memory_space<vmem_shared>> -> memref<16x128xf32, #tpu.memory_space<vmem_shared>>
      %dma_wait3A_45 = arith.constant 9984 : i32
      %dma_wait3A_46 = arith.constant 0 : i32
      %dma_wait3A_47 = tpu.memref_slice %arg5[%dma_wait3A_45, %dma_wait3A_46] : memref<10000x128xf32, #tpu.memory_space<hbm>> -> memref<16x128xf32, #tpu.memory_space<hbm>>
      tpu.wait_dma2 semaphore(%arg14 : memref<!tpu.dma_semaphore, #tpu.memory_space<semaphore_mem>>) src(%dma_wait3A_47 : memref<16x128xf32, #tpu.memory_space<hbm>>) dst(%dma_wait3A_44 : memref<16x128xf32, #tpu.memory_space<vmem_shared>>)
    } else {
    }
    %barrier3A = arith.constant 0 : index
    tpu.barrier barrier_id(%barrier3A)
    %scan3A = arith.constant 0 : i32
    %scan3A_21 = arith.constant 0 : i32
    %scan3A_22 = arith.constant 62 : i32
    %scan3A_23 = arith.addi %scan3A_21, %scan3A_22 : i32
    %scan3A_24 = arith.constant 1 : i32
    scf.for %scan3A_42 = %scan3A_21 to %scan3A_23 step %scan3A_24  : i32 {
      %mul3A_43 = arith.constant 2 : i32
      %mul3A_44 = arith.muli %mul3A_43, %scan3A_42 : i32
      %add3A_45 = arith.constant 1 : i32
      %add3A_46 = arith.addi %mul3A_44, %add3A_45 : i32
      %mul3A_47 = arith.constant 80 : i32
      %mul3A_48 = arith.muli %add3A_46, %mul3A_47 : i32
      %dma_start3A_49 = tpu.memref_slice %arg9[%mul3A_48] : memref<10000xi32, #tpu.memory_space<vmem>> -> memref<80xi32, #tpu.memory_space<vmem>>
      %dma_start3A_50 = arith.constant 0 : i32
      %dma_start3A_51 = arith.constant 0 : i32
      %dma_start3A_52 = tpu.memref_slice %arg2[%dma_start3A_50, %dma_start3A_51] : memref<10000x128xf32, #tpu.memory_space<hbm>> -> memref<10000x128xf32, #tpu.memory_space<hbm>>
      tpu.enqueue_indirect_dma source(%dma_start3A_52 : memref<10000x128xf32, #tpu.memory_space<hbm>>) target(%arg12 : memref<80x128xf32, #tpu.memory_space<vmem>>) offsets(%dma_start3A_49 : memref<80xi32, #tpu.memory_space<vmem>>) semaphore(%arg14 : memref<!tpu.dma_semaphore, #tpu.memory_space<semaphore_mem>>)
      %mul3A_53 = arith.constant 80 : i32
      %mul3A_54 = arith.muli %mul3A_44, %mul3A_53 : i32
      %dma_wait3A_55 = tpu.memref_slice %arg9[%mul3A_54] : memref<10000xi32, #tpu.memory_space<vmem>> -> memref<80xi32, #tpu.memory_space<vmem>>
      %dma_wait3A_56 = arith.constant 0 : i32
      %dma_wait3A_57 = arith.constant 0 : i32
      %dma_wait3A_58 = tpu.memref_slice %arg2[%dma_wait3A_56, %dma_wait3A_57] : memref<10000x128xf32, #tpu.memory_space<hbm>> -> memref<10000x128xf32, #tpu.memory_space<hbm>>
      tpu.wait_indirect_dma semaphore(%arg13 : memref<!tpu.dma_semaphore, #tpu.memory_space<semaphore_mem>>) src(%dma_wait3A_58 : memref<10000x128xf32, #tpu.memory_space<hbm>>) dst(%arg11 : memref<80x128xf32, #tpu.memory_space<vmem>>)
      "tpu.region"() ({
        %run_scoped3A_73 = tpu.sem_alloc : memref<!tpu.dma_semaphore, #tpu.memory_space<semaphore_mem>>
        %dma_start3A_74 = arith.constant 0 : i32
        %dma_start3A_75 = tpu.memref_slice %arg10[%mul3A_44, %dma_start3A_74] : memref<125x80xi32, #tpu.memory_space<vmem>> -> memref<1x80xi32, #tpu.memory_space<vmem>>
        %dma_start3A_76 = tpu.memref_squeeze %dma_start3A_75 : memref<1x80xi32, #tpu.memory_space<vmem>> -> memref<80xi32, #tpu.memory_space<vmem>>
        %dma_start3A_77 = arith.constant 0 : i32
        %dma_start3A_78 = arith.constant 0 : i32
        %dma_start3A_79 = tpu.memref_slice %arg8[%dma_start3A_77, %dma_start3A_78] : memref<10000x128xf32, #tpu.memory_space<vmem_shared>> -> memref<10000x128xf32, #tpu.memory_space<vmem_shared>>
        tpu.enqueue_indirect_dma source(%arg11 : memref<80x128xf32, #tpu.memory_space<vmem>>) target(%dma_start3A_79 : memref<10000x128xf32, #tpu.memory_space<vmem_shared>>) offsets(%dma_start3A_76 : memref<80xi32, #tpu.memory_space<vmem>>) semaphore(%run_scoped3A_73 : memref<!tpu.dma_semaphore, #tpu.memory_space<semaphore_mem>>) {add = true}
        %dma_wait3A_80 = arith.constant 0 : i32
        %dma_wait3A_81 = tpu.memref_slice %arg10[%mul3A_44, %dma_wait3A_80] : memref<125x80xi32, #tpu.memory_space<vmem>> -> memref<1x80xi32, #tpu.memory_space<vmem>>
        %dma_wait3A_82 = tpu.memref_squeeze %dma_wait3A_81 : memref<1x80xi32, #tpu.memory_space<vmem>> -> memref<80xi32, #tpu.memory_space<vmem>>
        %dma_wait3A_83 = arith.constant 0 : i32
        %dma_wait3A_84 = arith.constant 0 : i32
        %dma_wait3A_85 = tpu.memref_slice %arg8[%dma_wait3A_83, %dma_wait3A_84] : memref<10000x128xf32, #tpu.memory_space<vmem_shared>> -> memref<10000x128xf32, #tpu.memory_space<vmem_shared>>
        tpu.wait_indirect_dma semaphore(%run_scoped3A_73 : memref<!tpu.dma_semaphore, #tpu.memory_space<semaphore_mem>>) src(%arg11 : memref<80x128xf32, #tpu.memory_space<vmem>>) dst(%dma_wait3A_85 : memref<10000x128xf32, #tpu.memory_space<vmem_shared>>)
        tpu.yield
      }) : () -> ()
      %add3A_59 = arith.constant 2 : i32
      %add3A_60 = arith.addi %mul3A_44, %add3A_59 : i32
      %lt3A = arith.constant 125 : i32
      %lt3A_61 = arith.cmpi slt, %add3A_60, %lt3A : i32
      %convert_element_type3A_62 = arith.extui %lt3A_61 : i1 to i32
      %cond3A_63 = arith.constant 0 : i32
      %cond3A_64 = arith.cmpi ne, %convert_element_type3A_62, %cond3A_63 : i32
      scf.if %cond3A_64 {
        %add3A_73 = arith.constant 2 : i32
        %add3A_74 = arith.addi %mul3A_44, %add3A_73 : i32
        %mul3A_75 = arith.constant 80 : i32
        %mul3A_76 = arith.muli %add3A_74, %mul3A_75 : i32
        %dma_start3A_77 = tpu.memref_slice %arg9[%mul3A_76] : memref<10000xi32, #tpu.memory_space<vmem>> -> memref<80xi32, #tpu.memory_space<vmem>>
        %dma_start3A_78 = arith.constant 0 : i32
        %dma_start3A_79 = arith.constant 0 : i32
        %dma_start3A_80 = tpu.memref_slice %arg2[%dma_start3A_78, %dma_start3A_79] : memref<10000x128xf32, #tpu.memory_space<hbm>> -> memref<10000x128xf32, #tpu.memory_space<hbm>>
        tpu.enqueue_indirect_dma source(%dma_start3A_80 : memref<10000x128xf32, #tpu.memory_space<hbm>>) target(%arg11 : memref<80x128xf32, #tpu.memory_space<vmem>>) offsets(%dma_start3A_77 : memref<80xi32, #tpu.memory_space<vmem>>) semaphore(%arg13 : memref<!tpu.dma_semaphore, #tpu.memory_space<semaphore_mem>>)
      } else {
      }
      %add3A_65 = arith.constant 1 : i32
      %add3A_66 = arith.addi %mul3A_44, %add3A_65 : i32
      %mul3A_67 = arith.constant 80 : i32
      %mul3A_68 = arith.muli %add3A_66, %mul3A_67 : i32
      %dma_wait3A_69 = tpu.memref_slice %arg9[%mul3A_68] : memref<10000xi32, #tpu.memory_space<vmem>> -> memref<80xi32, #tpu.memory_space<vmem>>
      %dma_wait3A_70 = arith.constant 0 : i32
      %dma_wait3A_71 = arith.constant 0 : i32
      %dma_wait3A_72 = tpu.memref_slice %arg2[%dma_wait3A_70, %dma_wait3A_71] : memref<10000x128xf32, #tpu.memory_space<hbm>> -> memref<10000x128xf32, #tpu.memory_space<hbm>>
      tpu.wait_indirect_dma semaphore(%arg14 : memref<!tpu.dma_semaphore, #tpu.memory_space<semaphore_mem>>) src(%dma_wait3A_72 : memref<10000x128xf32, #tpu.memory_space<hbm>>) dst(%arg12 : memref<80x128xf32, #tpu.memory_space<vmem>>)
      "tpu.region"() ({
        %run_scoped3A_73 = tpu.sem_alloc : memref<!tpu.dma_semaphore, #tpu.memory_space<semaphore_mem>>
        %dma_start3A_74 = arith.constant 0 : i32
        %dma_start3A_75 = tpu.memref_slice %arg10[%add3A_66, %dma_start3A_74] : memref<125x80xi32, #tpu.memory_space<vmem>> -> memref<1x80xi32, #tpu.memory_space<vmem>>
        %dma_start3A_76 = tpu.memref_squeeze %dma_start3A_75 : memref<1x80xi32, #tpu.memory_space<vmem>> -> memref<80xi32, #tpu.memory_space<vmem>>
        %dma_start3A_77 = arith.constant 0 : i32
        %dma_start3A_78 = arith.constant 0 : i32
        %dma_start3A_79 = tpu.memref_slice %arg8[%dma_start3A_77, %dma_start3A_78] : memref<10000x128xf32, #tpu.memory_space<vmem_shared>> -> memref<10000x128xf32, #tpu.memory_space<vmem_shared>>
        tpu.enqueue_indirect_dma source(%arg12 : memref<80x128xf32, #tpu.memory_space<vmem>>) target(%dma_start3A_79 : memref<10000x128xf32, #tpu.memory_space<vmem_shared>>) offsets(%dma_start3A_76 : memref<80xi32, #tpu.memory_space<vmem>>) semaphore(%run_scoped3A_73 : memref<!tpu.dma_semaphore, #tpu.memory_space<semaphore_mem>>) {add = true}
        %dma_wait3A_80 = arith.constant 0 : i32
        %dma_wait3A_81 = tpu.memref_slice %arg10[%add3A_66, %dma_wait3A_80] : memref<125x80xi32, #tpu.memory_space<vmem>> -> memref<1x80xi32, #tpu.memory_space<vmem>>
        %dma_wait3A_82 = tpu.memref_squeeze %dma_wait3A_81 : memref<1x80xi32, #tpu.memory_space<vmem>> -> memref<80xi32, #tpu.memory_space<vmem>>
        %dma_wait3A_83 = arith.constant 0 : i32
        %dma_wait3A_84 = arith.constant 0 : i32
        %dma_wait3A_85 = tpu.memref_slice %arg8[%dma_wait3A_83, %dma_wait3A_84] : memref<10000x128xf32, #tpu.memory_space<vmem_shared>> -> memref<10000x128xf32, #tpu.memory_space<vmem_shared>>
        tpu.wait_indirect_dma semaphore(%run_scoped3A_73 : memref<!tpu.dma_semaphore, #tpu.memory_space<semaphore_mem>>) src(%arg12 : memref<80x128xf32, #tpu.memory_space<vmem>>) dst(%dma_wait3A_85 : memref<10000x128xf32, #tpu.memory_space<vmem_shared>>)
        tpu.yield
      }) : () -> ()
    }
    %scan3A_25 = arith.constant 62 : i32
    %dma_wait3A_26 = arith.constant 9920 : i32
    %dma_wait3A_27 = tpu.memref_slice %arg9[%dma_wait3A_26] : memref<10000xi32, #tpu.memory_space<vmem>> -> memref<80xi32, #tpu.memory_space<vmem>>
    %dma_wait3A_28 = arith.constant 0 : i32
    %dma_wait3A_29 = arith.constant 0 : i32
    %dma_wait3A_30 = tpu.memref_slice %arg2[%dma_wait3A_28, %dma_wait3A_29] : memref<10000x128xf32, #tpu.memory_space<hbm>> -> memref<10000x128xf32, #tpu.memory_space<hbm>>
    tpu.wait_indirect_dma semaphore(%arg13 : memref<!tpu.dma_semaphore, #tpu.memory_space<semaphore_mem>>) src(%dma_wait3A_30 : memref<10000x128xf32, #tpu.memory_space<hbm>>) dst(%arg11 : memref<80x128xf32, #tpu.memory_space<vmem>>)
    %run_scoped3A = arith.constant 124 : i32
    "tpu.region"() ({
      %run_scoped3A_42 = tpu.sem_alloc : memref<!tpu.dma_semaphore, #tpu.memory_space<semaphore_mem>>
      %dma_start3A_43 = arith.constant 0 : i32
      %dma_start3A_44 = tpu.memref_slice %arg10[%run_scoped3A, %dma_start3A_43] : memref<125x80xi32, #tpu.memory_space<vmem>> -> memref<1x80xi32, #tpu.memory_space<vmem>>
      %dma_start3A_45 = tpu.memref_squeeze %dma_start3A_44 : memref<1x80xi32, #tpu.memory_space<vmem>> -> memref<80xi32, #tpu.memory_space<vmem>>
      %dma_start3A_46 = arith.constant 0 : i32
      %dma_start3A_47 = arith.constant 0 : i32
      %dma_start3A_48 = tpu.memref_slice %arg8[%dma_start3A_46, %dma_start3A_47] : memref<10000x128xf32, #tpu.memory_space<vmem_shared>> -> memref<10000x128xf32, #tpu.memory_space<vmem_shared>>
      tpu.enqueue_indirect_dma source(%arg11 : memref<80x128xf32, #tpu.memory_space<vmem>>) target(%dma_start3A_48 : memref<10000x128xf32, #tpu.memory_space<vmem_shared>>) offsets(%dma_start3A_45 : memref<80xi32, #tpu.memory_space<vmem>>) semaphore(%run_scoped3A_42 : memref<!tpu.dma_semaphore, #tpu.memory_space<semaphore_mem>>) {add = true}
      %dma_wait3A_49 = arith.constant 0 : i32
      %dma_wait3A_50 = tpu.memref_slice %arg10[%run_scoped3A, %dma_wait3A_49] : memref<125x80xi32, #tpu.memory_space<vmem>> -> memref<1x80xi32, #tpu.memory_space<vmem>>
      %dma_wait3A_51 = tpu.memref_squeeze %dma_wait3A_50 : memref<1x80xi32, #tpu.memory_space<vmem>> -> memref<80xi32, #tpu.memory_space<vmem>>
      %dma_wait3A_52 = arith.constant 0 : i32
      %dma_wait3A_53 = arith.constant 0 : i32
      %dma_wait3A_54 = tpu.memref_slice %arg8[%dma_wait3A_52, %dma_wait3A_53] : memref<10000x128xf32, #tpu.memory_space<vmem_shared>> -> memref<10000x128xf32, #tpu.memory_space<vmem_shared>>
      tpu.wait_indirect_dma semaphore(%run_scoped3A_42 : memref<!tpu.dma_semaphore, #tpu.memory_space<semaphore_mem>>) src(%arg11 : memref<80x128xf32, #tpu.memory_space<vmem>>) dst(%dma_wait3A_54 : memref<10000x128xf32, #tpu.memory_space<vmem_shared>>)
      tpu.yield
    }) : () -> ()
    %barrier3A_31 = arith.constant 0 : index
    tpu.barrier barrier_id(%barrier3A_31)
    %eq3A_32 = arith.constant 0 : i32
    %eq3A_33 = arith.cmpi eq, %arg0, %eq3A_32 : i32
    %convert_element_type3A_34 = arith.extui %eq3A_33 : i1 to i32
    %cond3A_35 = arith.constant 0 : i32
    %cond3A_36 = arith.cmpi ne, %convert_element_type3A_34, %cond3A_35 : i32
    scf.if %cond3A_36 {
      %mul3A_42 = arith.constant 624 : i32
      %mul3A_43 = arith.muli %arg1, %mul3A_42 : i32
      "tpu.region"() ({
        %run_scoped3A_49 = tpu.sem_alloc : memref<!tpu.dma_semaphore, #tpu.memory_space<semaphore_mem>>
        %dma_start3A_50 = arith.constant 0 : i32
        %dma_start3A_51 = tpu.memref_slice %arg6[%mul3A_43, %dma_start3A_50] : memref<10000x128xf32, #tpu.memory_space<hbm>> -> memref<624x128xf32, #tpu.memory_space<hbm>>
        %dma_start3A_52 = arith.constant 0 : i32
        %dma_start3A_53 = tpu.memref_slice %arg8[%mul3A_43, %dma_start3A_52] : memref<10000x128xf32, #tpu.memory_space<vmem_shared>> -> memref<624x128xf32, #tpu.memory_space<vmem_shared>>
        tpu.enqueue_dma source(%dma_start3A_53 : memref<624x128xf32, #tpu.memory_space<vmem_shared>>) target(%dma_start3A_51 : memref<624x128xf32, #tpu.memory_space<hbm>>) target_semaphore(%run_scoped3A_49 : memref<!tpu.dma_semaphore, #tpu.memory_space<semaphore_mem>>)
        %dma_wait3A_54 = arith.constant 0 : i32
        %dma_wait3A_55 = tpu.memref_slice %arg6[%mul3A_43, %dma_wait3A_54] : memref<10000x128xf32, #tpu.memory_space<hbm>> -> memref<624x128xf32, #tpu.memory_space<hbm>>
        %dma_wait3A_56 = arith.constant 0 : i32
        %dma_wait3A_57 = tpu.memref_slice %arg8[%mul3A_43, %dma_wait3A_56] : memref<10000x128xf32, #tpu.memory_space<vmem_shared>> -> memref<624x128xf32, #tpu.memory_space<vmem_shared>>
        tpu.wait_dma2 semaphore(%run_scoped3A_49 : memref<!tpu.dma_semaphore, #tpu.memory_space<semaphore_mem>>) src(%dma_wait3A_57 : memref<624x128xf32, #tpu.memory_space<vmem_shared>>) dst(%dma_wait3A_55 : memref<624x128xf32, #tpu.memory_space<hbm>>)
        tpu.yield
      }) : () -> ()
      %eq3A_44 = arith.constant 15 : i32
      %eq3A_45 = arith.cmpi eq, %arg1, %eq3A_44 : i32
      %convert_element_type3A_46 = arith.extui %eq3A_45 : i1 to i32
      %cond3A_47 = arith.constant 0 : i32
      %cond3A_48 = arith.cmpi ne, %convert_element_type3A_46, %cond3A_47 : i32
      scf.if %cond3A_48 {
        "tpu.region"() ({
          %run_scoped3A_49 = tpu.sem_alloc : memref<!tpu.dma_semaphore, #tpu.memory_space<semaphore_mem>>
          %dma_start3A_50 = arith.constant 9984 : i32
          %dma_start3A_51 = arith.constant 0 : i32
          %dma_start3A_52 = tpu.memref_slice %arg6[%dma_start3A_50, %dma_start3A_51] : memref<10000x128xf32, #tpu.memory_space<hbm>> -> memref<16x128xf32, #tpu.memory_space<hbm>>
          %dma_start3A_53 = arith.constant 9984 : i32
          %dma_start3A_54 = arith.constant 0 : i32
          %dma_start3A_55 = tpu.memref_slice %arg8[%dma_start3A_53, %dma_start3A_54] : memref<10000x128xf32, #tpu.memory_space<vmem_shared>> -> memref<16x128xf32, #tpu.memory_space<vmem_shared>>
          tpu.enqueue_dma source(%dma_start3A_55 : memref<16x128xf32, #tpu.memory_space<vmem_shared>>) target(%dma_start3A_52 : memref<16x128xf32, #tpu.memory_space<hbm>>) target_semaphore(%run_scoped3A_49 : memref<!tpu.dma_semaphore, #tpu.memory_space<semaphore_mem>>)
          %dma_wait3A_56 = arith.constant 9984 : i32
          %dma_wait3A_57 = arith.constant 0 : i32
          %dma_wait3A_58 = tpu.memref_slice %arg6[%dma_wait3A_56, %dma_wait3A_57] : memref<10000x128xf32, #tpu.memory_space<hbm>> -> memref<16x128xf32, #tpu.memory_space<hbm>>
          %dma_wait3A_59 = arith.constant 9984 : i32
          %dma_wait3A_60 = arith.constant 0 : i32
          %dma_wait3A_61 = tpu.memref_slice %arg8[%dma_wait3A_59, %dma_wait3A_60] : memref<10000x128xf32, #tpu.memory_space<vmem_shared>> -> memref<16x128xf32, #tpu.memory_space<vmem_shared>>
          tpu.wait_dma2 semaphore(%run_scoped3A_49 : memref<!tpu.dma_semaphore, #tpu.memory_space<semaphore_mem>>) src(%dma_wait3A_61 : memref<16x128xf32, #tpu.memory_space<vmem_shared>>) dst(%dma_wait3A_58 : memref<16x128xf32, #tpu.memory_space<hbm>>)
          tpu.yield
        }) : () -> ()
      } else {
      }
    } else {
    }
    %eq3A_37 = arith.constant 1 : i32
    %eq3A_38 = arith.cmpi eq, %arg0, %eq3A_37 : i32
    %convert_element_type3A_39 = arith.extui %eq3A_38 : i1 to i32
    %cond3A_40 = arith.constant 0 : i32
    %cond3A_41 = arith.cmpi ne, %convert_element_type3A_39, %cond3A_40 : i32
    scf.if %cond3A_41 {
      %mul3A_42 = arith.constant 624 : i32
      %mul3A_43 = arith.muli %arg1, %mul3A_42 : i32
      "tpu.region"() ({
        %run_scoped3A_49 = tpu.sem_alloc : memref<!tpu.dma_semaphore, #tpu.memory_space<semaphore_mem>>
        %dma_start3A_50 = arith.constant 0 : i32
        %dma_start3A_51 = tpu.memref_slice %arg7[%mul3A_43, %dma_start3A_50] : memref<10000x128xf32, #tpu.memory_space<hbm>> -> memref<624x128xf32, #tpu.memory_space<hbm>>
        %dma_start3A_52 = arith.constant 0 : i32
        %dma_start3A_53 = tpu.memref_slice %arg8[%mul3A_43, %dma_start3A_52] : memref<10000x128xf32, #tpu.memory_space<vmem_shared>> -> memref<624x128xf32, #tpu.memory_space<vmem_shared>>
        tpu.enqueue_dma source(%dma_start3A_53 : memref<624x128xf32, #tpu.memory_space<vmem_shared>>) target(%dma_start3A_51 : memref<624x128xf32, #tpu.memory_space<hbm>>) target_semaphore(%run_scoped3A_49 : memref<!tpu.dma_semaphore, #tpu.memory_space<semaphore_mem>>)
        %dma_wait3A_54 = arith.constant 0 : i32
        %dma_wait3A_55 = tpu.memref_slice %arg7[%mul3A_43, %dma_wait3A_54] : memref<10000x128xf32, #tpu.memory_space<hbm>> -> memref<624x128xf32, #tpu.memory_space<hbm>>
        %dma_wait3A_56 = arith.constant 0 : i32
        %dma_wait3A_57 = tpu.memref_slice %arg8[%mul3A_43, %dma_wait3A_56] : memref<10000x128xf32, #tpu.memory_space<vmem_shared>> -> memref<624x128xf32, #tpu.memory_space<vmem_shared>>
        tpu.wait_dma2 semaphore(%run_scoped3A_49 : memref<!tpu.dma_semaphore, #tpu.memory_space<semaphore_mem>>) src(%dma_wait3A_57 : memref<624x128xf32, #tpu.memory_space<vmem_shared>>) dst(%dma_wait3A_55 : memref<624x128xf32, #tpu.memory_space<hbm>>)
        tpu.yield
      }) : () -> ()
      %eq3A_44 = arith.constant 15 : i32
      %eq3A_45 = arith.cmpi eq, %arg1, %eq3A_44 : i32
      %convert_element_type3A_46 = arith.extui %eq3A_45 : i1 to i32
      %cond3A_47 = arith.constant 0 : i32
      %cond3A_48 = arith.cmpi ne, %convert_element_type3A_46, %cond3A_47 : i32
      scf.if %cond3A_48 {
        "tpu.region"() ({
          %run_scoped3A_49 = tpu.sem_alloc : memref<!tpu.dma_semaphore, #tpu.memory_space<semaphore_mem>>
          %dma_start3A_50 = arith.constant 9984 : i32
          %dma_start3A_51 = arith.constant 0 : i32
          %dma_start3A_52 = tpu.memref_slice %arg7[%dma_start3A_50, %dma_start3A_51] : memref<10000x128xf32, #tpu.memory_space<hbm>> -> memref<16x128xf32, #tpu.memory_space<hbm>>
          %dma_start3A_53 = arith.constant 9984 : i32
          %dma_start3A_54 = arith.constant 0 : i32
          %dma_start3A_55 = tpu.memref_slice %arg8[%dma_start3A_53, %dma_start3A_54] : memref<10000x128xf32, #tpu.memory_space<vmem_shared>> -> memref<16x128xf32, #tpu.memory_space<vmem_shared>>
          tpu.enqueue_dma source(%dma_start3A_55 : memref<16x128xf32, #tpu.memory_space<vmem_shared>>) target(%dma_start3A_52 : memref<16x128xf32, #tpu.memory_space<hbm>>) target_semaphore(%run_scoped3A_49 : memref<!tpu.dma_semaphore, #tpu.memory_space<semaphore_mem>>)
          %dma_wait3A_56 = arith.constant 9984 : i32
          %dma_wait3A_57 = arith.constant 0 : i32
          %dma_wait3A_58 = tpu.memref_slice %arg7[%dma_wait3A_56, %dma_wait3A_57] : memref<10000x128xf32, #tpu.memory_space<hbm>> -> memref<16x128xf32, #tpu.memory_space<hbm>>
          %dma_wait3A_59 = arith.constant 9984 : i32
          %dma_wait3A_60 = arith.constant 0 : i32
          %dma_wait3A_61 = tpu.memref_slice %arg8[%dma_wait3A_59, %dma_wait3A_60] : memref<10000x128xf32, #tpu.memory_space<vmem_shared>> -> memref<16x128xf32, #tpu.memory_space<vmem_shared>>
          tpu.wait_dma2 semaphore(%run_scoped3A_49 : memref<!tpu.dma_semaphore, #tpu.memory_space<semaphore_mem>>) src(%dma_wait3A_61 : memref<16x128xf32, #tpu.memory_space<vmem_shared>>) dst(%dma_wait3A_58 : memref<16x128xf32, #tpu.memory_space<hbm>>)
          tpu.yield
        }) : () -> ()
      } else {
      }
    } else {
    }
    return
  }
}

#map = affine_map<(d0, d1) -> (0, 0)>
#map1 = affine_map<(d0, d1) -> (0, 0, 0)>
module attributes {stable_mosaic.version = 14 : i64} {
  func.func @_agg_body(%arg0: i32, %arg1: i32, %arg2: memref<10000x128xf32, #tpu.memory_space<hbm>>, %arg3: memref<32x10000xi32, #tpu.memory_space<hbm>>, %arg4: memref<32x125x80xi32, #tpu.memory_space<hbm>>, %arg5: memref<10000x128xf32, #tpu.memory_space<hbm>>, %arg6: memref<10000x128xf32, #tpu.memory_space<hbm>>, %arg7: memref<10000x128xf32, #tpu.memory_space<hbm>>, %arg8: memref<10000x128xf32, #tpu.memory_space<vmem_shared>>, %arg9: memref<10000xi32, #tpu.memory_space<vmem>>, %arg10: memref<125x80xi32, #tpu.memory_space<vmem>>, %arg11: memref<80x128xf32, #tpu.memory_space<vmem>>, %arg12: memref<80x128xf32, #tpu.memory_space<vmem>>, %arg13: memref<!tpu.dma_semaphore, #tpu.memory_space<semaphore_mem>>, %arg14: memref<!tpu.dma_semaphore, #tpu.memory_space<semaphore_mem>>) attributes {dimension_semantics = [#tpu.dimension_semantics<core_parallel>, #tpu.dimension_semantics<subcore_parallel>], iteration_bounds = array<i64: 2, 16>, scalar_prefetch = 0 : i64, scratch_operands = 7 : i64, tpu.core_type = #tpu.core_type<sc_vector_subcore>, window_params = [{transform_indices = #map}, {transform_indices = #map}, {transform_indices = #map1}, {transform_indices = #map}, {transform_indices = #map}, {transform_indices = #map}]} {
    %mul3A = arith.constant 624 : i32
    %mul3A_0 = arith.muli %arg1, %mul3A : i32
    %dma_start3A = arith.constant 0 : i32
    %dma_start3A_1 = tpu.memref_slice %arg8[%mul3A_0, %dma_start3A] : memref<10000x128xf32, #tpu.memory_space<vmem_shared>> -> memref<624x128xf32, #tpu.memory_space<vmem_shared>>
    %dma_start3A_2 = arith.constant 0 : i32
    %dma_start3A_3 = tpu.memref_slice %arg5[%mul3A_0, %dma_start3A_2] : memref<10000x128xf32, #tpu.memory_space<hbm>> -> memref<624x128xf32, #tpu.memory_space<hbm>>
    tpu.enqueue_dma source(%dma_start3A_3 : memref<624x128xf32, #tpu.memory_space<hbm>>) target(%dma_start3A_1 : memref<624x128xf32, #tpu.memory_space<vmem_shared>>) target_semaphore(%arg14 : memref<!tpu.dma_semaphore, #tpu.memory_space<semaphore_mem>>)
    %eq3A = arith.constant 15 : i32
    %eq3A_4 = arith.cmpi eq, %arg1, %eq3A : i32
    %convert_element_type3A = arith.extui %eq3A_4 : i1 to i32
    %cond3A = arith.constant 0 : i32
    %cond3A_5 = arith.cmpi ne, %convert_element_type3A, %cond3A : i32
    scf.if %cond3A_5 {
      %dma_start3A_42 = arith.constant 9984 : i32
      %dma_start3A_43 = arith.constant 0 : i32
      %dma_start3A_44 = tpu.memref_slice %arg8[%dma_start3A_42, %dma_start3A_43] : memref<10000x128xf32, #tpu.memory_space<vmem_shared>> -> memref<16x128xf32, #tpu.memory_space<vmem_shared>>
      %dma_start3A_45 = arith.constant 9984 : i32
      %dma_start3A_46 = arith.constant 0 : i32
      %dma_start3A_47 = tpu.memref_slice %arg5[%dma_start3A_45, %dma_start3A_46] : memref<10000x128xf32, #tpu.memory_space<hbm>> -> memref<16x128xf32, #tpu.memory_space<hbm>>
      tpu.enqueue_dma source(%dma_start3A_47 : memref<16x128xf32, #tpu.memory_space<hbm>>) target(%dma_start3A_44 : memref<16x128xf32, #tpu.memory_space<vmem_shared>>) target_semaphore(%arg14 : memref<!tpu.dma_semaphore, #tpu.memory_space<semaphore_mem>>)
    } else {
    }
    %mul3A_6 = arith.constant 16 : i32
    %mul3A_7 = arith.muli %arg0, %mul3A_6 : i32
    %add3A = arith.addi %mul3A_7, %arg1 : i32
    "tpu.region"() ({
      %run_scoped3A_42 = tpu.sem_alloc : memref<!tpu.dma_semaphore, #tpu.memory_space<semaphore_mem>>
      %dma_start3A_43 = arith.constant 0 : i32
      %dma_start3A_44 = tpu.memref_slice %arg3[%add3A, %dma_start3A_43] : memref<32x10000xi32, #tpu.memory_space<hbm>> -> memref<1x10000xi32, #tpu.memory_space<hbm>>
      %dma_start3A_45 = tpu.memref_squeeze %dma_start3A_44 : memref<1x10000xi32, #tpu.memory_space<hbm>> -> memref<10000xi32, #tpu.memory_space<hbm>>
      %dma_start3A_46 = arith.constant 0 : i32
      %dma_start3A_47 = tpu.memref_slice %arg3[%add3A, %dma_start3A_46] : memref<32x10000xi32, #tpu.memory_space<hbm>> -> memref<1x10000xi32, #tpu.memory_space<hbm>>
      %dma_start3A_48 = tpu.memref_squeeze %dma_start3A_47 : memref<1x10000xi32, #tpu.memory_space<hbm>> -> memref<10000xi32, #tpu.memory_space<hbm>>
      tpu.enqueue_dma source(%dma_start3A_48 : memref<10000xi32, #tpu.memory_space<hbm>>) target(%arg9 : memref<10000xi32, #tpu.memory_space<vmem>>) target_semaphore(%run_scoped3A_42 : memref<!tpu.dma_semaphore, #tpu.memory_space<semaphore_mem>>)
      %dma_wait3A_49 = arith.constant 0 : i32
      %dma_wait3A_50 = tpu.memref_slice %arg3[%add3A, %dma_wait3A_49] : memref<32x10000xi32, #tpu.memory_space<hbm>> -> memref<1x10000xi32, #tpu.memory_space<hbm>>
      %dma_wait3A_51 = tpu.memref_squeeze %dma_wait3A_50 : memref<1x10000xi32, #tpu.memory_space<hbm>> -> memref<10000xi32, #tpu.memory_space<hbm>>
      %dma_wait3A_52 = arith.constant 0 : i32
      %dma_wait3A_53 = tpu.memref_slice %arg3[%add3A, %dma_wait3A_52] : memref<32x10000xi32, #tpu.memory_space<hbm>> -> memref<1x10000xi32, #tpu.memory_space<hbm>>
      %dma_wait3A_54 = tpu.memref_squeeze %dma_wait3A_53 : memref<1x10000xi32, #tpu.memory_space<hbm>> -> memref<10000xi32, #tpu.memory_space<hbm>>
      tpu.wait_dma2 semaphore(%run_scoped3A_42 : memref<!tpu.dma_semaphore, #tpu.memory_space<semaphore_mem>>) src(%dma_wait3A_54 : memref<10000xi32, #tpu.memory_space<hbm>>) dst(%arg9 : memref<10000xi32, #tpu.memory_space<vmem>>)
      tpu.yield
    }) : () -> ()
    %dma_start3A_8 = arith.constant 0 : i32
    %dma_start3A_9 = tpu.memref_slice %arg9[%dma_start3A_8] : memref<10000xi32, #tpu.memory_space<vmem>> -> memref<80xi32, #tpu.memory_space<vmem>>
    %dma_start3A_10 = arith.constant 0 : i32
    %dma_start3A_11 = arith.constant 0 : i32
    %dma_start3A_12 = tpu.memref_slice %arg2[%dma_start3A_10, %dma_start3A_11] : memref<10000x128xf32, #tpu.memory_space<hbm>> -> memref<10000x128xf32, #tpu.memory_space<hbm>>
    tpu.enqueue_indirect_dma source(%dma_start3A_12 : memref<10000x128xf32, #tpu.memory_space<hbm>>) target(%arg11 : memref<80x128xf32, #tpu.memory_space<vmem>>) offsets(%dma_start3A_9 : memref<80xi32, #tpu.memory_space<vmem>>) semaphore(%arg13 : memref<!tpu.dma_semaphore, #tpu.memory_space<semaphore_mem>>)
    "tpu.region"() ({
      %run_scoped3A_42 = tpu.sem_alloc : memref<!tpu.dma_semaphore, #tpu.memory_space<semaphore_mem>>
      %dma_start3A_43 = arith.constant 0 : i32
      %dma_start3A_44 = arith.constant 0 : i32
      %dma_start3A_45 = tpu.memref_slice %arg4[%add3A, %dma_start3A_43, %dma_start3A_44] : memref<32x125x80xi32, #tpu.memory_space<hbm>> -> memref<1x125x80xi32, #tpu.memory_space<hbm>>
      %dma_start3A_46 = tpu.memref_squeeze %dma_start3A_45 : memref<1x125x80xi32, #tpu.memory_space<hbm>> -> memref<125x80xi32, #tpu.memory_space<hbm>>
      %dma_start3A_47 = arith.constant 0 : i32
      %dma_start3A_48 = arith.constant 0 : i32
      %dma_start3A_49 = tpu.memref_slice %arg4[%add3A, %dma_start3A_47, %dma_start3A_48] : memref<32x125x80xi32, #tpu.memory_space<hbm>> -> memref<1x125x80xi32, #tpu.memory_space<hbm>>
      %dma_start3A_50 = tpu.memref_squeeze %dma_start3A_49 : memref<1x125x80xi32, #tpu.memory_space<hbm>> -> memref<125x80xi32, #tpu.memory_space<hbm>>
      tpu.enqueue_dma source(%dma_start3A_50 : memref<125x80xi32, #tpu.memory_space<hbm>>) target(%arg10 : memref<125x80xi32, #tpu.memory_space<vmem>>) target_semaphore(%run_scoped3A_42 : memref<!tpu.dma_semaphore, #tpu.memory_space<semaphore_mem>>)
      %dma_wait3A_51 = arith.constant 0 : i32
      %dma_wait3A_52 = arith.constant 0 : i32
      %dma_wait3A_53 = tpu.memref_slice %arg4[%add3A, %dma_wait3A_51, %dma_wait3A_52] : memref<32x125x80xi32, #tpu.memory_space<hbm>> -> memref<1x125x80xi32, #tpu.memory_space<hbm>>
      %dma_wait3A_54 = tpu.memref_squeeze %dma_wait3A_53 : memref<1x125x80xi32, #tpu.memory_space<hbm>> -> memref<125x80xi32, #tpu.memory_space<hbm>>
      %dma_wait3A_55 = arith.constant 0 : i32
      %dma_wait3A_56 = arith.constant 0 : i32
      %dma_wait3A_57 = tpu.memref_slice %arg4[%add3A, %dma_wait3A_55, %dma_wait3A_56] : memref<32x125x80xi32, #tpu.memory_space<hbm>> -> memref<1x125x80xi32, #tpu.memory_space<hbm>>
      %dma_wait3A_58 = tpu.memref_squeeze %dma_wait3A_57 : memref<1x125x80xi32, #tpu.memory_space<hbm>> -> memref<125x80xi32, #tpu.memory_space<hbm>>
      tpu.wait_dma2 semaphore(%run_scoped3A_42 : memref<!tpu.dma_semaphore, #tpu.memory_space<semaphore_mem>>) src(%dma_wait3A_58 : memref<125x80xi32, #tpu.memory_space<hbm>>) dst(%arg10 : memref<125x80xi32, #tpu.memory_space<vmem>>)
      tpu.yield
    }) : () -> ()
    %dma_wait3A = arith.constant 0 : i32
    %dma_wait3A_13 = tpu.memref_slice %arg8[%mul3A_0, %dma_wait3A] : memref<10000x128xf32, #tpu.memory_space<vmem_shared>> -> memref<624x128xf32, #tpu.memory_space<vmem_shared>>
    %dma_wait3A_14 = arith.constant 0 : i32
    %dma_wait3A_15 = tpu.memref_slice %arg5[%mul3A_0, %dma_wait3A_14] : memref<10000x128xf32, #tpu.memory_space<hbm>> -> memref<624x128xf32, #tpu.memory_space<hbm>>
    tpu.wait_dma2 semaphore(%arg14 : memref<!tpu.dma_semaphore, #tpu.memory_space<semaphore_mem>>) src(%dma_wait3A_15 : memref<624x128xf32, #tpu.memory_space<hbm>>) dst(%dma_wait3A_13 : memref<624x128xf32, #tpu.memory_space<vmem_shared>>)
    %eq3A_16 = arith.constant 15 : i32
    %eq3A_17 = arith.cmpi eq, %arg1, %eq3A_16 : i32
    %convert_element_type3A_18 = arith.extui %eq3A_17 : i1 to i32
    %cond3A_19 = arith.constant 0 : i32
    %cond3A_20 = arith.cmpi ne, %convert_element_type3A_18, %cond3A_19 : i32
    scf.if %cond3A_20 {
      %dma_wait3A_42 = arith.constant 9984 : i32
      %dma_wait3A_43 = arith.constant 0 : i32
      %dma_wait3A_44 = tpu.memref_slice %arg8[%dma_wait3A_42, %dma_wait3A_43] : memref<10000x128xf32, #tpu.memory_space<vmem_shared>> -> memref<16x128xf32, #tpu.memory_space<vmem_shared>>
      %dma_wait3A_45 = arith.constant 9984 : i32
      %dma_wait3A_46 = arith.constant 0 : i32
      %dma_wait3A_47 = tpu.memref_slice %arg5[%dma_wait3A_45, %dma_wait3A_46] : memref<10000x128xf32, #tpu.memory_space<hbm>> -> memref<16x128xf32, #tpu.memory_space<hbm>>
      tpu.wait_dma2 semaphore(%arg14 : memref<!tpu.dma_semaphore, #tpu.memory_space<semaphore_mem>>) src(%dma_wait3A_47 : memref<16x128xf32, #tpu.memory_space<hbm>>) dst(%dma_wait3A_44 : memref<16x128xf32, #tpu.memory_space<vmem_shared>>)
    } else {
    }
    %barrier3A = arith.constant 0 : index
    tpu.barrier barrier_id(%barrier3A)
    %scan3A = arith.constant 0 : i32
    %scan3A_21 = arith.constant 0 : i32
    %scan3A_22 = arith.constant 62 : i32
    %scan3A_23 = arith.addi %scan3A_21, %scan3A_22 : i32
    %scan3A_24 = arith.constant 1 : i32
    scf.for %scan3A_42 = %scan3A_21 to %scan3A_23 step %scan3A_24  : i32 {
      %mul3A_43 = arith.constant 2 : i32
      %mul3A_44 = arith.muli %mul3A_43, %scan3A_42 : i32
      %add3A_45 = arith.constant 1 : i32
      %add3A_46 = arith.addi %mul3A_44, %add3A_45 : i32
      %mul3A_47 = arith.constant 80 : i32
      %mul3A_48 = arith.muli %add3A_46, %mul3A_47 : i32
      %dma_start3A_49 = tpu.memref_slice %arg9[%mul3A_48] : memref<10000xi32, #tpu.memory_space<vmem>> -> memref<80xi32, #tpu.memory_space<vmem>>
      %dma_start3A_50 = arith.constant 0 : i32
      %dma_start3A_51 = arith.constant 0 : i32
      %dma_start3A_52 = tpu.memref_slice %arg2[%dma_start3A_50, %dma_start3A_51] : memref<10000x128xf32, #tpu.memory_space<hbm>> -> memref<10000x128xf32, #tpu.memory_space<hbm>>
      tpu.enqueue_indirect_dma source(%dma_start3A_52 : memref<10000x128xf32, #tpu.memory_space<hbm>>) target(%arg12 : memref<80x128xf32, #tpu.memory_space<vmem>>) offsets(%dma_start3A_49 : memref<80xi32, #tpu.memory_space<vmem>>) semaphore(%arg14 : memref<!tpu.dma_semaphore, #tpu.memory_space<semaphore_mem>>)
      %mul3A_53 = arith.constant 80 : i32
      %mul3A_54 = arith.muli %mul3A_44, %mul3A_53 : i32
      %dma_wait3A_55 = tpu.memref_slice %arg9[%mul3A_54] : memref<10000xi32, #tpu.memory_space<vmem>> -> memref<80xi32, #tpu.memory_space<vmem>>
      %dma_wait3A_56 = arith.constant 0 : i32
      %dma_wait3A_57 = arith.constant 0 : i32
      %dma_wait3A_58 = tpu.memref_slice %arg2[%dma_wait3A_56, %dma_wait3A_57] : memref<10000x128xf32, #tpu.memory_space<hbm>> -> memref<10000x128xf32, #tpu.memory_space<hbm>>
      tpu.wait_indirect_dma semaphore(%arg13 : memref<!tpu.dma_semaphore, #tpu.memory_space<semaphore_mem>>) src(%dma_wait3A_58 : memref<10000x128xf32, #tpu.memory_space<hbm>>) dst(%arg11 : memref<80x128xf32, #tpu.memory_space<vmem>>)
      "tpu.region"() ({
        %run_scoped3A_73 = tpu.sem_alloc : memref<!tpu.dma_semaphore, #tpu.memory_space<semaphore_mem>>
        %dma_start3A_74 = arith.constant 0 : i32
        %dma_start3A_75 = tpu.memref_slice %arg10[%mul3A_44, %dma_start3A_74] : memref<125x80xi32, #tpu.memory_space<vmem>> -> memref<1x80xi32, #tpu.memory_space<vmem>>
        %dma_start3A_76 = tpu.memref_squeeze %dma_start3A_75 : memref<1x80xi32, #tpu.memory_space<vmem>> -> memref<80xi32, #tpu.memory_space<vmem>>
        %dma_start3A_77 = arith.constant 0 : i32
        %dma_start3A_78 = arith.constant 0 : i32
        %dma_start3A_79 = tpu.memref_slice %arg8[%dma_start3A_77, %dma_start3A_78] : memref<10000x128xf32, #tpu.memory_space<vmem_shared>> -> memref<10000x128xf32, #tpu.memory_space<vmem_shared>>
        tpu.enqueue_indirect_dma source(%arg11 : memref<80x128xf32, #tpu.memory_space<vmem>>) target(%dma_start3A_79 : memref<10000x128xf32, #tpu.memory_space<vmem_shared>>) offsets(%dma_start3A_76 : memref<80xi32, #tpu.memory_space<vmem>>) semaphore(%run_scoped3A_73 : memref<!tpu.dma_semaphore, #tpu.memory_space<semaphore_mem>>) {add = true}
        %dma_wait3A_80 = arith.constant 0 : i32
        %dma_wait3A_81 = tpu.memref_slice %arg10[%mul3A_44, %dma_wait3A_80] : memref<125x80xi32, #tpu.memory_space<vmem>> -> memref<1x80xi32, #tpu.memory_space<vmem>>
        %dma_wait3A_82 = tpu.memref_squeeze %dma_wait3A_81 : memref<1x80xi32, #tpu.memory_space<vmem>> -> memref<80xi32, #tpu.memory_space<vmem>>
        %dma_wait3A_83 = arith.constant 0 : i32
        %dma_wait3A_84 = arith.constant 0 : i32
        %dma_wait3A_85 = tpu.memref_slice %arg8[%dma_wait3A_83, %dma_wait3A_84] : memref<10000x128xf32, #tpu.memory_space<vmem_shared>> -> memref<10000x128xf32, #tpu.memory_space<vmem_shared>>
        tpu.wait_indirect_dma semaphore(%run_scoped3A_73 : memref<!tpu.dma_semaphore, #tpu.memory_space<semaphore_mem>>) src(%arg11 : memref<80x128xf32, #tpu.memory_space<vmem>>) dst(%dma_wait3A_85 : memref<10000x128xf32, #tpu.memory_space<vmem_shared>>)
        tpu.yield
      }) : () -> ()
      %add3A_59 = arith.constant 2 : i32
      %add3A_60 = arith.addi %mul3A_44, %add3A_59 : i32
      %lt3A = arith.constant 125 : i32
      %lt3A_61 = arith.cmpi slt, %add3A_60, %lt3A : i32
      %convert_element_type3A_62 = arith.extui %lt3A_61 : i1 to i32
      %cond3A_63 = arith.constant 0 : i32
      %cond3A_64 = arith.cmpi ne, %convert_element_type3A_62, %cond3A_63 : i32
      scf.if %cond3A_64 {
        %add3A_73 = arith.constant 2 : i32
        %add3A_74 = arith.addi %mul3A_44, %add3A_73 : i32
        %mul3A_75 = arith.constant 80 : i32
        %mul3A_76 = arith.muli %add3A_74, %mul3A_75 : i32
        %dma_start3A_77 = tpu.memref_slice %arg9[%mul3A_76] : memref<10000xi32, #tpu.memory_space<vmem>> -> memref<80xi32, #tpu.memory_space<vmem>>
        %dma_start3A_78 = arith.constant 0 : i32
        %dma_start3A_79 = arith.constant 0 : i32
        %dma_start3A_80 = tpu.memref_slice %arg2[%dma_start3A_78, %dma_start3A_79] : memref<10000x128xf32, #tpu.memory_space<hbm>> -> memref<10000x128xf32, #tpu.memory_space<hbm>>
        tpu.enqueue_indirect_dma source(%dma_start3A_80 : memref<10000x128xf32, #tpu.memory_space<hbm>>) target(%arg11 : memref<80x128xf32, #tpu.memory_space<vmem>>) offsets(%dma_start3A_77 : memref<80xi32, #tpu.memory_space<vmem>>) semaphore(%arg13 : memref<!tpu.dma_semaphore, #tpu.memory_space<semaphore_mem>>)
      } else {
      }
      %add3A_65 = arith.constant 1 : i32
      %add3A_66 = arith.addi %mul3A_44, %add3A_65 : i32
      %mul3A_67 = arith.constant 80 : i32
      %mul3A_68 = arith.muli %add3A_66, %mul3A_67 : i32
      %dma_wait3A_69 = tpu.memref_slice %arg9[%mul3A_68] : memref<10000xi32, #tpu.memory_space<vmem>> -> memref<80xi32, #tpu.memory_space<vmem>>
      %dma_wait3A_70 = arith.constant 0 : i32
      %dma_wait3A_71 = arith.constant 0 : i32
      %dma_wait3A_72 = tpu.memref_slice %arg2[%dma_wait3A_70, %dma_wait3A_71] : memref<10000x128xf32, #tpu.memory_space<hbm>> -> memref<10000x128xf32, #tpu.memory_space<hbm>>
      tpu.wait_indirect_dma semaphore(%arg14 : memref<!tpu.dma_semaphore, #tpu.memory_space<semaphore_mem>>) src(%dma_wait3A_72 : memref<10000x128xf32, #tpu.memory_space<hbm>>) dst(%arg12 : memref<80x128xf32, #tpu.memory_space<vmem>>)
      "tpu.region"() ({
        %run_scoped3A_73 = tpu.sem_alloc : memref<!tpu.dma_semaphore, #tpu.memory_space<semaphore_mem>>
        %dma_start3A_74 = arith.constant 0 : i32
        %dma_start3A_75 = tpu.memref_slice %arg10[%add3A_66, %dma_start3A_74] : memref<125x80xi32, #tpu.memory_space<vmem>> -> memref<1x80xi32, #tpu.memory_space<vmem>>
        %dma_start3A_76 = tpu.memref_squeeze %dma_start3A_75 : memref<1x80xi32, #tpu.memory_space<vmem>> -> memref<80xi32, #tpu.memory_space<vmem>>
        %dma_start3A_77 = arith.constant 0 : i32
        %dma_start3A_78 = arith.constant 0 : i32
        %dma_start3A_79 = tpu.memref_slice %arg8[%dma_start3A_77, %dma_start3A_78] : memref<10000x128xf32, #tpu.memory_space<vmem_shared>> -> memref<10000x128xf32, #tpu.memory_space<vmem_shared>>
        tpu.enqueue_indirect_dma source(%arg12 : memref<80x128xf32, #tpu.memory_space<vmem>>) target(%dma_start3A_79 : memref<10000x128xf32, #tpu.memory_space<vmem_shared>>) offsets(%dma_start3A_76 : memref<80xi32, #tpu.memory_space<vmem>>) semaphore(%run_scoped3A_73 : memref<!tpu.dma_semaphore, #tpu.memory_space<semaphore_mem>>) {add = true}
        %dma_wait3A_80 = arith.constant 0 : i32
        %dma_wait3A_81 = tpu.memref_slice %arg10[%add3A_66, %dma_wait3A_80] : memref<125x80xi32, #tpu.memory_space<vmem>> -> memref<1x80xi32, #tpu.memory_space<vmem>>
        %dma_wait3A_82 = tpu.memref_squeeze %dma_wait3A_81 : memref<1x80xi32, #tpu.memory_space<vmem>> -> memref<80xi32, #tpu.memory_space<vmem>>
        %dma_wait3A_83 = arith.constant 0 : i32
        %dma_wait3A_84 = arith.constant 0 : i32
        %dma_wait3A_85 = tpu.memref_slice %arg8[%dma_wait3A_83, %dma_wait3A_84] : memref<10000x128xf32, #tpu.memory_space<vmem_shared>> -> memref<10000x128xf32, #tpu.memory_space<vmem_shared>>
        tpu.wait_indirect_dma semaphore(%run_scoped3A_73 : memref<!tpu.dma_semaphore, #tpu.memory_space<semaphore_mem>>) src(%arg12 : memref<80x128xf32, #tpu.memory_space<vmem>>) dst(%dma_wait3A_85 : memref<10000x128xf32, #tpu.memory_space<vmem_shared>>)
        tpu.yield
      }) : () -> ()
    }
    %scan3A_25 = arith.constant 62 : i32
    %dma_wait3A_26 = arith.constant 9920 : i32
    %dma_wait3A_27 = tpu.memref_slice %arg9[%dma_wait3A_26] : memref<10000xi32, #tpu.memory_space<vmem>> -> memref<80xi32, #tpu.memory_space<vmem>>
    %dma_wait3A_28 = arith.constant 0 : i32
    %dma_wait3A_29 = arith.constant 0 : i32
    %dma_wait3A_30 = tpu.memref_slice %arg2[%dma_wait3A_28, %dma_wait3A_29] : memref<10000x128xf32, #tpu.memory_space<hbm>> -> memref<10000x128xf32, #tpu.memory_space<hbm>>
    tpu.wait_indirect_dma semaphore(%arg13 : memref<!tpu.dma_semaphore, #tpu.memory_space<semaphore_mem>>) src(%dma_wait3A_30 : memref<10000x128xf32, #tpu.memory_space<hbm>>) dst(%arg11 : memref<80x128xf32, #tpu.memory_space<vmem>>)
    %run_scoped3A = arith.constant 124 : i32
    "tpu.region"() ({
      %run_scoped3A_42 = tpu.sem_alloc : memref<!tpu.dma_semaphore, #tpu.memory_space<semaphore_mem>>
      %dma_start3A_43 = arith.constant 0 : i32
      %dma_start3A_44 = tpu.memref_slice %arg10[%run_scoped3A, %dma_start3A_43] : memref<125x80xi32, #tpu.memory_space<vmem>> -> memref<1x80xi32, #tpu.memory_space<vmem>>
      %dma_start3A_45 = tpu.memref_squeeze %dma_start3A_44 : memref<1x80xi32, #tpu.memory_space<vmem>> -> memref<80xi32, #tpu.memory_space<vmem>>
      %dma_start3A_46 = arith.constant 0 : i32
      %dma_start3A_47 = arith.constant 0 : i32
      %dma_start3A_48 = tpu.memref_slice %arg8[%dma_start3A_46, %dma_start3A_47] : memref<10000x128xf32, #tpu.memory_space<vmem_shared>> -> memref<10000x128xf32, #tpu.memory_space<vmem_shared>>
      tpu.enqueue_indirect_dma source(%arg11 : memref<80x128xf32, #tpu.memory_space<vmem>>) target(%dma_start3A_48 : memref<10000x128xf32, #tpu.memory_space<vmem_shared>>) offsets(%dma_start3A_45 : memref<80xi32, #tpu.memory_space<vmem>>) semaphore(%run_scoped3A_42 : memref<!tpu.dma_semaphore, #tpu.memory_space<semaphore_mem>>) {add = true}
      %dma_wait3A_49 = arith.constant 0 : i32
      %dma_wait3A_50 = tpu.memref_slice %arg10[%run_scoped3A, %dma_wait3A_49] : memref<125x80xi32, #tpu.memory_space<vmem>> -> memref<1x80xi32, #tpu.memory_space<vmem>>
      %dma_wait3A_51 = tpu.memref_squeeze %dma_wait3A_50 : memref<1x80xi32, #tpu.memory_space<vmem>> -> memref<80xi32, #tpu.memory_space<vmem>>
      %dma_wait3A_52 = arith.constant 0 : i32
      %dma_wait3A_53 = arith.constant 0 : i32
      %dma_wait3A_54 = tpu.memref_slice %arg8[%dma_wait3A_52, %dma_wait3A_53] : memref<10000x128xf32, #tpu.memory_space<vmem_shared>> -> memref<10000x128xf32, #tpu.memory_space<vmem_shared>>
      tpu.wait_indirect_dma semaphore(%run_scoped3A_42 : memref<!tpu.dma_semaphore, #tpu.memory_space<semaphore_mem>>) src(%arg11 : memref<80x128xf32, #tpu.memory_space<vmem>>) dst(%dma_wait3A_54 : memref<10000x128xf32, #tpu.memory_space<vmem_shared>>)
      tpu.yield
    }) : () -> ()
    %barrier3A_31 = arith.constant 0 : index
    tpu.barrier barrier_id(%barrier3A_31)
    %eq3A_32 = arith.constant 0 : i32
    %eq3A_33 = arith.cmpi eq, %arg0, %eq3A_32 : i32
    %convert_element_type3A_34 = arith.extui %eq3A_33 : i1 to i32
    %cond3A_35 = arith.constant 0 : i32
    %cond3A_36 = arith.cmpi ne, %convert_element_type3A_34, %cond3A_35 : i32
    scf.if %cond3A_36 {
      %mul3A_42 = arith.constant 624 : i32
      %mul3A_43 = arith.muli %arg1, %mul3A_42 : i32
      "tpu.region"() ({
        %run_scoped3A_49 = tpu.sem_alloc : memref<!tpu.dma_semaphore, #tpu.memory_space<semaphore_mem>>
        %dma_start3A_50 = arith.constant 0 : i32
        %dma_start3A_51 = tpu.memref_slice %arg6[%mul3A_43, %dma_start3A_50] : memref<10000x128xf32, #tpu.memory_space<hbm>> -> memref<624x128xf32, #tpu.memory_space<hbm>>
        %dma_start3A_52 = arith.constant 0 : i32
        %dma_start3A_53 = tpu.memref_slice %arg8[%mul3A_43, %dma_start3A_52] : memref<10000x128xf32, #tpu.memory_space<vmem_shared>> -> memref<624x128xf32, #tpu.memory_space<vmem_shared>>
        tpu.enqueue_dma source(%dma_start3A_53 : memref<624x128xf32, #tpu.memory_space<vmem_shared>>) target(%dma_start3A_51 : memref<624x128xf32, #tpu.memory_space<hbm>>) target_semaphore(%run_scoped3A_49 : memref<!tpu.dma_semaphore, #tpu.memory_space<semaphore_mem>>)
        %dma_wait3A_54 = arith.constant 0 : i32
        %dma_wait3A_55 = tpu.memref_slice %arg6[%mul3A_43, %dma_wait3A_54] : memref<10000x128xf32, #tpu.memory_space<hbm>> -> memref<624x128xf32, #tpu.memory_space<hbm>>
        %dma_wait3A_56 = arith.constant 0 : i32
        %dma_wait3A_57 = tpu.memref_slice %arg8[%mul3A_43, %dma_wait3A_56] : memref<10000x128xf32, #tpu.memory_space<vmem_shared>> -> memref<624x128xf32, #tpu.memory_space<vmem_shared>>
        tpu.wait_dma2 semaphore(%run_scoped3A_49 : memref<!tpu.dma_semaphore, #tpu.memory_space<semaphore_mem>>) src(%dma_wait3A_57 : memref<624x128xf32, #tpu.memory_space<vmem_shared>>) dst(%dma_wait3A_55 : memref<624x128xf32, #tpu.memory_space<hbm>>)
        tpu.yield
      }) : () -> ()
      %eq3A_44 = arith.constant 15 : i32
      %eq3A_45 = arith.cmpi eq, %arg1, %eq3A_44 : i32
      %convert_element_type3A_46 = arith.extui %eq3A_45 : i1 to i32
      %cond3A_47 = arith.constant 0 : i32
      %cond3A_48 = arith.cmpi ne, %convert_element_type3A_46, %cond3A_47 : i32
      scf.if %cond3A_48 {
        "tpu.region"() ({
          %run_scoped3A_49 = tpu.sem_alloc : memref<!tpu.dma_semaphore, #tpu.memory_space<semaphore_mem>>
          %dma_start3A_50 = arith.constant 9984 : i32
          %dma_start3A_51 = arith.constant 0 : i32
          %dma_start3A_52 = tpu.memref_slice %arg6[%dma_start3A_50, %dma_start3A_51] : memref<10000x128xf32, #tpu.memory_space<hbm>> -> memref<16x128xf32, #tpu.memory_space<hbm>>
          %dma_start3A_53 = arith.constant 9984 : i32
          %dma_start3A_54 = arith.constant 0 : i32
          %dma_start3A_55 = tpu.memref_slice %arg8[%dma_start3A_53, %dma_start3A_54] : memref<10000x128xf32, #tpu.memory_space<vmem_shared>> -> memref<16x128xf32, #tpu.memory_space<vmem_shared>>
          tpu.enqueue_dma source(%dma_start3A_55 : memref<16x128xf32, #tpu.memory_space<vmem_shared>>) target(%dma_start3A_52 : memref<16x128xf32, #tpu.memory_space<hbm>>) target_semaphore(%run_scoped3A_49 : memref<!tpu.dma_semaphore, #tpu.memory_space<semaphore_mem>>)
          %dma_wait3A_56 = arith.constant 9984 : i32
          %dma_wait3A_57 = arith.constant 0 : i32
          %dma_wait3A_58 = tpu.memref_slice %arg6[%dma_wait3A_56, %dma_wait3A_57] : memref<10000x128xf32, #tpu.memory_space<hbm>> -> memref<16x128xf32, #tpu.memory_space<hbm>>
          %dma_wait3A_59 = arith.constant 9984 : i32
          %dma_wait3A_60 = arith.constant 0 : i32
          %dma_wait3A_61 = tpu.memref_slice %arg8[%dma_wait3A_59, %dma_wait3A_60] : memref<10000x128xf32, #tpu.memory_space<vmem_shared>> -> memref<16x128xf32, #tpu.memory_space<vmem_shared>>
          tpu.wait_dma2 semaphore(%run_scoped3A_49 : memref<!tpu.dma_semaphore, #tpu.memory_space<semaphore_mem>>) src(%dma_wait3A_61 : memref<16x128xf32, #tpu.memory_space<vmem_shared>>) dst(%dma_wait3A_58 : memref<16x128xf32, #tpu.memory_space<hbm>>)
          tpu.yield
        }) : () -> ()
      } else {
      }
    } else {
    }
    %eq3A_37 = arith.constant 1 : i32
    %eq3A_38 = arith.cmpi eq, %arg0, %eq3A_37 : i32
    %convert_element_type3A_39 = arith.extui %eq3A_38 : i1 to i32
    %cond3A_40 = arith.constant 0 : i32
    %cond3A_41 = arith.cmpi ne, %convert_element_type3A_39, %cond3A_40 : i32
    scf.if %cond3A_41 {
      %mul3A_42 = arith.constant 624 : i32
      %mul3A_43 = arith.muli %arg1, %mul3A_42 : i32
      "tpu.region"() ({
        %run_scoped3A_49 = tpu.sem_alloc : memref<!tpu.dma_semaphore, #tpu.memory_space<semaphore_mem>>
        %dma_start3A_50 = arith.constant 0 : i32
        %dma_start3A_51 = tpu.memref_slice %arg7[%mul3A_43, %dma_start3A_50] : memref<10000x128xf32, #tpu.memory_space<hbm>> -> memref<624x128xf32, #tpu.memory_space<hbm>>
        %dma_start3A_52 = arith.constant 0 : i32
        %dma_start3A_53 = tpu.memref_slice %arg8[%mul3A_43, %dma_start3A_52] : memref<10000x128xf32, #tpu.memory_space<vmem_shared>> -> memref<624x128xf32, #tpu.memory_space<vmem_shared>>
        tpu.enqueue_dma source(%dma_start3A_53 : memref<624x128xf32, #tpu.memory_space<vmem_shared>>) target(%dma_start3A_51 : memref<624x128xf32, #tpu.memory_space<hbm>>) target_semaphore(%run_scoped3A_49 : memref<!tpu.dma_semaphore, #tpu.memory_space<semaphore_mem>>)
        %dma_wait3A_54 = arith.constant 0 : i32
        %dma_wait3A_55 = tpu.memref_slice %arg7[%mul3A_43, %dma_wait3A_54] : memref<10000x128xf32, #tpu.memory_space<hbm>> -> memref<624x128xf32, #tpu.memory_space<hbm>>
        %dma_wait3A_56 = arith.constant 0 : i32
        %dma_wait3A_57 = tpu.memref_slice %arg8[%mul3A_43, %dma_wait3A_56] : memref<10000x128xf32, #tpu.memory_space<vmem_shared>> -> memref<624x128xf32, #tpu.memory_space<vmem_shared>>
        tpu.wait_dma2 semaphore(%run_scoped3A_49 : memref<!tpu.dma_semaphore, #tpu.memory_space<semaphore_mem>>) src(%dma_wait3A_57 : memref<624x128xf32, #tpu.memory_space<vmem_shared>>) dst(%dma_wait3A_55 : memref<624x128xf32, #tpu.memory_space<hbm>>)
        tpu.yield
      }) : () -> ()
      %eq3A_44 = arith.constant 15 : i32
      %eq3A_45 = arith.cmpi eq, %arg1, %eq3A_44 : i32
      %convert_element_type3A_46 = arith.extui %eq3A_45 : i1 to i32
      %cond3A_47 = arith.constant 0 : i32
      %cond3A_48 = arith.cmpi ne, %convert_element_type3A_46, %cond3A_47 : i32
      scf.if %cond3A_48 {
        "tpu.region"() ({
          %run_scoped3A_49 = tpu.sem_alloc : memref<!tpu.dma_semaphore, #tpu.memory_space<semaphore_mem>>
          %dma_start3A_50 = arith.constant 9984 : i32
          %dma_start3A_51 = arith.constant 0 : i32
          %dma_start3A_52 = tpu.memref_slice %arg7[%dma_start3A_50, %dma_start3A_51] : memref<10000x128xf32, #tpu.memory_space<hbm>> -> memref<16x128xf32, #tpu.memory_space<hbm>>
          %dma_start3A_53 = arith.constant 9984 : i32
          %dma_start3A_54 = arith.constant 0 : i32
          %dma_start3A_55 = tpu.memref_slice %arg8[%dma_start3A_53, %dma_start3A_54] : memref<10000x128xf32, #tpu.memory_space<vmem_shared>> -> memref<16x128xf32, #tpu.memory_space<vmem_shared>>
          tpu.enqueue_dma source(%dma_start3A_55 : memref<16x128xf32, #tpu.memory_space<vmem_shared>>) target(%dma_start3A_52 : memref<16x128xf32, #tpu.memory_space<hbm>>) target_semaphore(%run_scoped3A_49 : memref<!tpu.dma_semaphore, #tpu.memory_space<semaphore_mem>>)
          %dma_wait3A_56 = arith.constant 9984 : i32
          %dma_wait3A_57 = arith.constant 0 : i32
          %dma_wait3A_58 = tpu.memref_slice %arg7[%dma_wait3A_56, %dma_wait3A_57] : memref<10000x128xf32, #tpu.memory_space<hbm>> -> memref<16x128xf32, #tpu.memory_space<hbm>>
          %dma_wait3A_59 = arith.constant 9984 : i32
          %dma_wait3A_60 = arith.constant 0 : i32
          %dma_wait3A_61 = tpu.memref_slice %arg8[%dma_wait3A_59, %dma_wait3A_60] : memref<10000x128xf32, #tpu.memory_space<vmem_shared>> -> memref<16x128xf32, #tpu.memory_space<vmem_shared>>
          tpu.wait_dma2 semaphore(%run_scoped3A_49 : memref<!tpu.dma_semaphore, #tpu.memory_space<semaphore_mem>>) src(%dma_wait3A_61 : memref<16x128xf32, #tpu.memory_space<vmem_shared>>) dst(%dma_wait3A_58 : memref<16x128xf32, #tpu.memory_space<hbm>>)
          tpu.yield
        }) : () -> ()
      } else {
      }
    } else {
    }
    return
  }
}

#map = affine_map<(d0, d1) -> (0, 0)>
#map1 = affine_map<(d0, d1) -> (0)>
module attributes {stable_mosaic.version = 14 : i64} {
  func.func @_count_body(%arg0: i32, %arg1: i32, %arg2: memref<32x10000xi32, #tpu.memory_space<hbm>>, %arg3: memref<10112xf32, #tpu.memory_space<hbm>>, %arg4: memref<10000x16xf32, #tpu.memory_space<hbm>>, %arg5: memref<10000x16xf32, #tpu.memory_space<hbm>>, %arg6: memref<16x10112xf32, #tpu.memory_space<vmem_shared>>, %arg7: memref<10000xi32, #tpu.memory_space<vmem>>, %arg8: memref<10112xf32, #tpu.memory_space<vmem>>, %arg9: memref<16x640xf32, #tpu.memory_space<vmem>>, %arg10: memref<640x16xf32, #tpu.memory_space<vmem>>) attributes {dimension_semantics = [#tpu.dimension_semantics<core_parallel>, #tpu.dimension_semantics<subcore_parallel>], iteration_bounds = array<i64: 2, 16>, scalar_prefetch = 0 : i64, scratch_operands = 5 : i64, tpu.core_type = #tpu.core_type<sc_vector_subcore>, window_params = [{transform_indices = #map}, {transform_indices = #map1}, {transform_indices = #map}, {transform_indices = #map}]} {
    %mul3A = arith.constant 16 : i32
    %mul3A_0 = arith.muli %arg0, %mul3A : i32
    %add3A = arith.addi %mul3A_0, %arg1 : i32
    "tpu.region"() ({
      %run_scoped3A = tpu.sem_alloc : memref<!tpu.dma_semaphore, #tpu.memory_space<semaphore_mem>>
      %dma_start3A = arith.constant 0 : i32
      %dma_start3A_23 = tpu.memref_slice %arg2[%add3A, %dma_start3A] : memref<32x10000xi32, #tpu.memory_space<hbm>> -> memref<1x10000xi32, #tpu.memory_space<hbm>>
      %dma_start3A_24 = tpu.memref_squeeze %dma_start3A_23 : memref<1x10000xi32, #tpu.memory_space<hbm>> -> memref<10000xi32, #tpu.memory_space<hbm>>
      %dma_start3A_25 = arith.constant 0 : i32
      %dma_start3A_26 = tpu.memref_slice %arg2[%add3A, %dma_start3A_25] : memref<32x10000xi32, #tpu.memory_space<hbm>> -> memref<1x10000xi32, #tpu.memory_space<hbm>>
      %dma_start3A_27 = tpu.memref_squeeze %dma_start3A_26 : memref<1x10000xi32, #tpu.memory_space<hbm>> -> memref<10000xi32, #tpu.memory_space<hbm>>
      tpu.enqueue_dma source(%dma_start3A_27 : memref<10000xi32, #tpu.memory_space<hbm>>) target(%arg7 : memref<10000xi32, #tpu.memory_space<vmem>>) target_semaphore(%run_scoped3A : memref<!tpu.dma_semaphore, #tpu.memory_space<semaphore_mem>>)
      %dma_wait3A = arith.constant 0 : i32
      %dma_wait3A_28 = tpu.memref_slice %arg2[%add3A, %dma_wait3A] : memref<32x10000xi32, #tpu.memory_space<hbm>> -> memref<1x10000xi32, #tpu.memory_space<hbm>>
      %dma_wait3A_29 = tpu.memref_squeeze %dma_wait3A_28 : memref<1x10000xi32, #tpu.memory_space<hbm>> -> memref<10000xi32, #tpu.memory_space<hbm>>
      %dma_wait3A_30 = arith.constant 0 : i32
      %dma_wait3A_31 = tpu.memref_slice %arg2[%add3A, %dma_wait3A_30] : memref<32x10000xi32, #tpu.memory_space<hbm>> -> memref<1x10000xi32, #tpu.memory_space<hbm>>
      %dma_wait3A_32 = tpu.memref_squeeze %dma_wait3A_31 : memref<1x10000xi32, #tpu.memory_space<hbm>> -> memref<10000xi32, #tpu.memory_space<hbm>>
      tpu.wait_dma2 semaphore(%run_scoped3A : memref<!tpu.dma_semaphore, #tpu.memory_space<semaphore_mem>>) src(%dma_wait3A_32 : memref<10000xi32, #tpu.memory_space<hbm>>) dst(%arg7 : memref<10000xi32, #tpu.memory_space<vmem>>)
      tpu.yield
    }) : () -> ()
    "tpu.region"() ({
      %run_scoped3A = tpu.sem_alloc : memref<!tpu.dma_semaphore, #tpu.memory_space<semaphore_mem>>
      tpu.enqueue_dma source(%arg3 : memref<10112xf32, #tpu.memory_space<hbm>>) target(%arg8 : memref<10112xf32, #tpu.memory_space<vmem>>) target_semaphore(%run_scoped3A : memref<!tpu.dma_semaphore, #tpu.memory_space<semaphore_mem>>)
      tpu.wait_dma2 semaphore(%run_scoped3A : memref<!tpu.dma_semaphore, #tpu.memory_space<semaphore_mem>>) src(%arg3 : memref<10112xf32, #tpu.memory_space<hbm>>) dst(%arg8 : memref<10112xf32, #tpu.memory_space<vmem>>)
      tpu.yield
    }) : () -> ()
    %broadcast_in_dim3A = arith.constant 1.000000e+00 : f32
    %broadcast_in_dim3A_1 = vector.broadcast %broadcast_in_dim3A : f32 to vector<16xf32>
    %scan3A = arith.constant 0 : i32
    %scan3A_2 = arith.constant 0 : i32
    %scan3A_3 = arith.constant 625 : i32
    %scan3A_4 = arith.addi %scan3A_2, %scan3A_3 : i32
    %scan3A_5 = arith.constant 1 : i32
    scf.for %scan3A_23 = %scan3A_2 to %scan3A_4 step %scan3A_5  : i32 {
      %mul3A_24 = arith.constant 16 : i32
      %mul3A_25 = arith.muli %scan3A_23, %mul3A_24 : i32
      %get3A = arith.index_cast %mul3A_25 : i32 to index
      %get3A_26 = tpu.vector_load %arg7[%get3A] {strides = array<i32>} : memref<10000xi32, #tpu.memory_space<vmem>>, vector<16xi32>,
      tpu.vector_store_idx %arg8[%get3A_26], %broadcast_in_dim3A_1 {add = true} : memref<10112xf32, #tpu.memory_space<vmem>>[vector<16xi32>], vector<16xf32>,
    }
    %scan3A_6 = arith.constant 625 : i32
    "tpu.region"() ({
      %run_scoped3A = tpu.sem_alloc : memref<!tpu.dma_semaphore, #tpu.memory_space<semaphore_mem>>
      %dma_start3A = arith.constant 0 : i32
      %dma_start3A_23 = tpu.memref_slice %arg6[%arg1, %dma_start3A] : memref<16x10112xf32, #tpu.memory_space<vmem_shared>> -> memref<1x10112xf32, #tpu.memory_space<vmem_shared>>
      %dma_start3A_24 = tpu.memref_squeeze %dma_start3A_23 : memref<1x10112xf32, #tpu.memory_space<vmem_shared>> -> memref<10112xf32, #tpu.memory_space<vmem_shared>>
      %dma_start3A_25 = arith.constant 0 : i32
      %dma_start3A_26 = tpu.memref_slice %arg6[%arg1, %dma_start3A_25] : memref<16x10112xf32, #tpu.memory_space<vmem_shared>> -> memref<1x10112xf32, #tpu.memory_space<vmem_shared>>
      %dma_start3A_27 = tpu.memref_squeeze %dma_start3A_26 : memref<1x10112xf32, #tpu.memory_space<vmem_shared>> -> memref<10112xf32, #tpu.memory_space<vmem_shared>>
      tpu.enqueue_dma source(%arg8 : memref<10112xf32, #tpu.memory_space<vmem>>) target(%dma_start3A_27 : memref<10112xf32, #tpu.memory_space<vmem_shared>>) target_semaphore(%run_scoped3A : memref<!tpu.dma_semaphore, #tpu.memory_space<semaphore_mem>>)
      %dma_wait3A = arith.constant 0 : i32
      %dma_wait3A_28 = tpu.memref_slice %arg6[%arg1, %dma_wait3A] : memref<16x10112xf32, #tpu.memory_space<vmem_shared>> -> memref<1x10112xf32, #tpu.memory_space<vmem_shared>>
      %dma_wait3A_29 = tpu.memref_squeeze %dma_wait3A_28 : memref<1x10112xf32, #tpu.memory_space<vmem_shared>> -> memref<10112xf32, #tpu.memory_space<vmem_shared>>
      %dma_wait3A_30 = arith.constant 0 : i32
      %dma_wait3A_31 = tpu.memref_slice %arg6[%arg1, %dma_wait3A_30] : memref<16x10112xf32, #tpu.memory_space<vmem_shared>> -> memref<1x10112xf32, #tpu.memory_space<vmem_shared>>
      %dma_wait3A_32 = tpu.memref_squeeze %dma_wait3A_31 : memref<1x10112xf32, #tpu.memory_space<vmem_shared>> -> memref<10112xf32, #tpu.memory_space<vmem_shared>>
      tpu.wait_dma2 semaphore(%run_scoped3A : memref<!tpu.dma_semaphore, #tpu.memory_space<semaphore_mem>>) src(%arg8 : memref<10112xf32, #tpu.memory_space<vmem>>) dst(%dma_wait3A_32 : memref<10112xf32, #tpu.memory_space<vmem_shared>>)
      tpu.yield
    }) : () -> ()
    %barrier3A = arith.constant 0 : index
    tpu.barrier barrier_id(%barrier3A)
    %lt3A = arith.constant 15 : i32
    %lt3A_7 = arith.cmpi slt, %arg1, %lt3A : i32
    %convert_element_type3A = arith.extui %lt3A_7 : i1 to i32
    %cond3A = arith.constant 0 : i32
    %cond3A_8 = arith.cmpi ne, %convert_element_type3A, %cond3A : i32
    scf.if %cond3A_8 {
      %mul3A_23 = arith.constant 640 : i32
      %mul3A_24 = arith.muli %arg1, %mul3A_23 : i32
      "tpu.region"() ({
        %run_scoped3A = tpu.sem_alloc : memref<!tpu.dma_semaphore, #tpu.memory_space<semaphore_mem>>
        %dma_start3A = arith.constant 0 : i32
        %dma_start3A_33 = arith.constant 0 : i32
        %dma_start3A_34 = tpu.memref_slice %arg9[%dma_start3A, %dma_start3A_33] : memref<16x640xf32, #tpu.memory_space<vmem>> -> memref<16x640xf32, #tpu.memory_space<vmem>>
        %dma_start3A_35 = arith.constant 0 : i32
        %dma_start3A_36 = tpu.memref_slice %arg6[%dma_start3A_35, %mul3A_24] : memref<16x10112xf32, #tpu.memory_space<vmem_shared>> -> memref<16x640xf32, #tpu.memory_space<vmem_shared>>
        %dma_start3A_37 = arith.constant 0 : i32
        %dma_start3A_38 = arith.constant 0 : i32
        %dma_start3A_39 = tpu.memref_slice %arg9[%dma_start3A_37, %dma_start3A_38] : memref<16x640xf32, #tpu.memory_space<vmem>> -> memref<16x640xf32, #tpu.memory_space<vmem>>
        %dma_start3A_40 = arith.constant 0 : i32
        %dma_start3A_41 = tpu.memref_slice %arg6[%dma_start3A_40, %mul3A_24] : memref<16x10112xf32, #tpu.memory_space<vmem_shared>> -> memref<16x640xf32, #tpu.memory_space<vmem_shared>>
        tpu.enqueue_dma source(%dma_start3A_41 : memref<16x640xf32, #tpu.memory_space<vmem_shared>>) target(%dma_start3A_39 : memref<16x640xf32, #tpu.memory_space<vmem>>) target_semaphore(%run_scoped3A : memref<!tpu.dma_semaphore, #tpu.memory_space<semaphore_mem>>)
        %dma_wait3A = arith.constant 0 : i32
        %dma_wait3A_42 = arith.constant 0 : i32
        %dma_wait3A_43 = tpu.memref_slice %arg9[%dma_wait3A, %dma_wait3A_42] : memref<16x640xf32, #tpu.memory_space<vmem>> -> memref<16x640xf32, #tpu.memory_space<vmem>>
        %dma_wait3A_44 = arith.constant 0 : i32
        %dma_wait3A_45 = tpu.memref_slice %arg6[%dma_wait3A_44, %mul3A_24] : memref<16x10112xf32, #tpu.memory_space<vmem_shared>> -> memref<16x640xf32, #tpu.memory_space<vmem_shared>>
        %dma_wait3A_46 = arith.constant 0 : i32
        %dma_wait3A_47 = arith.constant 0 : i32
        %dma_wait3A_48 = tpu.memref_slice %arg9[%dma_wait3A_46, %dma_wait3A_47] : memref<16x640xf32, #tpu.memory_space<vmem>> -> memref<16x640xf32, #tpu.memory_space<vmem>>
        %dma_wait3A_49 = arith.constant 0 : i32
        %dma_wait3A_50 = tpu.memref_slice %arg6[%dma_wait3A_49, %mul3A_24] : memref<16x10112xf32, #tpu.memory_space<vmem_shared>> -> memref<16x640xf32, #tpu.memory_space<vmem_shared>>
        tpu.wait_dma2 semaphore(%run_scoped3A : memref<!tpu.dma_semaphore, #tpu.memory_space<semaphore_mem>>) src(%dma_wait3A_50 : memref<16x640xf32, #tpu.memory_space<vmem_shared>>) dst(%dma_wait3A_48 : memref<16x640xf32, #tpu.memory_space<vmem>>)
        tpu.yield
      }) : () -> ()
      %broadcast_in_dim3A_25 = arith.constant 0 : i32
      %broadcast_in_dim3A_26 = vector.broadcast %broadcast_in_dim3A_25 : i32 to vector<16xi32>
      %iota3A = tpu.iota {dimensions = array<i32: 0>} : vector<16xi32>
      %scan3A_27 = arith.constant 0 : i32
      %scan3A_28 = arith.constant 0 : i32
      %scan3A_29 = arith.constant 40 : i32
      %scan3A_30 = arith.addi %scan3A_28, %scan3A_29 : i32
      %scan3A_31 = arith.constant 1 : i32
      scf.for %scan3A_33 = %scan3A_28 to %scan3A_30 step %scan3A_31  : i32 {
        %mul3A_34 = arith.constant 16 : i32
        %mul3A_35 = arith.muli %scan3A_33, %mul3A_34 : i32
        %get3A = arith.constant 0 : i32
        %get3A_36 = arith.index_cast %get3A : i32 to index
        %get3A_37 = arith.index_cast %mul3A_35 : i32 to index
        %get3A_38 = tpu.vector_load %arg9[%get3A_36, %get3A_37] {strides = array<i32>} : memref<16x640xf32, #tpu.memory_space<vmem>>, vector<16xf32>,
        %mul3A_39 = arith.constant 16 : i32
        %mul3A_40 = arith.muli %scan3A_33, %mul3A_39 : i32
        %get3A_41 = arith.constant 1 : i32
        %get3A_42 = arith.index_cast %get3A_41 : i32 to index
        %get3A_43 = arith.index_cast %mul3A_40 : i32 to index
        %get3A_44 = tpu.vector_load %arg9[%get3A_42, %get3A_43] {strides = array<i32>} : memref<16x640xf32, #tpu.memory_space<vmem>>, vector<16xf32>,
        %add3A_45 = arith.addf %get3A_38, %get3A_44 : vector<16xf32>
        %mul3A_46 = arith.constant 16 : i32
        %mul3A_47 = arith.muli %scan3A_33, %mul3A_46 : i32
        %get3A_48 = arith.constant 2 : i32
        %get3A_49 = arith.index_cast %get3A_48 : i32 to index
        %get3A_50 = arith.index_cast %mul3A_47 : i32 to index
        %get3A_51 = tpu.vector_load %arg9[%get3A_49, %get3A_50] {strides = array<i32>} : memref<16x640xf32, #tpu.memory_space<vmem>>, vector<16xf32>,
        %add3A_52 = arith.addf %add3A_45, %get3A_51 : vector<16xf32>
        %mul3A_53 = arith.constant 16 : i32
        %mul3A_54 = arith.muli %scan3A_33, %mul3A_53 : i32
        %get3A_55 = arith.constant 3 : i32
        %get3A_56 = arith.index_cast %get3A_55 : i32 to index
        %get3A_57 = arith.index_cast %mul3A_54 : i32 to index
        %get3A_58 = tpu.vector_load %arg9[%get3A_56, %get3A_57] {strides = array<i32>} : memref<16x640xf32, #tpu.memory_space<vmem>>, vector<16xf32>,
        %add3A_59 = arith.addf %add3A_52, %get3A_58 : vector<16xf32>
        %mul3A_60 = arith.constant 16 : i32
        %mul3A_61 = arith.muli %scan3A_33, %mul3A_60 : i32
        %get3A_62 = arith.constant 4 : i32
        %get3A_63 = arith.index_cast %get3A_62 : i32 to index
        %get3A_64 = arith.index_cast %mul3A_61 : i32 to index
        %get3A_65 = tpu.vector_load %arg9[%get3A_63, %get3A_64] {strides = array<i32>} : memref<16x640xf32, #tpu.memory_space<vmem>>, vector<16xf32>,
        %add3A_66 = arith.addf %add3A_59, %get3A_65 : vector<16xf32>
        %mul3A_67 = arith.constant 16 : i32
        %mul3A_68 = arith.muli %scan3A_33, %mul3A_67 : i32
        %get3A_69 = arith.constant 5 : i32
        %get3A_70 = arith.index_cast %get3A_69 : i32 to index
        %get3A_71 = arith.index_cast %mul3A_68 : i32 to index
        %get3A_72 = tpu.vector_load %arg9[%get3A_70, %get3A_71] {strides = array<i32>} : memref<16x640xf32, #tpu.memory_space<vmem>>, vector<16xf32>,
        %add3A_73 = arith.addf %add3A_66, %get3A_72 : vector<16xf32>
        %mul3A_74 = arith.constant 16 : i32
        %mul3A_75 = arith.muli %scan3A_33, %mul3A_74 : i32
        %get3A_76 = arith.constant 6 : i32
        %get3A_77 = arith.index_cast %get3A_76 : i32 to index
        %get3A_78 = arith.index_cast %mul3A_75 : i32 to index
        %get3A_79 = tpu.vector_load %arg9[%get3A_77, %get3A_78] {strides = array<i32>} : memref<16x640xf32, #tpu.memory_space<vmem>>, vector<16xf32>,
        %add3A_80 = arith.addf %add3A_73, %get3A_79 : vector<16xf32>
        %mul3A_81 = arith.constant 16 : i32
        %mul3A_82 = arith.muli %scan3A_33, %mul3A_81 : i32
        %get3A_83 = arith.constant 7 : i32
        %get3A_84 = arith.index_cast %get3A_83 : i32 to index
        %get3A_85 = arith.index_cast %mul3A_82 : i32 to index
        %get3A_86 = tpu.vector_load %arg9[%get3A_84, %get3A_85] {strides = array<i32>} : memref<16x640xf32, #tpu.memory_space<vmem>>, vector<16xf32>,
        %add3A_87 = arith.addf %add3A_80, %get3A_86 : vector<16xf32>
        %mul3A_88 = arith.constant 16 : i32
        %mul3A_89 = arith.muli %scan3A_33, %mul3A_88 : i32
        %get3A_90 = arith.constant 8 : i32
        %get3A_91 = arith.index_cast %get3A_90 : i32 to index
        %get3A_92 = arith.index_cast %mul3A_89 : i32 to index
        %get3A_93 = tpu.vector_load %arg9[%get3A_91, %get3A_92] {strides = array<i32>} : memref<16x640xf32, #tpu.memory_space<vmem>>, vector<16xf32>,
        %add3A_94 = arith.addf %add3A_87, %get3A_93 : vector<16xf32>
        %mul3A_95 = arith.constant 16 : i32
        %mul3A_96 = arith.muli %scan3A_33, %mul3A_95 : i32
        %get3A_97 = arith.constant 9 : i32
        %get3A_98 = arith.index_cast %get3A_97 : i32 to index
        %get3A_99 = arith.index_cast %mul3A_96 : i32 to index
        %get3A_100 = tpu.vector_load %arg9[%get3A_98, %get3A_99] {strides = array<i32>} : memref<16x640xf32, #tpu.memory_space<vmem>>, vector<16xf32>,
        %add3A_101 = arith.addf %add3A_94, %get3A_100 : vector<16xf32>
        %mul3A_102 = arith.constant 16 : i32
        %mul3A_103 = arith.muli %scan3A_33, %mul3A_102 : i32
        %get3A_104 = arith.constant 10 : i32
        %get3A_105 = arith.index_cast %get3A_104 : i32 to index
        %get3A_106 = arith.index_cast %mul3A_103 : i32 to index
        %get3A_107 = tpu.vector_load %arg9[%get3A_105, %get3A_106] {strides = array<i32>} : memref<16x640xf32, #tpu.memory_space<vmem>>, vector<16xf32>,
        %add3A_108 = arith.addf %add3A_101, %get3A_107 : vector<16xf32>
        %mul3A_109 = arith.constant 16 : i32
        %mul3A_110 = arith.muli %scan3A_33, %mul3A_109 : i32
        %get3A_111 = arith.constant 11 : i32
        %get3A_112 = arith.index_cast %get3A_111 : i32 to index
        %get3A_113 = arith.index_cast %mul3A_110 : i32 to index
        %get3A_114 = tpu.vector_load %arg9[%get3A_112, %get3A_113] {strides = array<i32>} : memref<16x640xf32, #tpu.memory_space<vmem>>, vector<16xf32>,
        %add3A_115 = arith.addf %add3A_108, %get3A_114 : vector<16xf32>
        %mul3A_116 = arith.constant 16 : i32
        %mul3A_117 = arith.muli %scan3A_33, %mul3A_116 : i32
        %get3A_118 = arith.constant 12 : i32
        %get3A_119 = arith.index_cast %get3A_118 : i32 to index
        %get3A_120 = arith.index_cast %mul3A_117 : i32 to index
        %get3A_121 = tpu.vector_load %arg9[%get3A_119, %get3A_120] {strides = array<i32>} : memref<16x640xf32, #tpu.memory_space<vmem>>, vector<16xf32>,
        %add3A_122 = arith.addf %add3A_115, %get3A_121 : vector<16xf32>
        %mul3A_123 = arith.constant 16 : i32
        %mul3A_124 = arith.muli %scan3A_33, %mul3A_123 : i32
        %get3A_125 = arith.constant 13 : i32
        %get3A_126 = arith.index_cast %get3A_125 : i32 to index
        %get3A_127 = arith.index_cast %mul3A_124 : i32 to index
        %get3A_128 = tpu.vector_load %arg9[%get3A_126, %get3A_127] {strides = array<i32>} : memref<16x640xf32, #tpu.memory_space<vmem>>, vector<16xf32>,
        %add3A_129 = arith.addf %add3A_122, %get3A_128 : vector<16xf32>
        %mul3A_130 = arith.constant 16 : i32
        %mul3A_131 = arith.muli %scan3A_33, %mul3A_130 : i32
        %get3A_132 = arith.constant 14 : i32
        %get3A_133 = arith.index_cast %get3A_132 : i32 to index
        %get3A_134 = arith.index_cast %mul3A_131 : i32 to index
        %get3A_135 = tpu.vector_load %arg9[%get3A_133, %get3A_134] {strides = array<i32>} : memref<16x640xf32, #tpu.memory_space<vmem>>, vector<16xf32>,
        %add3A_136 = arith.addf %add3A_129, %get3A_135 : vector<16xf32>
        %mul3A_137 = arith.constant 16 : i32
        %mul3A_138 = arith.muli %scan3A_33, %mul3A_137 : i32
        %get3A_139 = arith.constant 15 : i32
        %get3A_140 = arith.index_cast %get3A_139 : i32 to index
        %get3A_141 = arith.index_cast %mul3A_138 : i32 to index
        %get3A_142 = tpu.vector_load %arg9[%get3A_140, %get3A_141] {strides = array<i32>} : memref<16x640xf32, #tpu.memory_space<vmem>>, vector<16xf32>,
        %add3A_143 = arith.addf %add3A_136, %get3A_142 : vector<16xf32>
        %mul3A_144 = arith.constant 16 : i32
        %mul3A_145 = arith.muli %scan3A_33, %mul3A_144 : i32
        %add3A_146 = vector.broadcast %mul3A_145 : i32 to vector<16xi32>
        %add3A_147 = arith.addi %add3A_146, %iota3A : vector<16xi32>
        tpu.vector_store_idx %arg10[%add3A_147, %broadcast_in_dim3A_26], %add3A_143 : memref<640x16xf32, #tpu.memory_space<vmem>>[vector<16xi32>, vector<16xi32>], vector<16xf32>,
      }
      %scan3A_32 = arith.constant 40 : i32
    } else {
    }
    %eq3A = arith.constant 15 : i32
    %eq3A_9 = arith.cmpi eq, %arg1, %eq3A : i32
    %convert_element_type3A_10 = arith.extui %eq3A_9 : i1 to i32
    %cond3A_11 = arith.constant 0 : i32
    %cond3A_12 = arith.cmpi ne, %convert_element_type3A_10, %cond3A_11 : i32
    scf.if %cond3A_12 {
      %mul3A_23 = arith.constant 640 : i32
      %mul3A_24 = arith.muli %arg1, %mul3A_23 : i32
      "tpu.region"() ({
        %run_scoped3A = tpu.sem_alloc : memref<!tpu.dma_semaphore, #tpu.memory_space<semaphore_mem>>
        %dma_start3A = arith.constant 0 : i32
        %dma_start3A_33 = arith.constant 0 : i32
        %dma_start3A_34 = tpu.memref_slice %arg9[%dma_start3A, %dma_start3A_33] : memref<16x640xf32, #tpu.memory_space<vmem>> -> memref<16x512xf32, #tpu.memory_space<vmem>>
        %dma_start3A_35 = arith.constant 0 : i32
        %dma_start3A_36 = tpu.memref_slice %arg6[%dma_start3A_35, %mul3A_24] : memref<16x10112xf32, #tpu.memory_space<vmem_shared>> -> memref<16x512xf32, #tpu.memory_space<vmem_shared>>
        %dma_start3A_37 = arith.constant 0 : i32
        %dma_start3A_38 = arith.constant 0 : i32
        %dma_start3A_39 = tpu.memref_slice %arg9[%dma_start3A_37, %dma_start3A_38] : memref<16x640xf32, #tpu.memory_space<vmem>> -> memref<16x512xf32, #tpu.memory_space<vmem>>
        %dma_start3A_40 = arith.constant 0 : i32
        %dma_start3A_41 = tpu.memref_slice %arg6[%dma_start3A_40, %mul3A_24] : memref<16x10112xf32, #tpu.memory_space<vmem_shared>> -> memref<16x512xf32, #tpu.memory_space<vmem_shared>>
        tpu.enqueue_dma source(%dma_start3A_41 : memref<16x512xf32, #tpu.memory_space<vmem_shared>>) target(%dma_start3A_39 : memref<16x512xf32, #tpu.memory_space<vmem>>) target_semaphore(%run_scoped3A : memref<!tpu.dma_semaphore, #tpu.memory_space<semaphore_mem>>)
        %dma_wait3A = arith.constant 0 : i32
        %dma_wait3A_42 = arith.constant 0 : i32
        %dma_wait3A_43 = tpu.memref_slice %arg9[%dma_wait3A, %dma_wait3A_42] : memref<16x640xf32, #tpu.memory_space<vmem>> -> memref<16x512xf32, #tpu.memory_space<vmem>>
        %dma_wait3A_44 = arith.constant 0 : i32
        %dma_wait3A_45 = tpu.memref_slice %arg6[%dma_wait3A_44, %mul3A_24] : memref<16x10112xf32, #tpu.memory_space<vmem_shared>> -> memref<16x512xf32, #tpu.memory_space<vmem_shared>>
        %dma_wait3A_46 = arith.constant 0 : i32
        %dma_wait3A_47 = arith.constant 0 : i32
        %dma_wait3A_48 = tpu.memref_slice %arg9[%dma_wait3A_46, %dma_wait3A_47] : memref<16x640xf32, #tpu.memory_space<vmem>> -> memref<16x512xf32, #tpu.memory_space<vmem>>
        %dma_wait3A_49 = arith.constant 0 : i32
        %dma_wait3A_50 = tpu.memref_slice %arg6[%dma_wait3A_49, %mul3A_24] : memref<16x10112xf32, #tpu.memory_space<vmem_shared>> -> memref<16x512xf32, #tpu.memory_space<vmem_shared>>
        tpu.wait_dma2 semaphore(%run_scoped3A : memref<!tpu.dma_semaphore, #tpu.memory_space<semaphore_mem>>) src(%dma_wait3A_50 : memref<16x512xf32, #tpu.memory_space<vmem_shared>>) dst(%dma_wait3A_48 : memref<16x512xf32, #tpu.memory_space<vmem>>)
        tpu.yield
      }) : () -> ()
      %broadcast_in_dim3A_25 = arith.constant 0 : i32
      %broadcast_in_dim3A_26 = vector.broadcast %broadcast_in_dim3A_25 : i32 to vector<16xi32>
      %iota3A = tpu.iota {dimensions = array<i32: 0>} : vector<16xi32>
      %scan3A_27 = arith.constant 0 : i32
      %scan3A_28 = arith.constant 0 : i32
      %scan3A_29 = arith.constant 32 : i32
      %scan3A_30 = arith.addi %scan3A_28, %scan3A_29 : i32
      %scan3A_31 = arith.constant 1 : i32
      scf.for %scan3A_33 = %scan3A_28 to %scan3A_30 step %scan3A_31  : i32 {
        %mul3A_34 = arith.constant 16 : i32
        %mul3A_35 = arith.muli %scan3A_33, %mul3A_34 : i32
        %get3A = arith.constant 0 : i32
        %get3A_36 = arith.index_cast %get3A : i32 to index
        %get3A_37 = arith.index_cast %mul3A_35 : i32 to index
        %get3A_38 = tpu.vector_load %arg9[%get3A_36, %get3A_37] {strides = array<i32>} : memref<16x640xf32, #tpu.memory_space<vmem>>, vector<16xf32>,
        %mul3A_39 = arith.constant 16 : i32
        %mul3A_40 = arith.muli %scan3A_33, %mul3A_39 : i32
        %get3A_41 = arith.constant 1 : i32
        %get3A_42 = arith.index_cast %get3A_41 : i32 to index
        %get3A_43 = arith.index_cast %mul3A_40 : i32 to index
        %get3A_44 = tpu.vector_load %arg9[%get3A_42, %get3A_43] {strides = array<i32>} : memref<16x640xf32, #tpu.memory_space<vmem>>, vector<16xf32>,
        %add3A_45 = arith.addf %get3A_38, %get3A_44 : vector<16xf32>
        %mul3A_46 = arith.constant 16 : i32
        %mul3A_47 = arith.muli %scan3A_33, %mul3A_46 : i32
        %get3A_48 = arith.constant 2 : i32
        %get3A_49 = arith.index_cast %get3A_48 : i32 to index
        %get3A_50 = arith.index_cast %mul3A_47 : i32 to index
        %get3A_51 = tpu.vector_load %arg9[%get3A_49, %get3A_50] {strides = array<i32>} : memref<16x640xf32, #tpu.memory_space<vmem>>, vector<16xf32>,
        %add3A_52 = arith.addf %add3A_45, %get3A_51 : vector<16xf32>
        %mul3A_53 = arith.constant 16 : i32
        %mul3A_54 = arith.muli %scan3A_33, %mul3A_53 : i32
        %get3A_55 = arith.constant 3 : i32
        %get3A_56 = arith.index_cast %get3A_55 : i32 to index
        %get3A_57 = arith.index_cast %mul3A_54 : i32 to index
        %get3A_58 = tpu.vector_load %arg9[%get3A_56, %get3A_57] {strides = array<i32>} : memref<16x640xf32, #tpu.memory_space<vmem>>, vector<16xf32>,
        %add3A_59 = arith.addf %add3A_52, %get3A_58 : vector<16xf32>
        %mul3A_60 = arith.constant 16 : i32
        %mul3A_61 = arith.muli %scan3A_33, %mul3A_60 : i32
        %get3A_62 = arith.constant 4 : i32
        %get3A_63 = arith.index_cast %get3A_62 : i32 to index
        %get3A_64 = arith.index_cast %mul3A_61 : i32 to index
        %get3A_65 = tpu.vector_load %arg9[%get3A_63, %get3A_64] {strides = array<i32>} : memref<16x640xf32, #tpu.memory_space<vmem>>, vector<16xf32>,
        %add3A_66 = arith.addf %add3A_59, %get3A_65 : vector<16xf32>
        %mul3A_67 = arith.constant 16 : i32
        %mul3A_68 = arith.muli %scan3A_33, %mul3A_67 : i32
        %get3A_69 = arith.constant 5 : i32
        %get3A_70 = arith.index_cast %get3A_69 : i32 to index
        %get3A_71 = arith.index_cast %mul3A_68 : i32 to index
        %get3A_72 = tpu.vector_load %arg9[%get3A_70, %get3A_71] {strides = array<i32>} : memref<16x640xf32, #tpu.memory_space<vmem>>, vector<16xf32>,
        %add3A_73 = arith.addf %add3A_66, %get3A_72 : vector<16xf32>
        %mul3A_74 = arith.constant 16 : i32
        %mul3A_75 = arith.muli %scan3A_33, %mul3A_74 : i32
        %get3A_76 = arith.constant 6 : i32
        %get3A_77 = arith.index_cast %get3A_76 : i32 to index
        %get3A_78 = arith.index_cast %mul3A_75 : i32 to index
        %get3A_79 = tpu.vector_load %arg9[%get3A_77, %get3A_78] {strides = array<i32>} : memref<16x640xf32, #tpu.memory_space<vmem>>, vector<16xf32>,
        %add3A_80 = arith.addf %add3A_73, %get3A_79 : vector<16xf32>
        %mul3A_81 = arith.constant 16 : i32
        %mul3A_82 = arith.muli %scan3A_33, %mul3A_81 : i32
        %get3A_83 = arith.constant 7 : i32
        %get3A_84 = arith.index_cast %get3A_83 : i32 to index
        %get3A_85 = arith.index_cast %mul3A_82 : i32 to index
        %get3A_86 = tpu.vector_load %arg9[%get3A_84, %get3A_85] {strides = array<i32>} : memref<16x640xf32, #tpu.memory_space<vmem>>, vector<16xf32>,
        %add3A_87 = arith.addf %add3A_80, %get3A_86 : vector<16xf32>
        %mul3A_88 = arith.constant 16 : i32
        %mul3A_89 = arith.muli %scan3A_33, %mul3A_88 : i32
        %get3A_90 = arith.constant 8 : i32
        %get3A_91 = arith.index_cast %get3A_90 : i32 to index
        %get3A_92 = arith.index_cast %mul3A_89 : i32 to index
        %get3A_93 = tpu.vector_load %arg9[%get3A_91, %get3A_92] {strides = array<i32>} : memref<16x640xf32, #tpu.memory_space<vmem>>, vector<16xf32>,
        %add3A_94 = arith.addf %add3A_87, %get3A_93 : vector<16xf32>
        %mul3A_95 = arith.constant 16 : i32
        %mul3A_96 = arith.muli %scan3A_33, %mul3A_95 : i32
        %get3A_97 = arith.constant 9 : i32
        %get3A_98 = arith.index_cast %get3A_97 : i32 to index
        %get3A_99 = arith.index_cast %mul3A_96 : i32 to index
        %get3A_100 = tpu.vector_load %arg9[%get3A_98, %get3A_99] {strides = array<i32>} : memref<16x640xf32, #tpu.memory_space<vmem>>, vector<16xf32>,
        %add3A_101 = arith.addf %add3A_94, %get3A_100 : vector<16xf32>
        %mul3A_102 = arith.constant 16 : i32
        %mul3A_103 = arith.muli %scan3A_33, %mul3A_102 : i32
        %get3A_104 = arith.constant 10 : i32
        %get3A_105 = arith.index_cast %get3A_104 : i32 to index
        %get3A_106 = arith.index_cast %mul3A_103 : i32 to index
        %get3A_107 = tpu.vector_load %arg9[%get3A_105, %get3A_106] {strides = array<i32>} : memref<16x640xf32, #tpu.memory_space<vmem>>, vector<16xf32>,
        %add3A_108 = arith.addf %add3A_101, %get3A_107 : vector<16xf32>
        %mul3A_109 = arith.constant 16 : i32
        %mul3A_110 = arith.muli %scan3A_33, %mul3A_109 : i32
        %get3A_111 = arith.constant 11 : i32
        %get3A_112 = arith.index_cast %get3A_111 : i32 to index
        %get3A_113 = arith.index_cast %mul3A_110 : i32 to index
        %get3A_114 = tpu.vector_load %arg9[%get3A_112, %get3A_113] {strides = array<i32>} : memref<16x640xf32, #tpu.memory_space<vmem>>, vector<16xf32>,
        %add3A_115 = arith.addf %add3A_108, %get3A_114 : vector<16xf32>
        %mul3A_116 = arith.constant 16 : i32
        %mul3A_117 = arith.muli %scan3A_33, %mul3A_116 : i32
        %get3A_118 = arith.constant 12 : i32
        %get3A_119 = arith.index_cast %get3A_118 : i32 to index
        %get3A_120 = arith.index_cast %mul3A_117 : i32 to index
        %get3A_121 = tpu.vector_load %arg9[%get3A_119, %get3A_120] {strides = array<i32>} : memref<16x640xf32, #tpu.memory_space<vmem>>, vector<16xf32>,
        %add3A_122 = arith.addf %add3A_115, %get3A_121 : vector<16xf32>
        %mul3A_123 = arith.constant 16 : i32
        %mul3A_124 = arith.muli %scan3A_33, %mul3A_123 : i32
        %get3A_125 = arith.constant 13 : i32
        %get3A_126 = arith.index_cast %get3A_125 : i32 to index
        %get3A_127 = arith.index_cast %mul3A_124 : i32 to index
        %get3A_128 = tpu.vector_load %arg9[%get3A_126, %get3A_127] {strides = array<i32>} : memref<16x640xf32, #tpu.memory_space<vmem>>, vector<16xf32>,
        %add3A_129 = arith.addf %add3A_122, %get3A_128 : vector<16xf32>
        %mul3A_130 = arith.constant 16 : i32
        %mul3A_131 = arith.muli %scan3A_33, %mul3A_130 : i32
        %get3A_132 = arith.constant 14 : i32
        %get3A_133 = arith.index_cast %get3A_132 : i32 to index
        %get3A_134 = arith.index_cast %mul3A_131 : i32 to index
        %get3A_135 = tpu.vector_load %arg9[%get3A_133, %get3A_134] {strides = array<i32>} : memref<16x640xf32, #tpu.memory_space<vmem>>, vector<16xf32>,
        %add3A_136 = arith.addf %add3A_129, %get3A_135 : vector<16xf32>
        %mul3A_137 = arith.constant 16 : i32
        %mul3A_138 = arith.muli %scan3A_33, %mul3A_137 : i32
        %get3A_139 = arith.constant 15 : i32
        %get3A_140 = arith.index_cast %get3A_139 : i32 to index
        %get3A_141 = arith.index_cast %mul3A_138 : i32 to index
        %get3A_142 = tpu.vector_load %arg9[%get3A_140, %get3A_141] {strides = array<i32>} : memref<16x640xf32, #tpu.memory_space<vmem>>, vector<16xf32>,
        %add3A_143 = arith.addf %add3A_136, %get3A_142 : vector<16xf32>
        %mul3A_144 = arith.constant 16 : i32
        %mul3A_145 = arith.muli %scan3A_33, %mul3A_144 : i32
        %add3A_146 = vector.broadcast %mul3A_145 : i32 to vector<16xi32>
        %add3A_147 = arith.addi %add3A_146, %iota3A : vector<16xi32>
        tpu.vector_store_idx %arg10[%add3A_147, %broadcast_in_dim3A_26], %add3A_143 : memref<640x16xf32, #tpu.memory_space<vmem>>[vector<16xi32>, vector<16xi32>], vector<16xf32>,
      }
      %scan3A_32 = arith.constant 32 : i32
    } else {
    }
    %eq3A_13 = arith.constant 0 : i32
    %eq3A_14 = arith.cmpi eq, %arg0, %eq3A_13 : i32
    %convert_element_type3A_15 = arith.extui %eq3A_14 : i1 to i32
    %cond3A_16 = arith.constant 0 : i32
    %cond3A_17 = arith.cmpi ne, %convert_element_type3A_15, %cond3A_16 : i32
    scf.if %cond3A_17 {
      %lt3A_23 = arith.constant 15 : i32
      %lt3A_24 = arith.cmpi slt, %arg1, %lt3A_23 : i32
      %convert_element_type3A_25 = arith.extui %lt3A_24 : i1 to i32
      %cond3A_26 = arith.constant 0 : i32
      %cond3A_27 = arith.cmpi ne, %convert_element_type3A_25, %cond3A_26 : i32
      scf.if %cond3A_27 {
        %mul3A_33 = arith.constant 640 : i32
        %mul3A_34 = arith.muli %arg1, %mul3A_33 : i32
        "tpu.region"() ({
          %run_scoped3A = tpu.sem_alloc : memref<!tpu.dma_semaphore, #tpu.memory_space<semaphore_mem>>
          %dma_start3A = arith.constant 0 : i32
          %dma_start3A_35 = arith.constant 0 : i32
          %dma_start3A_36 = tpu.memref_slice %arg10[%dma_start3A, %dma_start3A_35] : memref<640x16xf32, #tpu.memory_space<vmem>> -> memref<640x16xf32, #tpu.memory_space<vmem>>
          %dma_start3A_37 = arith.constant 0 : i32
          %dma_start3A_38 = tpu.memref_slice %arg4[%mul3A_34, %dma_start3A_37] : memref<10000x16xf32, #tpu.memory_space<hbm>> -> memref<640x16xf32, #tpu.memory_space<hbm>>
          %dma_start3A_39 = arith.constant 0 : i32
          %dma_start3A_40 = tpu.memref_slice %arg4[%mul3A_34, %dma_start3A_39] : memref<10000x16xf32, #tpu.memory_space<hbm>> -> memref<640x16xf32, #tpu.memory_space<hbm>>
          %dma_start3A_41 = arith.constant 0 : i32
          %dma_start3A_42 = arith.constant 0 : i32
          %dma_start3A_43 = tpu.memref_slice %arg10[%dma_start3A_41, %dma_start3A_42] : memref<640x16xf32, #tpu.memory_space<vmem>> -> memref<640x16xf32, #tpu.memory_space<vmem>>
          tpu.enqueue_dma source(%dma_start3A_43 : memref<640x16xf32, #tpu.memory_space<vmem>>) target(%dma_start3A_40 : memref<640x16xf32, #tpu.memory_space<hbm>>) target_semaphore(%run_scoped3A : memref<!tpu.dma_semaphore, #tpu.memory_space<semaphore_mem>>)
          %dma_wait3A = arith.constant 0 : i32
          %dma_wait3A_44 = arith.constant 0 : i32
          %dma_wait3A_45 = tpu.memref_slice %arg10[%dma_wait3A, %dma_wait3A_44] : memref<640x16xf32, #tpu.memory_space<vmem>> -> memref<640x16xf32, #tpu.memory_space<vmem>>
          %dma_wait3A_46 = arith.constant 0 : i32
          %dma_wait3A_47 = tpu.memref_slice %arg4[%mul3A_34, %dma_wait3A_46] : memref<10000x16xf32, #tpu.memory_space<hbm>> -> memref<640x16xf32, #tpu.memory_space<hbm>>
          %dma_wait3A_48 = arith.constant 0 : i32
          %dma_wait3A_49 = tpu.memref_slice %arg4[%mul3A_34, %dma_wait3A_48] : memref<10000x16xf32, #tpu.memory_space<hbm>> -> memref<640x16xf32, #tpu.memory_space<hbm>>
          %dma_wait3A_50 = arith.constant 0 : i32
          %dma_wait3A_51 = arith.constant 0 : i32
          %dma_wait3A_52 = tpu.memref_slice %arg10[%dma_wait3A_50, %dma_wait3A_51] : memref<640x16xf32, #tpu.memory_space<vmem>> -> memref<640x16xf32, #tpu.memory_space<vmem>>
          tpu.wait_dma2 semaphore(%run_scoped3A : memref<!tpu.dma_semaphore, #tpu.memory_space<semaphore_mem>>) src(%dma_wait3A_52 : memref<640x16xf32, #tpu.memory_space<vmem>>) dst(%dma_wait3A_49 : memref<640x16xf32, #tpu.memory_space<hbm>>)
          tpu.yield
        }) : () -> ()
      } else {
      }
      %eq3A_28 = arith.constant 15 : i32
      %eq3A_29 = arith.cmpi eq, %arg1, %eq3A_28 : i32
      %convert_element_type3A_30 = arith.extui %eq3A_29 : i1 to i32
      %cond3A_31 = arith.constant 0 : i32
      %cond3A_32 = arith.cmpi ne, %convert_element_type3A_30, %cond3A_31 : i32
      scf.if %cond3A_32 {
        "tpu.region"() ({
          %run_scoped3A = tpu.sem_alloc : memref<!tpu.dma_semaphore, #tpu.memory_space<semaphore_mem>>
          %dma_start3A = arith.constant 0 : i32
          %dma_start3A_33 = arith.constant 0 : i32
          %dma_start3A_34 = tpu.memref_slice %arg10[%dma_start3A, %dma_start3A_33] : memref<640x16xf32, #tpu.memory_space<vmem>> -> memref<400x16xf32, #tpu.memory_space<vmem>>
          %dma_start3A_35 = arith.constant 9600 : i32
          %dma_start3A_36 = arith.constant 0 : i32
          %dma_start3A_37 = tpu.memref_slice %arg4[%dma_start3A_35, %dma_start3A_36] : memref<10000x16xf32, #tpu.memory_space<hbm>> -> memref<400x16xf32, #tpu.memory_space<hbm>>
          %dma_start3A_38 = arith.constant 9600 : i32
          %dma_start3A_39 = arith.constant 0 : i32
          %dma_start3A_40 = tpu.memref_slice %arg4[%dma_start3A_38, %dma_start3A_39] : memref<10000x16xf32, #tpu.memory_space<hbm>> -> memref<400x16xf32, #tpu.memory_space<hbm>>
          %dma_start3A_41 = arith.constant 0 : i32
          %dma_start3A_42 = arith.constant 0 : i32
          %dma_start3A_43 = tpu.memref_slice %arg10[%dma_start3A_41, %dma_start3A_42] : memref<640x16xf32, #tpu.memory_space<vmem>> -> memref<400x16xf32, #tpu.memory_space<vmem>>
          tpu.enqueue_dma source(%dma_start3A_43 : memref<400x16xf32, #tpu.memory_space<vmem>>) target(%dma_start3A_40 : memref<400x16xf32, #tpu.memory_space<hbm>>) target_semaphore(%run_scoped3A : memref<!tpu.dma_semaphore, #tpu.memory_space<semaphore_mem>>)
          %dma_wait3A = arith.constant 0 : i32
          %dma_wait3A_44 = arith.constant 0 : i32
          %dma_wait3A_45 = tpu.memref_slice %arg10[%dma_wait3A, %dma_wait3A_44] : memref<640x16xf32, #tpu.memory_space<vmem>> -> memref<400x16xf32, #tpu.memory_space<vmem>>
          %dma_wait3A_46 = arith.constant 9600 : i32
          %dma_wait3A_47 = arith.constant 0 : i32
          %dma_wait3A_48 = tpu.memref_slice %arg4[%dma_wait3A_46, %dma_wait3A_47] : memref<10000x16xf32, #tpu.memory_space<hbm>> -> memref<400x16xf32, #tpu.memory_space<hbm>>
          %dma_wait3A_49 = arith.constant 9600 : i32
          %dma_wait3A_50 = arith.constant 0 : i32
          %dma_wait3A_51 = tpu.memref_slice %arg4[%dma_wait3A_49, %dma_wait3A_50] : memref<10000x16xf32, #tpu.memory_space<hbm>> -> memref<400x16xf32, #tpu.memory_space<hbm>>
          %dma_wait3A_52 = arith.constant 0 : i32
          %dma_wait3A_53 = arith.constant 0 : i32
          %dma_wait3A_54 = tpu.memref_slice %arg10[%dma_wait3A_52, %dma_wait3A_53] : memref<640x16xf32, #tpu.memory_space<vmem>> -> memref<400x16xf32, #tpu.memory_space<vmem>>
          tpu.wait_dma2 semaphore(%run_scoped3A : memref<!tpu.dma_semaphore, #tpu.memory_space<semaphore_mem>>) src(%dma_wait3A_54 : memref<400x16xf32, #tpu.memory_space<vmem>>) dst(%dma_wait3A_51 : memref<400x16xf32, #tpu.memory_space<hbm>>)
          tpu.yield
        }) : () -> ()
      } else {
      }
    } else {
    }
    %eq3A_18 = arith.constant 1 : i32
    %eq3A_19 = arith.cmpi eq, %arg0, %eq3A_18 : i32
    %convert_element_type3A_20 = arith.extui %eq3A_19 : i1 to i32
    %cond3A_21 = arith.constant 0 : i32
    %cond3A_22 = arith.cmpi ne, %convert_element_type3A_20, %cond3A_21 : i32
    scf.if %cond3A_22 {
      %lt3A_23 = arith.constant 15 : i32
      %lt3A_24 = arith.cmpi slt, %arg1, %lt3A_23 : i32
      %convert_element_type3A_25 = arith.extui %lt3A_24 : i1 to i32
      %cond3A_26 = arith.constant 0 : i32
      %cond3A_27 = arith.cmpi ne, %convert_element_type3A_25, %cond3A_26 : i32
      scf.if %cond3A_27 {
        %mul3A_33 = arith.constant 640 : i32
        %mul3A_34 = arith.muli %arg1, %mul3A_33 : i32
        "tpu.region"() ({
          %run_scoped3A = tpu.sem_alloc : memref<!tpu.dma_semaphore, #tpu.memory_space<semaphore_mem>>
          %dma_start3A = arith.constant 0 : i32
          %dma_start3A_35 = arith.constant 0 : i32
          %dma_start3A_36 = tpu.memref_slice %arg10[%dma_start3A, %dma_start3A_35] : memref<640x16xf32, #tpu.memory_space<vmem>> -> memref<640x16xf32, #tpu.memory_space<vmem>>
          %dma_start3A_37 = arith.constant 0 : i32
          %dma_start3A_38 = tpu.memref_slice %arg5[%mul3A_34, %dma_start3A_37] : memref<10000x16xf32, #tpu.memory_space<hbm>> -> memref<640x16xf32, #tpu.memory_space<hbm>>
          %dma_start3A_39 = arith.constant 0 : i32
          %dma_start3A_40 = tpu.memref_slice %arg5[%mul3A_34, %dma_start3A_39] : memref<10000x16xf32, #tpu.memory_space<hbm>> -> memref<640x16xf32, #tpu.memory_space<hbm>>
          %dma_start3A_41 = arith.constant 0 : i32
          %dma_start3A_42 = arith.constant 0 : i32
          %dma_start3A_43 = tpu.memref_slice %arg10[%dma_start3A_41, %dma_start3A_42] : memref<640x16xf32, #tpu.memory_space<vmem>> -> memref<640x16xf32, #tpu.memory_space<vmem>>
          tpu.enqueue_dma source(%dma_start3A_43 : memref<640x16xf32, #tpu.memory_space<vmem>>) target(%dma_start3A_40 : memref<640x16xf32, #tpu.memory_space<hbm>>) target_semaphore(%run_scoped3A : memref<!tpu.dma_semaphore, #tpu.memory_space<semaphore_mem>>)
          %dma_wait3A = arith.constant 0 : i32
          %dma_wait3A_44 = arith.constant 0 : i32
          %dma_wait3A_45 = tpu.memref_slice %arg10[%dma_wait3A, %dma_wait3A_44] : memref<640x16xf32, #tpu.memory_space<vmem>> -> memref<640x16xf32, #tpu.memory_space<vmem>>
          %dma_wait3A_46 = arith.constant 0 : i32
          %dma_wait3A_47 = tpu.memref_slice %arg5[%mul3A_34, %dma_wait3A_46] : memref<10000x16xf32, #tpu.memory_space<hbm>> -> memref<640x16xf32, #tpu.memory_space<hbm>>
          %dma_wait3A_48 = arith.constant 0 : i32
          %dma_wait3A_49 = tpu.memref_slice %arg5[%mul3A_34, %dma_wait3A_48] : memref<10000x16xf32, #tpu.memory_space<hbm>> -> memref<640x16xf32, #tpu.memory_space<hbm>>
          %dma_wait3A_50 = arith.constant 0 : i32
          %dma_wait3A_51 = arith.constant 0 : i32
          %dma_wait3A_52 = tpu.memref_slice %arg10[%dma_wait3A_50, %dma_wait3A_51] : memref<640x16xf32, #tpu.memory_space<vmem>> -> memref<640x16xf32, #tpu.memory_space<vmem>>
          tpu.wait_dma2 semaphore(%run_scoped3A : memref<!tpu.dma_semaphore, #tpu.memory_space<semaphore_mem>>) src(%dma_wait3A_52 : memref<640x16xf32, #tpu.memory_space<vmem>>) dst(%dma_wait3A_49 : memref<640x16xf32, #tpu.memory_space<hbm>>)
          tpu.yield
        }) : () -> ()
      } else {
      }
      %eq3A_28 = arith.constant 15 : i32
      %eq3A_29 = arith.cmpi eq, %arg1, %eq3A_28 : i32
      %convert_element_type3A_30 = arith.extui %eq3A_29 : i1 to i32
      %cond3A_31 = arith.constant 0 : i32
      %cond3A_32 = arith.cmpi ne, %convert_element_type3A_30, %cond3A_31 : i32
      scf.if %cond3A_32 {
        "tpu.region"() ({
          %run_scoped3A = tpu.sem_alloc : memref<!tpu.dma_semaphore, #tpu.memory_space<semaphore_mem>>
          %dma_start3A = arith.constant 0 : i32
          %dma_start3A_33 = arith.constant 0 : i32
          %dma_start3A_34 = tpu.memref_slice %arg10[%dma_start3A, %dma_start3A_33] : memref<640x16xf32, #tpu.memory_space<vmem>> -> memref<400x16xf32, #tpu.memory_space<vmem>>
          %dma_start3A_35 = arith.constant 9600 : i32
          %dma_start3A_36 = arith.constant 0 : i32
          %dma_start3A_37 = tpu.memref_slice %arg5[%dma_start3A_35, %dma_start3A_36] : memref<10000x16xf32, #tpu.memory_space<hbm>> -> memref<400x16xf32, #tpu.memory_space<hbm>>
          %dma_start3A_38 = arith.constant 9600 : i32
          %dma_start3A_39 = arith.constant 0 : i32
          %dma_start3A_40 = tpu.memref_slice %arg5[%dma_start3A_38, %dma_start3A_39] : memref<10000x16xf32, #tpu.memory_space<hbm>> -> memref<400x16xf32, #tpu.memory_space<hbm>>
          %dma_start3A_41 = arith.constant 0 : i32
          %dma_start3A_42 = arith.constant 0 : i32
          %dma_start3A_43 = tpu.memref_slice %arg10[%dma_start3A_41, %dma_start3A_42] : memref<640x16xf32, #tpu.memory_space<vmem>> -> memref<400x16xf32, #tpu.memory_space<vmem>>
          tpu.enqueue_dma source(%dma_start3A_43 : memref<400x16xf32, #tpu.memory_space<vmem>>) target(%dma_start3A_40 : memref<400x16xf32, #tpu.memory_space<hbm>>) target_semaphore(%run_scoped3A : memref<!tpu.dma_semaphore, #tpu.memory_space<semaphore_mem>>)
          %dma_wait3A = arith.constant 0 : i32
          %dma_wait3A_44 = arith.constant 0 : i32
          %dma_wait3A_45 = tpu.memref_slice %arg10[%dma_wait3A, %dma_wait3A_44] : memref<640x16xf32, #tpu.memory_space<vmem>> -> memref<400x16xf32, #tpu.memory_space<vmem>>
          %dma_wait3A_46 = arith.constant 9600 : i32
          %dma_wait3A_47 = arith.constant 0 : i32
          %dma_wait3A_48 = tpu.memref_slice %arg5[%dma_wait3A_46, %dma_wait3A_47] : memref<10000x16xf32, #tpu.memory_space<hbm>> -> memref<400x16xf32, #tpu.memory_space<hbm>>
          %dma_wait3A_49 = arith.constant 9600 : i32
          %dma_wait3A_50 = arith.constant 0 : i32
          %dma_wait3A_51 = tpu.memref_slice %arg5[%dma_wait3A_49, %dma_wait3A_50] : memref<10000x16xf32, #tpu.memory_space<hbm>> -> memref<400x16xf32, #tpu.memory_space<hbm>>
          %dma_wait3A_52 = arith.constant 0 : i32
          %dma_wait3A_53 = arith.constant 0 : i32
          %dma_wait3A_54 = tpu.memref_slice %arg10[%dma_wait3A_52, %dma_wait3A_53] : memref<640x16xf32, #tpu.memory_space<vmem>> -> memref<400x16xf32, #tpu.memory_space<vmem>>
          tpu.wait_dma2 semaphore(%run_scoped3A : memref<!tpu.dma_semaphore, #tpu.memory_space<semaphore_mem>>) src(%dma_wait3A_54 : memref<400x16xf32, #tpu.memory_space<vmem>>) dst(%dma_wait3A_51 : memref<400x16xf32, #tpu.memory_space<hbm>>)
          tpu.yield
        }) : () -> ()
      } else {
      }
    } else {
    }
    return
  }
}

module attributes {stable_mosaic.version = 14 : i64} {
  func.func @_densew_body(%arg0: i32, %arg1: memref<1000x128xf32, #tpu.memory_space<vmem>>, %arg2: memref<128x128xf32, #tpu.memory_space<vmem>>, %arg3: memref<1x128xf32, #tpu.memory_space<vmem>>, %arg4: memref<1000x128xf32, #tpu.memory_space<vmem>>) attributes {dimension_semantics = [#tpu.dimension_semantics<arbitrary>], iteration_bounds = array<i64: 10>, scalar_prefetch = 0 : i64, scratch_operands = 0 : i64, tpu.core_type = #tpu.core_type<tc>, window_params = [{transform_indices = @transform_0, window_bounds = array<i64: 1000, 128>}, {pipeline_mode = #tpu.pipeline_mode<synchronous>, transform_indices = @transform_1, window_bounds = array<i64: 128, 128>}, {pipeline_mode = #tpu.pipeline_mode<synchronous>, transform_indices = @transform_2, window_bounds = array<i64: 1, 128>}, {transform_indices = @transform_3, window_bounds = array<i64: 1000, 128>}]} {
    %get3A = arith.constant 0 : index
    %get3A_0 = arith.constant 0 : index
    %get3A_1 = vector.load %arg1[%get3A, %get3A_0] : memref<1000x128xf32, #tpu.memory_space<vmem>>, vector<1000x128xf32>
    %get3A_2 = arith.constant 0 : index
    %get3A_3 = arith.constant 0 : index
    %get3A_4 = vector.load %arg2[%get3A_2, %get3A_3] : memref<128x128xf32, #tpu.memory_space<vmem>>, vector<128x128xf32>
    %dot_general3A = arith.constant dense<0.000000e+00> : vector<1000x128xf32>
    %dot_general3A_5 = tpu.matmul %get3A_1, %get3A_4, %dot_general3A {dimension_numbers = #tpu.dot_dimension_numbers<[1], [0], [0], [1], [0, 0, 1, 1], [], []>, transpose_lhs_hint = false} : vector<1000x128xf32>, vector<128x128xf32>, vector<1000x128xf32> -> vector<1000x128xf32>
    %get3A_6 = arith.constant 0 : index
    %get3A_7 = arith.constant 0 : index
    %get3A_8 = vector.load %arg3[%get3A_6, %get3A_7] : memref<1x128xf32, #tpu.memory_space<vmem>>, vector<1x128xf32>
    %add3A = vector.broadcast %get3A_8 : vector<1x128xf32> to vector<1000x128xf32>
    %add3A_9 = arith.addf %dot_general3A_5, %add3A : vector<1000x128xf32>
    %swap3A = arith.constant 0 : index
    %swap3A_10 = arith.constant 0 : index
    %swap3A_11 = vector.load %arg4[%swap3A, %swap3A_10] : memref<1000x128xf32, #tpu.memory_space<vmem>>, vector<1000x128xf32>
    tpu.vector_store %arg4[%swap3A, %swap3A_10], %add3A_9 {strides = array<i32>} : memref<1000x128xf32, #tpu.memory_space<vmem>>, vector<1000x128xf32>,
    return
  }
  func.func @transform_0(%arg0: i32) -> (i32, i32) {
    %c0_i32 = arith.constant 0 : i32
    %c0_i32_0 = arith.constant 0 : i32
    return %arg0, %c0_i32 : i32, i32
  }
  func.func @transform_1(%arg0: i32) -> (i32, i32) {
    %c0_i32 = arith.constant 0 : i32
    %c0_i32_0 = arith.constant 0 : i32
    %c0_i32_1 = arith.constant 0 : i32
    return %c0_i32, %c0_i32_0 : i32, i32
  }
  func.func @transform_2(%arg0: i32) -> (i32, i32) {
    %c0_i32 = arith.constant 0 : i32
    %c0_i32_0 = arith.constant 0 : i32
    %c0_i32_1 = arith.constant 0 : i32
    return %c0_i32, %c0_i32_0 : i32, i32
  }
  func.func @transform_3(%arg0: i32) -> (i32, i32) {
    %c0_i32 = arith.constant 0 : i32
    %c0_i32_0 = arith.constant 0 : i32
    return %arg0, %c0_i32 : i32, i32
  }
}

module attributes {stable_mosaic.version = 14 : i64} {
  func.func @_densec_body(%arg0: i32, %arg1: memref<1000x128xf32, #tpu.memory_space<vmem>>, %arg2: memref<1000x128xf32, #tpu.memory_space<vmem>>, %arg3: memref<1000x16xf32, #tpu.memory_space<vmem>>, %arg4: memref<1000x16xf32, #tpu.memory_space<vmem>>, %arg5: memref<1000x128xf32, #tpu.memory_space<vmem>>, %arg6: memref<128x128xf32, #tpu.memory_space<vmem>>, %arg7: memref<1000x128xf32, #tpu.memory_space<vmem>>) attributes {dimension_semantics = [#tpu.dimension_semantics<arbitrary>], iteration_bounds = array<i64: 10>, scalar_prefetch = 0 : i64, scratch_operands = 0 : i64, tpu.core_type = #tpu.core_type<tc>, window_params = [{transform_indices = @transform_0, window_bounds = array<i64: 1000, 128>}, {transform_indices = @transform_1, window_bounds = array<i64: 1000, 128>}, {transform_indices = @transform_2, window_bounds = array<i64: 1000, 16>}, {transform_indices = @transform_3, window_bounds = array<i64: 1000, 16>}, {transform_indices = @transform_4, window_bounds = array<i64: 1000, 128>}, {pipeline_mode = #tpu.pipeline_mode<synchronous>, transform_indices = @transform_5, window_bounds = array<i64: 128, 128>}, {transform_indices = @transform_6, window_bounds = array<i64: 1000, 128>}]} {
    %get3A = arith.constant 0 : index
    %get3A_0 = arith.constant 0 : index
    %get3A_1 = vector.load %arg3[%get3A, %get3A_0] : memref<1000x16xf32, #tpu.memory_space<vmem>>, vector<1000x1xf32>
    %get3A_2 = arith.constant 0 : index
    %get3A_3 = arith.constant 0 : index
    %get3A_4 = vector.load %arg4[%get3A_2, %get3A_3] : memref<1000x16xf32, #tpu.memory_space<vmem>>, vector<1000x1xf32>
    %add3A = arith.addf %get3A_1, %get3A_4 : vector<1000x1xf32>
    %max3A = arith.constant 1.000000e+00 : f32
    %max3A_5 = vector.broadcast %max3A : f32 to vector<1000x1xf32>
    %max3A_6 = arith.maximumf %add3A, %max3A_5 : vector<1000x1xf32>
    %div3A = arith.constant 1.000000e+00 : f32
    %div3A_7 = vector.broadcast %div3A : f32 to vector<1000x1xf32>
    %div3A_8 = arith.divf %div3A_7, %max3A_6 : vector<1000x1xf32>
    %get3A_9 = arith.constant 0 : index
    %get3A_10 = arith.constant 0 : index
    %get3A_11 = vector.load %arg1[%get3A_9, %get3A_10] : memref<1000x128xf32, #tpu.memory_space<vmem>>, vector<1000x128xf32>
    %get3A_12 = arith.constant 0 : index
    %get3A_13 = arith.constant 0 : index
    %get3A_14 = vector.load %arg2[%get3A_12, %get3A_13] : memref<1000x128xf32, #tpu.memory_space<vmem>>, vector<1000x128xf32>
    %add3A_15 = arith.addf %get3A_11, %get3A_14 : vector<1000x128xf32>
    %mul3A = vector.broadcast %div3A_8 : vector<1000x1xf32> to vector<1000x128xf32>
    %mul3A_16 = arith.mulf %add3A_15, %mul3A : vector<1000x128xf32>
    %get3A_17 = arith.constant 0 : index
    %get3A_18 = arith.constant 0 : index
    %get3A_19 = vector.load %arg6[%get3A_17, %get3A_18] : memref<128x128xf32, #tpu.memory_space<vmem>>, vector<128x128xf32>
    %dot_general3A = arith.constant dense<0.000000e+00> : vector<1000x128xf32>
    %dot_general3A_20 = tpu.matmul %mul3A_16, %get3A_19, %dot_general3A {dimension_numbers = #tpu.dot_dimension_numbers<[1], [0], [0], [1], [0, 0, 1, 1], [], []>, transpose_lhs_hint = false} : vector<1000x128xf32>, vector<128x128xf32>, vector<1000x128xf32> -> vector<1000x128xf32>
    %get3A_21 = arith.constant 0 : index
    %get3A_22 = arith.constant 0 : index
    %get3A_23 = vector.load %arg5[%get3A_21, %get3A_22] : memref<1000x128xf32, #tpu.memory_space<vmem>>, vector<1000x128xf32>
    %add3A_24 = arith.addf %dot_general3A_20, %get3A_23 : vector<1000x128xf32>
    %max3A_25 = arith.constant 0.000000e+00 : f32
    %max3A_26 = vector.broadcast %max3A_25 : f32 to vector<1000x128xf32>
    %max3A_27 = arith.maximumf %add3A_24, %max3A_26 : vector<1000x128xf32>
    %swap3A = arith.constant 0 : index
    %swap3A_28 = arith.constant 0 : index
    %swap3A_29 = vector.load %arg7[%swap3A, %swap3A_28] : memref<1000x128xf32, #tpu.memory_space<vmem>>, vector<1000x128xf32>
    tpu.vector_store %arg7[%swap3A, %swap3A_28], %max3A_27 {strides = array<i32>} : memref<1000x128xf32, #tpu.memory_space<vmem>>, vector<1000x128xf32>,
    return
  }
  func.func @transform_0(%arg0: i32) -> (i32, i32) {
    %c0_i32 = arith.constant 0 : i32
    %c0_i32_0 = arith.constant 0 : i32
    return %arg0, %c0_i32 : i32, i32
  }
  func.func @transform_1(%arg0: i32) -> (i32, i32) {
    %c0_i32 = arith.constant 0 : i32
    %c0_i32_0 = arith.constant 0 : i32
    return %arg0, %c0_i32 : i32, i32
  }
  func.func @transform_2(%arg0: i32) -> (i32, i32) {
    %c0_i32 = arith.constant 0 : i32
    %c0_i32_0 = arith.constant 0 : i32
    return %arg0, %c0_i32 : i32, i32
  }
  func.func @transform_3(%arg0: i32) -> (i32, i32) {
    %c0_i32 = arith.constant 0 : i32
    %c0_i32_0 = arith.constant 0 : i32
    return %arg0, %c0_i32 : i32, i32
  }
  func.func @transform_4(%arg0: i32) -> (i32, i32) {
    %c0_i32 = arith.constant 0 : i32
    %c0_i32_0 = arith.constant 0 : i32
    return %arg0, %c0_i32 : i32, i32
  }
  func.func @transform_5(%arg0: i32) -> (i32, i32) {
    %c0_i32 = arith.constant 0 : i32
    %c0_i32_0 = arith.constant 0 : i32
    %c0_i32_1 = arith.constant 0 : i32
    return %c0_i32, %c0_i32_0 : i32, i32
  }
  func.func @transform_6(%arg0: i32) -> (i32, i32) {
    %c0_i32 = arith.constant 0 : i32
    %c0_i32_0 = arith.constant 0 : i32
    return %arg0, %c0_i32 : i32, i32
  }
}

module attributes {stable_mosaic.version = 14 : i64} {
  func.func @_densec_body(%arg0: i32, %arg1: memref<1000x128xf32, #tpu.memory_space<vmem>>, %arg2: memref<1000x128xf32, #tpu.memory_space<vmem>>, %arg3: memref<1000x16xf32, #tpu.memory_space<vmem>>, %arg4: memref<1000x16xf32, #tpu.memory_space<vmem>>, %arg5: memref<1000x128xf32, #tpu.memory_space<vmem>>, %arg6: memref<128x128xf32, #tpu.memory_space<vmem>>, %arg7: memref<1000x128xf32, #tpu.memory_space<vmem>>) attributes {dimension_semantics = [#tpu.dimension_semantics<arbitrary>], iteration_bounds = array<i64: 10>, scalar_prefetch = 0 : i64, scratch_operands = 0 : i64, tpu.core_type = #tpu.core_type<tc>, window_params = [{transform_indices = @transform_0, window_bounds = array<i64: 1000, 128>}, {transform_indices = @transform_1, window_bounds = array<i64: 1000, 128>}, {transform_indices = @transform_2, window_bounds = array<i64: 1000, 16>}, {transform_indices = @transform_3, window_bounds = array<i64: 1000, 16>}, {transform_indices = @transform_4, window_bounds = array<i64: 1000, 128>}, {pipeline_mode = #tpu.pipeline_mode<synchronous>, transform_indices = @transform_5, window_bounds = array<i64: 128, 128>}, {transform_indices = @transform_6, window_bounds = array<i64: 1000, 128>}]} {
    %get3A = arith.constant 0 : index
    %get3A_0 = arith.constant 0 : index
    %get3A_1 = vector.load %arg3[%get3A, %get3A_0] : memref<1000x16xf32, #tpu.memory_space<vmem>>, vector<1000x1xf32>
    %get3A_2 = arith.constant 0 : index
    %get3A_3 = arith.constant 0 : index
    %get3A_4 = vector.load %arg4[%get3A_2, %get3A_3] : memref<1000x16xf32, #tpu.memory_space<vmem>>, vector<1000x1xf32>
    %add3A = arith.addf %get3A_1, %get3A_4 : vector<1000x1xf32>
    %max3A = arith.constant 1.000000e+00 : f32
    %max3A_5 = vector.broadcast %max3A : f32 to vector<1000x1xf32>
    %max3A_6 = arith.maximumf %add3A, %max3A_5 : vector<1000x1xf32>
    %div3A = arith.constant 1.000000e+00 : f32
    %div3A_7 = vector.broadcast %div3A : f32 to vector<1000x1xf32>
    %div3A_8 = arith.divf %div3A_7, %max3A_6 : vector<1000x1xf32>
    %get3A_9 = arith.constant 0 : index
    %get3A_10 = arith.constant 0 : index
    %get3A_11 = vector.load %arg1[%get3A_9, %get3A_10] : memref<1000x128xf32, #tpu.memory_space<vmem>>, vector<1000x128xf32>
    %get3A_12 = arith.constant 0 : index
    %get3A_13 = arith.constant 0 : index
    %get3A_14 = vector.load %arg2[%get3A_12, %get3A_13] : memref<1000x128xf32, #tpu.memory_space<vmem>>, vector<1000x128xf32>
    %add3A_15 = arith.addf %get3A_11, %get3A_14 : vector<1000x128xf32>
    %mul3A = vector.broadcast %div3A_8 : vector<1000x1xf32> to vector<1000x128xf32>
    %mul3A_16 = arith.mulf %add3A_15, %mul3A : vector<1000x128xf32>
    %get3A_17 = arith.constant 0 : index
    %get3A_18 = arith.constant 0 : index
    %get3A_19 = vector.load %arg6[%get3A_17, %get3A_18] : memref<128x128xf32, #tpu.memory_space<vmem>>, vector<128x128xf32>
    %dot_general3A = arith.constant dense<0.000000e+00> : vector<1000x128xf32>
    %dot_general3A_20 = tpu.matmul %mul3A_16, %get3A_19, %dot_general3A {dimension_numbers = #tpu.dot_dimension_numbers<[1], [0], [0], [1], [0, 0, 1, 1], [], []>, transpose_lhs_hint = false} : vector<1000x128xf32>, vector<128x128xf32>, vector<1000x128xf32> -> vector<1000x128xf32>
    %get3A_21 = arith.constant 0 : index
    %get3A_22 = arith.constant 0 : index
    %get3A_23 = vector.load %arg5[%get3A_21, %get3A_22] : memref<1000x128xf32, #tpu.memory_space<vmem>>, vector<1000x128xf32>
    %add3A_24 = arith.addf %dot_general3A_20, %get3A_23 : vector<1000x128xf32>
    %swap3A = arith.constant 0 : index
    %swap3A_25 = arith.constant 0 : index
    %swap3A_26 = vector.load %arg7[%swap3A, %swap3A_25] : memref<1000x128xf32, #tpu.memory_space<vmem>>, vector<1000x128xf32>
    tpu.vector_store %arg7[%swap3A, %swap3A_25], %add3A_24 {strides = array<i32>} : memref<1000x128xf32, #tpu.memory_space<vmem>>, vector<1000x128xf32>,
    return
  }
  func.func @transform_0(%arg0: i32) -> (i32, i32) {
    %c0_i32 = arith.constant 0 : i32
    %c0_i32_0 = arith.constant 0 : i32
    return %arg0, %c0_i32 : i32, i32
  }
  func.func @transform_1(%arg0: i32) -> (i32, i32) {
    %c0_i32 = arith.constant 0 : i32
    %c0_i32_0 = arith.constant 0 : i32
    return %arg0, %c0_i32 : i32, i32
  }
  func.func @transform_2(%arg0: i32) -> (i32, i32) {
    %c0_i32 = arith.constant 0 : i32
    %c0_i32_0 = arith.constant 0 : i32
    return %arg0, %c0_i32 : i32, i32
  }
  func.func @transform_3(%arg0: i32) -> (i32, i32) {
    %c0_i32 = arith.constant 0 : i32
    %c0_i32_0 = arith.constant 0 : i32
    return %arg0, %c0_i32 : i32, i32
  }
  func.func @transform_4(%arg0: i32) -> (i32, i32) {
    %c0_i32 = arith.constant 0 : i32
    %c0_i32_0 = arith.constant 0 : i32
    return %arg0, %c0_i32 : i32, i32
  }
  func.func @transform_5(%arg0: i32) -> (i32, i32) {
    %c0_i32 = arith.constant 0 : i32
    %c0_i32_0 = arith.constant 0 : i32
    %c0_i32_1 = arith.constant 0 : i32
    return %c0_i32, %c0_i32_0 : i32, i32
  }
  func.func @transform_6(%arg0: i32) -> (i32, i32) {
    %c0_i32 = arith.constant 0 : i32
    %c0_i32_0 = arith.constant 0 : i32
    return %arg0, %c0_i32 : i32, i32
  }
}

</mosaic_0001>

<sc_bundles>
// kernel: kernel.12.cloned.1.call-start
scs
__scs_entry_jumppad:
0x0: {  	(pc) =	sbr.rel $0x88, $3  }
0x1: {  	(tag) =	ssettag $0x0;
	lr =	simm.s32 $0x1  }
0x2: {  	[smem:$0x3F96] =	sst lr;
	_ =	strace $0xD0000000  }
0x3: {  	_ = 	snop  }
0x4: {  	_ = 	snop  }
0x5: {  	_ = 	snop  }
0x6: {  	_ = 	snop  }
0x7: {  	_ = 	snop  }
__scs_overlays_trampoline_lowered:
0x8: {  	[smem:$0x3FA5] =	sst s0  }
0x9: {  	[smem:$0x3FA6] =	sst s1  }
0xa: {  	[smem:$0x3FA7] =	sst s2  }
0xb: {  	[smem:$0x3FA8] =	sst s3  }
0xc: {  	[smem:$0x3FA9] =	sst s4  }
0xd: {  	[smem:$0x3FAA] =	sst s5  }
0xe: {  	[smem:$0x3FAB] =	sst s6  }
0xf: {  	[smem:$0x3FAC] =	sst s7  }
0x10: {  	[smem:$0x3FAD] =	sst s8  }
0x11: {  	[smem:$0x3FAE] =	sst s9;
	s0 =	simm.s32 @!p0 $0x0  }
0x12: {  	s1 =	sld [smem:$0x3F94];
	s0 =	simm.s32 @p0 $0x1  }
0x13: {  	[smem:$0x3FAF] =	sst s0;
	s0 =	simm.s32 @!p1 $0x0  }
0x14: {  	s2 =	sld [smem:$0x3F93];
	s0 =	simm.s32 @p1 $0x1  }
0x15: {  	[smem:$0x3FB0] =	sst s0;
	s0 =	simm.s32 @!p2 $0x0  }
0x16: {  	s3 =	sld [smem:$0x3FDB];
	s0 =	simm.s32 @p2 $0x1  }
0x17: {  	s4 =	simm.s32 $0x1BF5;
	[smem:$0x3FB2] =	sst s0  }
0x18: {  	s0 =	sld [smem:$0x3F95];
	_ =	swait.ge [sflag:s4], $0x0  }
0x19: {  	s7 =	sld [smem:$0x3F96]  }
0x1a: {  	s8 =	sadd.s32 $0xFFFFE003, lr  }
0x1b: {  	s9 =	sadd.s32 $0xFFFFFEF7, lr;
	s5 =	simm.s32 $0xFFFFFFFF;
	p2 =	slt.u32 s8, $0xFFFFF086  }
0x1c: {  	p1 =	slt.u32 s9, $0xF7A;
	s5 =	simm.s32 @!p2 $0x0  }
0x1d: {  	s5 =	simm.s32 @p1 $0x1;
	p0 =	seq.s32 s7, s2  }
0x1e: {  	s7 =	smul.u32 @!p0 $0xF7A, s2;
	p2 =	seq.s32 @!p0 s5, $0x0  }
0x1f: {  	s9 =	smul.u32 $0xF7A, s1;
	s8 =	simm.s32 @!p0 $0x1BF5;
	p2 =	por !p2, p0  }
0x20: {  	[sflag:s8] =	ssyncset.s32 @!p0 $0xFFFFF086;
	s6 =	sadd.s32 @!p0 s3, s7;
	s7 =	simm.s32 @!p0 $0x108  }
0x21: {  	s3 =	sadd.s32 s3, s9;
	s6 =	sadd.s32 @!p0 $0x88, s6;
	s7 =	simm.s32 @p2 $0x1082  }
0x22: {  	[simem:s7], [sflag:s8] =	dma.local @!p0 [hbm:s6], $0xF7A  }
0x23: {  	s9 =	sor.u32 $0xD0000000, s2;
	s6 =	simm.s32 $0x108;
	_ =	swait.ge @!p0 [sflag:s8], $0x0  }
0x24: {  	s3 =	sadd.s32 $0x88, s3;
	s6 =	simm.s32 @!p1 $0x1082;
	[sflag:s4] =	ssyncset.s32 $0xFFFFF086  }
0x25: {  	[simem:s6], [sflag:s4] =	dma.local [hbm:s3], $0xF7A  }
0x26: {  	[smem:$0x3F96] =	sst s1;
	(tag) =	ssettag s2;
	_ =	strace s9  }
0x27: {  	s1 =	sld [smem:$0x3FA6]  }
0x28: {  	s2 =	sld [smem:$0x3FA7]  }
0x29: {  	s4 =	sld [smem:$0x3FA9]  }
0x2a: {  	p0 =	seq.s32 s5, $0x0;
	s5 =	sld [smem:$0x3FAA]  }
0x2b: {  	s6 =	sld [smem:$0x3FAB]  }
0x2c: {  	s7 =	sld [smem:$0x3FAC]  }
0x2d: {  	s3 =	simm.s32 $0x108;
	s8 =	sld [smem:$0x3FAD]  }
0x2e: {  	s3 =	simm.s32 @!p0 $0x1082;
	s9 =	sld [smem:$0x3FAE]  }
0x2f: {  	lr =	sadd.s32 s0, s3;
	s0 =	sld [smem:$0x3FA5]  }
0x30: {  	s3 =	sld [smem:$0x3FA8]  }
0x31: {  	[smem:$0x3FB1] =	sst s10  }
0x32: {  	s10 =	sld [smem:$0x3FAF];
	_ =	sdelay $0x3  }
0x33: {  	p0 =	seq.s32 s10, $0x1;
	s10 =	sld [smem:$0x3FB1];
	_ =	sdelay $0x3  }
0x34: {  	[smem:$0x3FB1] =	sst s10  }
0x35: {  	s10 =	sld [smem:$0x3FB0];
	_ =	sdelay $0x3  }
0x36: {  	p1 =	seq.s32 s10, $0x1;
	s10 =	sld [smem:$0x3FB1];
	_ =	sdelay $0x3  }
0x37: {  	[smem:$0x3FB1] =	sst s10  }
0x38: {  	s10 =	sld [smem:$0x3FB2]  }
0x39: {  	_ = 	snop;
	(pc) =	sbr.ind lr, $3  }
0x3a: {  	_ = 	snop  }
0x3b: {  	_ = 	snop  }
0x3c: {  	p2 =	seq.s32 s10, $0x1;
	s10 =	sld [smem:$0x3FB1]  }
0x3d: {  	_ =	shalt  }
0x3e: {  	_ =	shalt  }
0x3f: {  	_ =	shalt  }
0x40: {  	_ =	shalt  }
0x41: {  	_ =	shalt  }
0x42: {  	_ =	shalt  }
0x43: {  	_ =	shalt  }
0x44: {  	_ =	shalt  }
0x45: {  	_ =	shalt  }
0x46: {  	_ =	shalt  }
0x47: {  	_ =	shalt  }
0x48: {  	_ =	shalt  }
0x49: {  	_ =	shalt  }
0x4a: {  	_ =	shalt  }
0x4b: {  	_ =	shalt  }
0x4c: {  	_ =	shalt  }
0x4d: {  	_ =	shalt  }
0x4e: {  	_ =	shalt  }
0x4f: {  	_ =	shalt  }
0x50: {  	_ =	shalt  }
0x51: {  	_ =	shalt  }
0x52: {  	_ =	shalt  }
0x53: {  	_ =	shalt  }
0x54: {  	_ =	shalt  }
0x55: {  	_ =	shalt  }
0x56: {  	_ =	shalt  }
0x57: {  	_ =	shalt  }
0x58: {  	_ =	shalt  }
0x59: {  	_ =	shalt  }
0x5a: {  	_ =	shalt  }
0x5b: {  	_ =	shalt  }
0x5c: {  	_ =	shalt  }
0x5d: {  	_ =	shalt  }
0x5e: {  	_ =	shalt  }
0x5f: {  	_ =	shalt  }
0x60: {  	_ =	shalt  }
0x61: {  	_ =	shalt  }
0x62: {  	_ =	shalt  }
0x63: {  	_ =	shalt  }
0x64: {  	_ =	shalt  }
0x65: {  	_ =	shalt  }
0x66: {  	_ =	shalt  }
0x67: {  	_ =	shalt  }
0x68: {  	_ =	shalt  }
0x69: {  	_ =	shalt  }
0x6a: {  	_ =	shalt  }
0x6b: {  	_ =	shalt  }
0x6c: {  	_ =	shalt  }
0x6d: {  	_ =	shalt  }
0x6e: {  	_ =	shalt  }
0x6f: {  	_ =	shalt  }
0x70: {  	_ =	shalt  }
0x71: {  	_ =	shalt  }
0x72: {  	_ =	shalt  }
0x73: {  	_ =	shalt  }
0x74: {  	_ =	shalt  }
0x75: {  	_ =	shalt  }
0x76: {  	_ =	shalt  }
0x77: {  	_ =	shalt  }
0x78: {  	_ =	shalt  }
0x79: {  	_ =	shalt  }
0x7a: {  	_ =	shalt  }
0x7b: {  	_ =	shalt  }
0x7c: {  	_ =	shalt  }
0x7d: {  	_ =	shalt  }
0x7e: {  	_ =	shalt  }
0x7f: {  	_ =	shalt  }
0x80: {  	_ =	shalt  }
0x81: {  	_ =	shalt  }
0x82: {  	_ =	shalt  }
0x83: {  	_ =	shalt  }
0x84: {  	_ =	shalt  }
0x85: {  	_ =	shalt  }
0x86: {  	_ =	shalt  }
0x87: {  	_ =	shalt  }
.Lfunc_end0:
.L_simem_size_0:
called_computation_lowered:
.L_overlay_start_0:
0x88: {  	s2 =	sld [smem:$0x3FD9]  }
0x89: {  	s3 =	sld [smem:$0x3FFE];
	_ =	sdelay $0x1  }
0x8a: {  	s1 =	srdreg.scid  }
0x8b: {  	s0 =	sand.u32 $0x1, s1  }
0x8c: {  	s17 =	sshll.u32 s0, $0xA;
	s2 =	sadd.s32 s3, s2  }
0x8d: {  	s2 =	sadd.s32 s2, s17  }
0x8e: {  	[smem:$0x3FBD] =	sst s2  }
0x8f: {  	_ = 	snop  }
0x90: {  	(tm) =	ssettm $0x1  }
0x91: {  	s18 =	sld [smem:$0x3FFB];
	_ =	sdelay $0x3  }
0x92: {  	_ =	strace s18  }
0x93: {  	s2 =	sld [smem:$0x3FFC];
	_ =	sdelay $0x3  }
0x94: {  	_ =	strace s2  }
0x95: {  	s2 =	sld [smem:$0x3FFD];
	_ =	sdelay $0x3  }
0x96: {  	_ =	strace s2  }
0x97: {  	_ =	strace $0x8FFFFFFF  }
0x98: {  	s19 =	sld [smem:$0x3FDB];
	_ =	sdelay $0x1  }
0x99: {  	s20 =	simm.s32 $_scs_section_size  }
0x9a: {  	s4 =	simm.s32 $_size__tile_overlayer_lowered;
	s5 =	simm.s32 $_tile_overlayer_lowered  }
0x9b: {  	s6 =	simm.s32 $0x1BFF;
	s21 =	sshll.u32 s5, $0x1;
	s3 =	sadd.s32 s20, s19  }
0x9c: {  	s22 =	simm.s32 $0x0;
	s4 =	sshll.u32 s4, $0x1;
	s5 =	sadd.s32 s21, s3  }
0x9d: {  	[timem:s22], [sflag:s6] =	dma.local [hbm:s5], s4  }
0x9e: {  	_ =	swait.ge [sflag:s6], s4  }
0x9f: {  	s4 =	ssub.s32 $0x0, s4;
	[sflag:s6] =	ssyncset.done $0x0  }
0xa0: {  	[sflag:s6] =	ssyncadd.s32 s4;
	_ =	sdelay $0x1  }
0xa1: {  	s23 =	simm.s32 $0x1B8B  }
0xa2: {  	_ =	swait.ge [sflag:s23], $0x1  }
0xa3: {  	[sflag:s23] =	ssyncset.done $0x0  }
0xa4: {  	[sflag:s23] =	ssyncadd.s32 $0xFFFFFFFF  }
0xa5: {  	s4 =	sld [smem:$0x0]  }
0xa6: {  	s5 =	sand.u32 $0xFFFFFFFE, s1  }
0xa7: {  	p0 =	sne.s32 s1, s5  }
0xa8: {  	s5 =	sshll.u32 @p0 s5, $0xE  }
0xa9: {  	s5 =	sadd.s32 @p0 $0x11B8D, s5;
	s6 =	sshll.u32 @p0 s4, $0x11  }
0xaa: {  	s5 =	sor.u32 @p0 s6, s5  }
0xab: {  	[sflag:s5] =	ssyncadd.remote.s32 @p0 $0x1;
	_ =	sdelay $0x1  }
0xac: {  	s5 =	simm.s32 @p0 $0x1B8D  }
0xad: {  	_ =	swait.eq @p0 [sflag:s5], $0x1  }
0xae: {  	[sflag:s5] =	ssyncadd.s32 @p0 $0xFFFFFFFF  }
0xaf: {  	s6 =	sshll.u32 @!p0 s1, $0xE  }
0xb0: {  	s6 =	sor.u32 @!p0 $0x4000, s6;
	s5 =	simm.s32 @!p0 $0x1B8D  }
0xb1: {  	s4 =	sshll.u32 @!p0 s4, $0x11;
	s6 =	sadd.s32 @!p0 $0x11B8D, s6;
	_ =	swait.eq @!p0 [sflag:s5], $0x1  }
0xb2: {  	s4 =	sor.u32 @!p0 s4, s6;
	[sflag:s5] =	ssyncadd.s32 @!p0 $0xFFFFFFFF  }
0xb3: {  	s25 =	simm.s32 $0x1B8E;
	s24 =	sld [smem:$0x3FFE];
	[sflag:s4] =	ssyncadd.remote.s32 @!p0 $0x1  }
0xb4: {  	s26 =	simm.s32 $execute0_lowered;
	[smem:$0x3FD2] =	sst s25  }
0xb5: {  	s5 =	sshll.u32 s26, $0x1;
	_ =	strace $0x80000049;
	[dreg:$0x1] =	wrdreg $0xFFFFFFFF  }
0xb6: {  	s28 =	simm.s32 $_size_execute0_lowered;
	s3 =	sadd.s32 s3, s5;
	[dreg:$0x0] =	wrdreg $0x0  }
0xb7: {  	s5 =	sshll.u32 s28, $0x1;
	[dreg:$0x2] =	wrdreg s3  }
0xb8: {  	[dreg:$0x3] =	wrdreg s5  }
0xb9: {  	[dreg:$0x4] =	wrdreg $0xC0  }
0xba: {  	_ =	task [dreg:s22], $0x5FFFF  }
0xbb: {  	[dreg:$0x1] =	wrdreg $0xFFFFFFFF  }
0xbc: {  	[dreg:$0x0] =	wrdreg $0x60  }
0xbd: {  	[dreg:$0x2] =	wrdreg s24  }
0xbe: {  	[dreg:$0x3] =	wrdreg $0x0  }
0xbf: {  	[dreg:$0x4] =	wrdreg $0x9  }
0xc0: {  	_ =	task.clear_ibuf [dreg:s22], $0x5FFFF;
	_ =	strace $0x90000049  }
0xc1: {  	s29 =	simm.s32 $0x9;
	_ =	strace $0x8000004B  }
0xc2: {  	_ =	swait.ge [sflag:s29], $0x1  }
0xc3: {  	[sflag:s29] =	ssyncadd.s32 $0xFFFFFFFF  }
0xc4: {  	_ =	strace $0x9000004B  }
0xc5: {  	_ =	sfence  }
0xc6: {  	s30 =	sld [smem:$0x0];
	_ =	sdelay $0x2  }
0xc7: {  	s31 =	sshll.u32 s1, $0xD;
	s1 =	sshrl.u32 s1, $0x2  }
0xc8: {  	s4 =	sand.u32 $0x4000, s31;
	s1 =	sadd.s32 s1, s30  }
0xc9: {  	s0 =	sor.u32 s4, s0;
	s1 =	sshll.u32 s1, $0x11  }
0xca: {  	s0 =	sor.u32 s1, s0  }
0xcb: {  	s0 =	sadd.s32 $0x8F2B, s0  }
0xcc: {  	[sflag:s0] =	ssyncadd.remote.s32 $0x1  }
0xcd: {  	_ =	sfence.sel $0xFFFF  }
0xce: {  	[dreg:$0x0] =	wrdreg $0xFFFFFFFF;
	(pc) =	sbr.abs _section_cstart, $3  }
0xcf: {  	[dreg:$0x1] =	wrdreg $0xFFFFFFFF  }
0xd0: {  	_ =	task.clear_ibuf [dreg:s22], $0x2FFFF;
	_ =	strace $0x9FFFFFFF  }
0xd1: {  	(tm) =	ssettm $0x7FFFFFFF  }
tec
execute0_lowered:
.L_overlay_start_1:
0x0: {  	(tag) =	ssettag $0x1  }
0x1: {  	s11 =	rddreg [dreg:$0x0]  }
0x2: {  	s0 =	srdreg.scid;
	s13 =	rddreg [dreg:$0x1]  }
0x3: {  	s2 =	simm.s32 $0x0;
	s15 =	simm.s32 $0x400;
	s16 =	simm.s32 $0x2780  }
0x4: {  	s17 =	simm.s32 $0x1;
	s18 =	simm.s32 $0x4F00;
	s19 =	simm.s32 $0x7680  }
0x5: {  	s20 =	simm.s32 $0x8A80;
	s21 =	simm.s32 $0x9E80;
	s22 =	simm.s32 $0x1400  }
0x6: {  	s23 =	simm.s32 $0x13C00;
	s24 =	simm.s32 $0x0;
	s7 =	sand.u32 $0x1, s0  }
0x7: {  	s0 =	stileid.u32;
	[smem:$0x7FF] =	sst s2;
	s1 =	sshll.u32 s7, $0x4  }
0x8: {  	s29 =	sshll.u32 s0, $0x7;
	s4 =	sshrl.u32 s0, $0x3;
	s8 =	smul.u32 $0x2800, s0  }
0x9: {  	s9 =	ssub.s32 $0x2, s7;
	s12 =	smul.u32 $0x5000, s0;
	p0 =	seq.s32 s7, $0x1  }
0xa: {  	p1 =	sne.s32 s0, $0xF;
	s1 =	sor.u32 s0, s1;
	s5 =	sand.u32 $0x380, s29  }
0xb: {  	s4 =	smul.u32 $0x4F000, s4;
	s10 =	sshrl.u32 s9, $0x1;
	s1 =	sshrl.u32 s1, $0x3  }
0xc: {  	s8 =	sadd.s32 s8, s11;
	s14 =	ssub.s32 s9, s10;
	s31 =	sshrl.u32 s12, $0x2  }
0xd: {  	s9 =	sadd.s32 $0x12C00, s13;
	s10 =	sadd.s32 $0x9DC00, s11;
	s3 =	smul.u32 $0x13C00, s1  }
0xe: {  	s1 =	rddreg [dreg:$0x2];
	_ =	strace $0x8000004A;
	s4 =	sshrl.u32 s4, $0x2  }
.Ltmp0:
0xf: {  	s7 =	sadd.s32 $0x78400, s8;
	s8 =	sadd.s32 $0x9F600, s8;
	(pc) =	sbr.rel .LBB2_1-.Ltmp0, $4  }
0x10: {  	s12 =	smax.u32 s14, $0x1;
	s30 =	sadd.s32 s4, s13;
	s3 =	sor.u32 s5, s3  }
0x11: {  	s14 =	simm.s32 $0x80;
	s5 =	sadd.s32 s5, s30;
	s3 =	sshrl.u32 s3, $0x3  }
0x12: {  	v1 =	vlaneseq.u32;
	s6 =	sadd.s32 s3, s11;
	s3 =	sadd.s32 $0x77E00, s11;
	s11 =	sadd.s32 $0xC4E00, s11  }
0x13: {  	v0 =	vimm.f32 $1.000000000e+00;
	v1 =	vmul.u32 $0x80, v1;
	s4 =	sadd.s32 $0x6E000, s6;
	s6 =	sadd.s32 s31, s13;
	s13 =	sadd.s32 $0x26800, s13  }
.LBB2_9:
0x14: {  	v2 =	vld [tilespmem:s26+$0x7700]  }
0x15: {  	v3 =	vld [tilespmem:s26+$0x7680];
	_ =	sdelay $0x1  }
0x16: {  	v4 =	vld [tilespmem:s26+$0x7780];
	_ =	sdelay $0x1  }
0x17: {  	v5 =	vld [tilespmem:s26+$0x7800]  }
0x18: {  	v2 =	vadd.f32 v2, v3  }
0x19: {  	v3 =	vld [tilespmem:s26+$0x7880]  }
0x1a: {  	v2 =	vadd.f32 v4, v2  }
0x1b: {  	v56 =	vld [tilespmem:s26+$0x7900]  }
0x1c: {  	v2 =	vadd.f32 v5, v2  }
0x1d: {  	v57 =	vld [tilespmem:s26+$0x7980];
	s28 =	sor.u32 s28, s25  }
0x1e: {  	s28 =	sor.u32 $0x380, s28;
	v2 =	vadd.f32 v3, v2  }
0x1f: {  	v3 =	vld [tilespmem:s28+$0x7680]  }
0x20: {  	v2 =	vadd.f32 v56, v2  }
0x21: {  	v58 =	vld [tilespmem:s26+$0x8A80]  }
0x22: {  	v2 =	vadd.f32 v57, v2  }
0x23: {  	v59 =	vld [tilespmem:s26+$0x8B00]  }
0x24: {  	v2 =	vadd.f32 v3, v2  }
0x25: {  	v3 =	vld [tilespmem:s26+$0x8B80]  }
0x26: {  	v2 =	vadd.f32 v58, v2  }
0x27: {  	v60 =	vld [tilespmem:s26+$0x8C00]  }
0x28: {  	v2 =	vadd.f32 v59, v2  }
0x29: {  	v61 =	vld [tilespmem:s26+$0x8C80]  }
0x2a: {  	v2 =	vadd.f32 v3, v2  }
0x2b: {  	v3 =	vld [tilespmem:s26+$0x8D00]  }
0x2c: {  	v2 =	vadd.f32 v60, v2  }
0x2d: {  	v62 =	vld [tilespmem:s26+$0x8D80]  }
0x2e: {  	v2 =	vadd.f32 v61, v2  }
0x2f: {  	v63 =	vld [tilespmem:s26+$0x8E00];
	v6 =	vmov s25  }
0x30: {  	v2 =	vadd.f32 v3, v2;
	v3 =	vshll.u32 v6, $0x7  }
0x31: {  	v3 =	vor.u32 v1, v3  }
0x32: {  	v2 =	vadd.f32 v62, v2;
	_ =	sdelay $0x1  }
0x33: {  	v2 =	vadd.f32 v63, v2;
	_ =	sdelay $0x1  }
0x34: {  	s25 =	simm.s32 @p0 $0x0;
	s26 =	simm.s32 @p0 $0x9E80;
	[tilespmem:v3+s21+$0x0] =	vst.idx.msk $0xffff, v2  }
0x35: {  	[hbm4b:s8+s25] =	stream.linear.scatter @p0 [tilespmem:s26], [sflag:$0x1], $0x14000, $0x38;
	[tilespmem:$0x1DE80] =	vst v63  }
0x36: {  	s25 =	simm.s32 @p0 $0x1  }
0x37: {  	_ =	swait.ge @p0 [sflag:s25], $0x14000  }
0x38: {  	[sflag:s25] =	ssyncset.done @p0 $0x0  }
0x39: {  	s26 =	simm.s32 @!p0 $0x9E80;
	[sflag:s25] =	ssyncadd.s32 @p0 $0xFFFEC000;
	s25 =	simm.s32 @!p0 $0x0  }
0x3a: {  	[hbm4b:s7+s25] =	stream.linear.scatter @!p0 [tilespmem:s26], [sflag:$0x1], $0x14000, $0x38;
	[tilespmem:$0x1DE80] =	vst v63  }
0x3b: {  	s25 =	simm.s32 @!p0 $0x1  }
0x3c: {  	_ =	swait.ge @!p0 [sflag:s25], $0x14000  }
0x3d: {  	[sflag:s25] =	ssyncset.done @!p0 $0x0  }
0x3e: {  	[sflag:s25] =	ssyncadd.s32 @!p0 $0xFFFEC000  }
.LBB2_10:
0x3f: {  	s24 =	sadd.s32 $0x1, s24  }
0x40: {  	p2 =	sne.s32 s24, s12  }
.Ltmp1:
0x41: {  	_ = 	snop;
	(pc) =	sbr.rel @!p2 .LBB2_11-.Ltmp1, $1  }
0x42: {  	_ =	sdelay $0x3  }
.LBB2_1:
0x43: {  	[tilespmem:s16], [sflag:$0x1] =	stream.strided.gather [hbm4b:s4+s14], $0x2780, s15, s14, $0x38;
	[tilespmem:$0x1DE80] =	vst v63  }
0x44: {  	_ =	swait.ge [sflag:s17], $0x2780  }
0x45: {  	[sflag:s17] =	ssyncset.done $0x0  }
0x46: {  	[sflag:s17] =	ssyncadd.s32 $0xFFFFD880  }
0x47: {  	[tilespmem:s18], [sflag:$0x1] =	stream.linear.gather [hbm4b:s3+s2], $0x2780, $0x38;
	[tilespmem:$0x1DE80] =	vst v63  }
0x48: {  	_ =	swait.ge [sflag:s17], $0x2780  }
0x49: {  	[sflag:s17] =	ssyncset.done $0x0  }
0x4a: {  	s26 =	simm.s32 $0x0;
	s25 =	simm.s32 $0x40;
	[sflag:s17] =	ssyncadd.s32 $0xFFFFD880  }
.LBB2_2:
0x4b: {  	p2 =	sne.s32 s25, $0x9C00;
	v2 =	vld [tilespmem:s26+$0x2780];
	_ =	sdelay $0x3  }
.Ltmp2:
0x4c: {  	(pc) =	sbr.rel @p2 .LBB2_2-.Ltmp2, $2  }
0x4d: {  	_ =	sdelay $0x2  }
0x4e: {  	s26 =	sshra.s32 s25, $0x2;
	s25 =	sadd.s32 $0x40, s25;
	[tilespmem:v2+s18+$0x0] =	vst.idx.add.f32.msk $0xffff, v0  }
0x4f: {  	v2 =	vld [tilespmem:s26+$0x2780];
	_ =	sdelay $0x7  }
0x50: {  	[tilespmem:v2+s18+$0x0] =	vst.idx.add.f32.msk $0xffff, v0  }
0x51: {  	[spmem:s5] =	stream.strided.scatter [tilespmem:s18], [sflag:$0x1], $0x2780, s15, s14, $0x38;
	[tilespmem:$0x1DE80] =	vst v63  }
.Ltmp3:
0x52: {  	_ =	swait.ge [sflag:s17], $0x2780;
	(pc) =	sbr.rel @p1 .LBB2_7-.Ltmp3, $3  }
0x53: {  	[sflag:s17] =	ssyncset.done $0x0  }
0x54: {  	[sflag:s17] =	ssyncadd.s32 $0xFFFFD880  }
0x55: {  	[bflag:$0x0] =	sbarrier.arrive $0xFFFF;
	_ =	sdelay $0x1  }
0x56: {  	[tilespmem:s19], [sflag:$0x1] =	stream.linear.gather [spmem:s9], $0x1000, $0x38;
	[tilespmem:$0x1DE80] =	vst v63  }
0x57: {  	_ = 	snop  }
0x58: {  	[tilespmem:s20], [sflag:$0x1] =	stream.linear.gather [spmem:s13], $0x1000, $0x38;
	[tilespmem:$0x1DE80] =	vst v63  }
0x59: {  	s25 =	simm.s32 $0x0;
	s29 =	simm.s32 $0x10;
	_ =	swait.ge [sflag:s17], $0x2000  }
0x5a: {  	s26 =	sand.u32 $0x70, s25;
	s28 =	sand.u32 $0xC00, s25;
	[sflag:s17] =	ssyncset.done $0x0  }
0x5b: {  	s26 =	sor.u32 s26, s28;
	s28 =	simm.s32 $0x0;
	[sflag:s17] =	ssyncadd.s32 $0xFFFFE000  }
.LBB2_5:
0x5c: {  	p2 =	sne.s32 s29, $0x1F0;
	v2 =	vld [tilespmem:s26+$0x7700]  }
0x5d: {  	v3 =	vld [tilespmem:s26+$0x7680];
	_ =	sdelay $0x1  }
0x5e: {  	v4 =	vld [tilespmem:s26+$0x7780];
	_ =	sdelay $0x1  }
0x5f: {  	v5 =	vld [tilespmem:s26+$0x7800]  }
0x60: {  	v2 =	vadd.f32 v2, v3  }
0x61: {  	v3 =	vld [tilespmem:s26+$0x7880]  }
0x62: {  	v2 =	vadd.f32 v4, v2  }
0x63: {  	v4 =	vld [tilespmem:s26+$0x7900]  }
0x64: {  	v2 =	vadd.f32 v5, v2  }
0x65: {  	s30 =	sor.u32 s28, s25;
	v5 =	vld [tilespmem:s26+$0x7980]  }
0x66: {  	s30 =	sor.u32 $0x380, s30;
	v2 =	vadd.f32 v3, v2  }
0x67: {  	v3 =	vld [tilespmem:s30+$0x7680]  }
0x68: {  	v2 =	vadd.f32 v4, v2  }
0x69: {  	v4 =	vld [tilespmem:s26+$0x8A80]  }
0x6a: {  	v2 =	vadd.f32 v5, v2  }
0x6b: {  	v5 =	vld [tilespmem:s26+$0x8B00]  }
0x6c: {  	v2 =	vadd.f32 v3, v2  }
0x6d: {  	v3 =	vld [tilespmem:s26+$0x8B80]  }
0x6e: {  	v2 =	vadd.f32 v4, v2  }
0x6f: {  	v4 =	vld [tilespmem:s26+$0x8C00]  }
0x70: {  	v2 =	vadd.f32 v5, v2  }
0x71: {  	v5 =	vld [tilespmem:s26+$0x8C80]  }
0x72: {  	v2 =	vadd.f32 v3, v2  }
0x73: {  	v3 =	vld [tilespmem:s26+$0x8D00]  }
0x74: {  	v2 =	vadd.f32 v4, v2  }
0x75: {  	v4 =	vld [tilespmem:s26+$0x8D80]  }
0x76: {  	v2 =	vadd.f32 v5, v2  }
0x77: {  	v6 =	vmov s25;
	s25 =	smov.u32 s29;
	v5 =	vld [tilespmem:s26+$0x8E00]  }
0x78: {  	v2 =	vadd.f32 v3, v2;
	v3 =	vshll.u32 v6, $0x7  }
0x79: {  	v3 =	vor.u32 v1, v3  }
.Ltmp4:
0x7a: {  	v2 =	vadd.f32 v4, v2;
	(pc) =	sbr.rel @p2 .LBB2_5-.Ltmp4, $4  }
0x7b: {  	_ = 	snop  }
0x7c: {  	s28 =	sadd.s32 $0x80, s28;
	v2 =	vadd.f32 v5, v2  }
0x7d: {  	s30 =	sand.u32 $0xC00, s28;
	s26 =	sand.u32 $0x70, s29  }
0x7e: {  	s29 =	sadd.s32 $0x10, s29;
	s26 =	sor.u32 s26, s30;
	[tilespmem:v3+s21+$0x0] =	vst.idx.msk $0xffff, v2  }
0x7f: {  	v2 =	vld [tilespmem:s26+$0x7700]  }
0x80: {  	v3 =	vld [tilespmem:s26+$0x7680];
	_ =	sdelay $0x1  }
0x81: {  	v4 =	vld [tilespmem:s26+$0x7780];
	_ =	sdelay $0x1  }
0x82: {  	v5 =	vld [tilespmem:s26+$0x7800]  }
0x83: {  	v2 =	vadd.f32 v2, v3  }
0x84: {  	v3 =	vld [tilespmem:s26+$0x7880]  }
0x85: {  	v2 =	vadd.f32 v4, v2  }
0x86: {  	v56 =	vld [tilespmem:s26+$0x7900]  }
0x87: {  	v2 =	vadd.f32 v5, v2  }
0x88: {  	v57 =	vld [tilespmem:s26+$0x7980];
	s28 =	sor.u32 s28, s25  }
0x89: {  	s28 =	sor.u32 $0x380, s28;
	v2 =	vadd.f32 v3, v2  }
0x8a: {  	v3 =	vld [tilespmem:s28+$0x7680]  }
0x8b: {  	v2 =	vadd.f32 v56, v2  }
0x8c: {  	v58 =	vld [tilespmem:s26+$0x8A80]  }
0x8d: {  	v2 =	vadd.f32 v57, v2  }
0x8e: {  	v59 =	vld [tilespmem:s26+$0x8B00]  }
0x8f: {  	v2 =	vadd.f32 v3, v2  }
0x90: {  	v3 =	vld [tilespmem:s26+$0x8B80]  }
0x91: {  	v2 =	vadd.f32 v58, v2  }
0x92: {  	v60 =	vld [tilespmem:s26+$0x8C00]  }
0x93: {  	v2 =	vadd.f32 v59, v2  }
0x94: {  	v61 =	vld [tilespmem:s26+$0x8C80]  }
0x95: {  	v2 =	vadd.f32 v3, v2  }
0x96: {  	v3 =	vld [tilespmem:s26+$0x8D00]  }
0x97: {  	v2 =	vadd.f32 v60, v2  }
0x98: {  	v62 =	vld [tilespmem:s26+$0x8D80]  }
0x99: {  	v2 =	vadd.f32 v61, v2  }
0x9a: {  	v63 =	vld [tilespmem:s26+$0x8E00];
	v6 =	vmov s25  }
0x9b: {  	v2 =	vadd.f32 v3, v2;
	v3 =	vshll.u32 v6, $0x7  }
0x9c: {  	v3 =	vor.u32 v1, v3  }
0x9d: {  	v2 =	vadd.f32 v62, v2;
	_ =	sdelay $0x1  }
0x9e: {  	v2 =	vadd.f32 v63, v2;
	_ =	sdelay $0x1  }
0x9f: {  	s25 =	simm.s32 @p0 $0x0;
	s26 =	simm.s32 @p0 $0x9E80;
	[tilespmem:v3+s21+$0x0] =	vst.idx.msk $0xffff, v2  }
0xa0: {  	[hbm4b:s11+s25] =	stream.linear.scatter @p0 [tilespmem:s26], [sflag:$0x1], $0xC800, $0x38;
	[tilespmem:$0x1DE80] =	vst v63  }
0xa1: {  	s25 =	simm.s32 @p0 $0x1  }
0xa2: {  	_ =	swait.ge @p0 [sflag:s25], $0xC800  }
0xa3: {  	[sflag:s25] =	ssyncset.done @p0 $0x0  }
0xa4: {  	s26 =	simm.s32 @!p0 $0x9E80;
	[sflag:s25] =	ssyncadd.s32 @p0 $0xFFFF3800;
	s25 =	simm.s32 @!p0 $0x0  }
0xa5: {  	[hbm4b:s10+s25] =	stream.linear.scatter @!p0 [tilespmem:s26], [sflag:$0x1], $0xC800, $0x38;
	[tilespmem:$0x1DE80] =	vst v63  }
.Ltmp5:
0xa6: {  	_ = 	snop;
	(pc) =	sbr.rel .LBB2_10-.Ltmp5, $4  }
0xa7: {  	s25 =	simm.s32 @!p0 $0x1  }
0xa8: {  	_ =	swait.ge @!p0 [sflag:s25], $0xC800  }
0xa9: {  	[sflag:s25] =	ssyncset.done @!p0 $0x0  }
0xaa: {  	[sflag:s25] =	ssyncadd.s32 @!p0 $0xFFFF3800  }
.LBB2_7:
0xab: {  	[tilespmem:s19], [sflag:$0x1] =	stream.strided.gather [spmem:s6], $0x2800, s23, s22, $0x38;
	[tilespmem:$0x1DE80] =	vst v63  }
0xac: {  	s25 =	simm.s32 $0x0;
	s29 =	simm.s32 $0x10;
	_ =	swait.ge [sflag:s17], $0x2800  }
0xad: {  	s26 =	sand.u32 $0x70, s25;
	s28 =	sand.u32 $0x1C00, s25;
	[sflag:s17] =	ssyncset.done $0x0  }
0xae: {  	s26 =	sor.u32 s26, s28;
	s28 =	simm.s32 $0x0;
	[sflag:s17] =	ssyncadd.s32 $0xFFFFD800  }
.LBB2_8:
0xaf: {  	p2 =	seq.s32 s29, $0x270;
	v2 =	vld [tilespmem:s26+$0x7700]  }
0xb0: {  	v3 =	vld [tilespmem:s26+$0x7680];
	_ =	sdelay $0x1  }
0xb1: {  	v4 =	vld [tilespmem:s26+$0x7780];
	_ =	sdelay $0x1  }
0xb2: {  	v5 =	vld [tilespmem:s26+$0x7800]  }
0xb3: {  	v2 =	vadd.f32 v2, v3  }
0xb4: {  	v3 =	vld [tilespmem:s26+$0x7880]  }
0xb5: {  	v2 =	vadd.f32 v4, v2  }
0xb6: {  	v4 =	vld [tilespmem:s26+$0x7900]  }
0xb7: {  	v2 =	vadd.f32 v5, v2  }
0xb8: {  	s30 =	sor.u32 s28, s25;
	v5 =	vld [tilespmem:s26+$0x7980]  }
0xb9: {  	s30 =	sor.u32 $0x380, s30;
	v2 =	vadd.f32 v3, v2  }
0xba: {  	v3 =	vld [tilespmem:s30+$0x7680]  }
0xbb: {  	v2 =	vadd.f32 v4, v2  }
0xbc: {  	v4 =	vld [tilespmem:s26+$0x8A80]  }
0xbd: {  	v2 =	vadd.f32 v5, v2  }
0xbe: {  	v5 =	vld [tilespmem:s26+$0x8B00]  }
0xbf: {  	v2 =	vadd.f32 v3, v2  }
0xc0: {  	v3 =	vld [tilespmem:s26+$0x8B80]  }
0xc1: {  	v2 =	vadd.f32 v4, v2  }
0xc2: {  	v4 =	vld [tilespmem:s26+$0x8C00]  }
0xc3: {  	v2 =	vadd.f32 v5, v2  }
0xc4: {  	v5 =	vld [tilespmem:s26+$0x8C80]  }
0xc5: {  	v2 =	vadd.f32 v3, v2  }
0xc6: {  	v3 =	vld [tilespmem:s26+$0x8D00]  }
0xc7: {  	v2 =	vadd.f32 v4, v2  }
0xc8: {  	v4 =	vld [tilespmem:s26+$0x8D80]  }
0xc9: {  	v2 =	vadd.f32 v5, v2  }
0xca: {  	v6 =	vmov s25;
	s25 =	smov.u32 s29;
	v5 =	vld [tilespmem:s26+$0x8E00]  }
0xcb: {  	v2 =	vadd.f32 v3, v2;
	v3 =	vshll.u32 v6, $0x7  }
0xcc: {  	v3 =	vor.u32 v1, v3  }
.Ltmp6:
0xcd: {  	v2 =	vadd.f32 v4, v2;
	(pc) =	sbr.rel @!p2 .LBB2_8-.Ltmp6, $4  }
0xce: {  	_ = 	snop  }
0xcf: {  	s28 =	sadd.s32 $0x80, s28;
	v2 =	vadd.f32 v5, v2  }
0xd0: {  	s30 =	sand.u32 $0x1C00, s28;
	s26 =	sand.u32 $0x70, s29  }
0xd1: {  	s29 =	sadd.s32 $0x10, s29;
	s26 =	sor.u32 s26, s30;
	[tilespmem:v3+s21+$0x0] =	vst.idx.msk $0xffff, v2  }
.Ltmp7:
0xd2: {  	_ = 	snop;
	(pc) =	sbr.rel .LBB2_9-.Ltmp7, $1  }
0xd3: {  	_ =	sdelay $0x3  }
.LBB2_11:
0xd4: {  	_ =	sfence.sel $0x180000  }
0xd5: {  	[bflag:$0x0] =	sbarrier.arrive $0xFFFF  }
0xd6: {  	p0 =	sne.s32 s0, $0x0;
	_ =	strace $0x9000004A  }
0xd7: {  	s0 =	sadd.s32 @!p0 $0x100000, s1;
	[bflag:$0x2] =	sbarrier.arrive $0xFFFF  }
0xd8: {  	[sflag:s0] =	ssyncadd.tile.s32 @!p0 $0x1;
	_ =	shalt  }
.Lfunc_end2:
_tile_overlayer_lowered:
.L_overlay_start_2:
0xd9: {  	(tag) =	ssettag $0x2  }
0xda: {  	s0 =	rddreg [dreg:$0x0];
	s2 =	stileid.u32  }
0xdb: {  	s1 =	rddreg [dreg:$0x1];
	p0 =	sne.s32 s2, $0x0  }
0xdc: {  	s3 =	rddreg [dreg:$0x2];
	[bflag:$0x3] =	sbarrier.arrive $0xFFFF;
	s2 =	simm.s32 @!p0 $0x1C01  }
0xdd: {  	[timem:s3], [sflag:s2] =	dma.local @!p0 [hbm:s0], s1  }
0xde: {  	s0 =	simm.s32 @!p0 $0x1  }
0xdf: {  	_ =	swait.ge @!p0 [sflag:s0], s1  }
0xe0: {  	s1 =	ssub.s32 @!p0 $0x0, s1;
	[sflag:s0] =	ssyncset.done @!p0 $0x0  }
0xe1: {  	[sflag:s0] =	ssyncadd.s32 @!p0 s1  }
0xe2: {  	[bflag:$0x3] =	sbarrier.arrive $0xFFFF  }
0xe3: {  	_ =	shalt  }

// kernel: kernel.15.cloned.1.call-start
scs
__scs_entry_jumppad:
0x0: {  	(pc) =	sbr.rel $0x88, $3  }
0x1: {  	(tag) =	ssettag $0x0;
	lr =	simm.s32 $0x1  }
0x2: {  	[smem:$0x3F96] =	sst lr;
	_ =	strace $0xD0000000  }
0x3: {  	_ = 	snop  }
0x4: {  	_ = 	snop  }
0x5: {  	_ = 	snop  }
0x6: {  	_ = 	snop  }
0x7: {  	_ = 	snop  }
__scs_overlays_trampoline_lowered:
0x8: {  	[smem:$0x3FA5] =	sst s0  }
0x9: {  	[smem:$0x3FA6] =	sst s1  }
0xa: {  	[smem:$0x3FA7] =	sst s2  }
0xb: {  	[smem:$0x3FA8] =	sst s3  }
0xc: {  	[smem:$0x3FA9] =	sst s4  }
0xd: {  	[smem:$0x3FAA] =	sst s5  }
0xe: {  	[smem:$0x3FAB] =	sst s6  }
0xf: {  	[smem:$0x3FAC] =	sst s7  }
0x10: {  	[smem:$0x3FAD] =	sst s8  }
0x11: {  	[smem:$0x3FAE] =	sst s9;
	s0 =	simm.s32 @!p0 $0x0  }
0x12: {  	s1 =	sld [smem:$0x3F94];
	s0 =	simm.s32 @p0 $0x1  }
0x13: {  	[smem:$0x3FAF] =	sst s0;
	s0 =	simm.s32 @!p1 $0x0  }
0x14: {  	s2 =	sld [smem:$0x3F93];
	s0 =	simm.s32 @p1 $0x1  }
0x15: {  	[smem:$0x3FB0] =	sst s0;
	s0 =	simm.s32 @!p2 $0x0  }
0x16: {  	s3 =	sld [smem:$0x3FDB];
	s0 =	simm.s32 @p2 $0x1  }
0x17: {  	s4 =	simm.s32 $0x1BF5;
	[smem:$0x3FB2] =	sst s0  }
0x18: {  	s0 =	sld [smem:$0x3F95];
	_ =	swait.ge [sflag:s4], $0x0  }
0x19: {  	s7 =	sld [smem:$0x3F96]  }
0x1a: {  	s8 =	sadd.s32 $0xFFFFE003, lr  }
0x1b: {  	s9 =	sadd.s32 $0xFFFFFEF7, lr;
	s5 =	simm.s32 $0xFFFFFFFF;
	p2 =	slt.u32 s8, $0xFFFFF086  }
0x1c: {  	p1 =	slt.u32 s9, $0xF7A;
	s5 =	simm.s32 @!p2 $0x0  }
0x1d: {  	s5 =	simm.s32 @p1 $0x1;
	p0 =	seq.s32 s7, s2  }
0x1e: {  	s7 =	smul.u32 @!p0 $0xF7A, s2;
	p2 =	seq.s32 @!p0 s5, $0x0  }
0x1f: {  	s9 =	smul.u32 $0xF7A, s1;
	s8 =	simm.s32 @!p0 $0x1BF5;
	p2 =	por !p2, p0  }
0x20: {  	[sflag:s8] =	ssyncset.s32 @!p0 $0xFFFFF086;
	s6 =	sadd.s32 @!p0 s3, s7;
	s7 =	simm.s32 @!p0 $0x108  }
0x21: {  	s3 =	sadd.s32 s3, s9;
	s6 =	sadd.s32 @!p0 $0x88, s6;
	s7 =	simm.s32 @p2 $0x1082  }
0x22: {  	[simem:s7], [sflag:s8] =	dma.local @!p0 [hbm:s6], $0xF7A  }
0x23: {  	s9 =	sor.u32 $0xD0000000, s2;
	s6 =	simm.s32 $0x108;
	_ =	swait.ge @!p0 [sflag:s8], $0x0  }
0x24: {  	s3 =	sadd.s32 $0x88, s3;
	s6 =	simm.s32 @!p1 $0x1082;
	[sflag:s4] =	ssyncset.s32 $0xFFFFF086  }
0x25: {  	[simem:s6], [sflag:s4] =	dma.local [hbm:s3], $0xF7A  }
0x26: {  	[smem:$0x3F96] =	sst s1;
	(tag) =	ssettag s2;
	_ =	strace s9  }
0x27: {  	s1 =	sld [smem:$0x3FA6]  }
0x28: {  	s2 =	sld [smem:$0x3FA7]  }
0x29: {  	s4 =	sld [smem:$0x3FA9]  }
0x2a: {  	p0 =	seq.s32 s5, $0x0;
	s5 =	sld [smem:$0x3FAA]  }
0x2b: {  	s6 =	sld [smem:$0x3FAB]  }
0x2c: {  	s7 =	sld [smem:$0x3FAC]  }
0x2d: {  	s3 =	simm.s32 $0x108;
	s8 =	sld [smem:$0x3FAD]  }
0x2e: {  	s3 =	simm.s32 @!p0 $0x1082;
	s9 =	sld [smem:$0x3FAE]  }
0x2f: {  	lr =	sadd.s32 s0, s3;
	s0 =	sld [smem:$0x3FA5]  }
0x30: {  	s3 =	sld [smem:$0x3FA8]  }
0x31: {  	[smem:$0x3FB1] =	sst s10  }
0x32: {  	s10 =	sld [smem:$0x3FAF];
	_ =	sdelay $0x3  }
0x33: {  	p0 =	seq.s32 s10, $0x1;
	s10 =	sld [smem:$0x3FB1];
	_ =	sdelay $0x3  }
0x34: {  	[smem:$0x3FB1] =	sst s10  }
0x35: {  	s10 =	sld [smem:$0x3FB0];
	_ =	sdelay $0x3  }
0x36: {  	p1 =	seq.s32 s10, $0x1;
	s10 =	sld [smem:$0x3FB1];
	_ =	sdelay $0x3  }
0x37: {  	[smem:$0x3FB1] =	sst s10  }
0x38: {  	s10 =	sld [smem:$0x3FB2]  }
0x39: {  	_ = 	snop;
	(pc) =	sbr.ind lr, $3  }
0x3a: {  	_ = 	snop  }
0x3b: {  	_ = 	snop  }
0x3c: {  	p2 =	seq.s32 s10, $0x1;
	s10 =	sld [smem:$0x3FB1]  }
0x3d: {  	_ =	shalt  }
0x3e: {  	_ =	shalt  }
0x3f: {  	_ =	shalt  }
0x40: {  	_ =	shalt  }
0x41: {  	_ =	shalt  }
0x42: {  	_ =	shalt  }
0x43: {  	_ =	shalt  }
0x44: {  	_ =	shalt  }
0x45: {  	_ =	shalt  }
0x46: {  	_ =	shalt  }
0x47: {  	_ =	shalt  }
0x48: {  	_ =	shalt  }
0x49: {  	_ =	shalt  }
0x4a: {  	_ =	shalt  }
0x4b: {  	_ =	shalt  }
0x4c: {  	_ =	shalt  }
0x4d: {  	_ =	shalt  }
0x4e: {  	_ =	shalt  }
0x4f: {  	_ =	shalt  }
0x50: {  	_ =	shalt  }
0x51: {  	_ =	shalt  }
0x52: {  	_ =	shalt  }
0x53: {  	_ =	shalt  }
0x54: {  	_ =	shalt  }
0x55: {  	_ =	shalt  }
0x56: {  	_ =	shalt  }
0x57: {  	_ =	shalt  }
0x58: {  	_ =	shalt  }
0x59: {  	_ =	shalt  }
0x5a: {  	_ =	shalt  }
0x5b: {  	_ =	shalt  }
0x5c: {  	_ =	shalt  }
0x5d: {  	_ =	shalt  }
0x5e: {  	_ =	shalt  }
0x5f: {  	_ =	shalt  }
0x60: {  	_ =	shalt  }
0x61: {  	_ =	shalt  }
0x62: {  	_ =	shalt  }
0x63: {  	_ =	shalt  }
0x64: {  	_ =	shalt  }
0x65: {  	_ =	shalt  }
0x66: {  	_ =	shalt  }
0x67: {  	_ =	shalt  }
0x68: {  	_ =	shalt  }
0x69: {  	_ =	shalt  }
0x6a: {  	_ =	shalt  }
0x6b: {  	_ =	shalt  }
0x6c: {  	_ =	shalt  }
0x6d: {  	_ =	shalt  }
0x6e: {  	_ =	shalt  }
0x6f: {  	_ =	shalt  }
0x70: {  	_ =	shalt  }
0x71: {  	_ =	shalt  }
0x72: {  	_ =	shalt  }
0x73: {  	_ =	shalt  }
0x74: {  	_ =	shalt  }
0x75: {  	_ =	shalt  }
0x76: {  	_ =	shalt  }
0x77: {  	_ =	shalt  }
0x78: {  	_ =	shalt  }
0x79: {  	_ =	shalt  }
0x7a: {  	_ =	shalt  }
0x7b: {  	_ =	shalt  }
0x7c: {  	_ =	shalt  }
0x7d: {  	_ =	shalt  }
0x7e: {  	_ =	shalt  }
0x7f: {  	_ =	shalt  }
0x80: {  	_ =	shalt  }
0x81: {  	_ =	shalt  }
0x82: {  	_ =	shalt  }
0x83: {  	_ =	shalt  }
0x84: {  	_ =	shalt  }
0x85: {  	_ =	shalt  }
0x86: {  	_ =	shalt  }
0x87: {  	_ =	shalt  }
.Lfunc_end0:
.L_simem_size_0:
called_computation.1_lowered:
.L_overlay_start_0:
0x88: {  	s2 =	sld [smem:$0x3FD9]  }
0x89: {  	s3 =	sld [smem:$0x3FFE];
	_ =	sdelay $0x1  }
0x8a: {  	s1 =	srdreg.scid  }
0x8b: {  	s0 =	sand.u32 $0x1, s1  }
0x8c: {  	s17 =	sshll.u32 s0, $0xA;
	s2 =	sadd.s32 s3, s2  }
0x8d: {  	s2 =	sadd.s32 s2, s17  }
0x8e: {  	[smem:$0x3FBD] =	sst s2  }
0x8f: {  	_ = 	snop  }
0x90: {  	s2 =	sld [smem:$0x3FC9]  }
0x91: {  	s18 =	sld [smem:$0x3FD0];
	(tm) =	ssettm $0x1  }
0x92: {  	s4 =	sld [smem:$0x3FFB];
	_ =	sdelay $0x3  }
0x93: {  	_ =	strace s4  }
0x94: {  	s4 =	sld [smem:$0x3FFC];
	_ =	sdelay $0x3  }
0x95: {  	_ =	strace s4  }
0x96: {  	s4 =	sld [smem:$0x3FFD];
	_ =	sdelay $0x3  }
0x97: {  	_ =	strace s4  }
0x98: {  	_ =	strace $0x8FFFFFFF  }
0x99: {  	s19 =	sld [smem:$0x3FDB];
	_ =	sdelay $0x1  }
0x9a: {  	s5 =	simm.s32 $_scs_section_size  }
0x9b: {  	s6 =	simm.s32 $_size__tile_overlayer_lowered;
	s7 =	simm.s32 $_tile_overlayer_lowered  }
0x9c: {  	s22 =	simm.s32 $0x1BFF;
	s21 =	sshll.u32 s7, $0x1;
	s4 =	sadd.s32 s5, s19  }
0x9d: {  	s8 =	simm.s32 $0x0;
	s20 =	sshll.u32 s6, $0x1;
	s6 =	sadd.s32 s21, s4  }
0x9e: {  	[timem:s8], [sflag:s22] =	dma.local [hbm:s6], s20  }
0x9f: {  	_ =	swait.ge [sflag:s22], s20  }
0xa0: {  	s5 =	ssub.s32 $0x0, s20;
	[sflag:s22] =	ssyncset.done $0x0  }
0xa1: {  	[sflag:s22] =	ssyncadd.s32 s5;
	_ =	sdelay $0x1  }
0xa2: {  	s23 =	simm.s32 $0x1B8B  }
0xa3: {  	_ =	swait.ge [sflag:s23], $0x1  }
0xa4: {  	[sflag:s23] =	ssyncset.done $0x0  }
0xa5: {  	s25 =	simm.s32 $0x1B8E;
	s24 =	sld [smem:$0x3FFE];
	[sflag:s23] =	ssyncadd.s32 $0xFFFFFFFF  }
0xa6: {  	s26 =	simm.s32 $execute0_lowered;
	[smem:$0x3FD2] =	sst s25  }
0xa7: {  	s6 =	sshll.u32 s26, $0x1;
	_ =	strace $0x80000046;
	[dreg:$0x1] =	wrdreg $0xFFFFFFFF  }
0xa8: {  	s28 =	simm.s32 $_size_execute0_lowered;
	s4 =	sadd.s32 s4, s6;
	[dreg:$0x0] =	wrdreg $0x0  }
0xa9: {  	s6 =	sshll.u32 s28, $0x1;
	[dreg:$0x2] =	wrdreg s4  }
0xaa: {  	[dreg:$0x3] =	wrdreg s6  }
0xab: {  	[dreg:$0x4] =	wrdreg $0xC0  }
0xac: {  	_ =	task [dreg:s8], $0x5FFFF  }
0xad: {  	[dreg:$0x1] =	wrdreg $0xFFFFFFFF  }
0xae: {  	[dreg:$0x0] =	wrdreg $0x60  }
0xaf: {  	[dreg:$0x2] =	wrdreg s2  }
0xb0: {  	[dreg:$0x3] =	wrdreg s24  }
0xb1: {  	[dreg:$0x4] =	wrdreg s18  }
0xb2: {  	[dreg:$0x5] =	wrdreg $0x0  }
0xb3: {  	[dreg:$0x6] =	wrdreg $0xA  }
0xb4: {  	_ =	task.clear_ibuf [dreg:s8], $0x7FFFF;
	_ =	strace $0x90000046  }
0xb5: {  	s29 =	simm.s32 $0xA;
	_ =	strace $0x80000048  }
0xb6: {  	_ =	swait.ge [sflag:s29], $0x1  }
0xb7: {  	[sflag:s29] =	ssyncadd.s32 $0xFFFFFFFF  }
0xb8: {  	_ =	strace $0x90000048  }
0xb9: {  	_ =	sfence  }
0xba: {  	s30 =	sld [smem:$0x0];
	_ =	sdelay $0x2  }
0xbb: {  	s31 =	sshll.u32 s1, $0xD;
	s1 =	sshrl.u32 s1, $0x2  }
0xbc: {  	s3 =	sand.u32 $0x4000, s31;
	s1 =	sadd.s32 s1, s30  }
0xbd: {  	s0 =	sor.u32 s3, s0;
	s1 =	sshll.u32 s1, $0x11  }
0xbe: {  	s0 =	sor.u32 s1, s0  }
0xbf: {  	s0 =	sadd.s32 $0x8F2B, s0  }
0xc0: {  	[sflag:s0] =	ssyncadd.remote.s32 $0x1  }
0xc1: {  	_ =	sfence.sel $0xFFFF  }
0xc2: {  	[dreg:$0x0] =	wrdreg $0xFFFFFFFF;
	(pc) =	sbr.abs _section_cstart, $3  }
0xc3: {  	[dreg:$0x1] =	wrdreg $0xFFFFFFFF  }
0xc4: {  	_ =	task.clear_ibuf [dreg:s8], $0x2FFFF;
	_ =	strace $0x9FFFFFFF  }
0xc5: {  	(tm) =	ssettm $0x7FFFFFFF  }
tec
execute0_lowered:
.L_overlay_start_1:
0x0: {  	(tag) =	ssettag $0x1  }
0x1: {  	s0 =	srdreg.scid;
	s1 =	rddreg [dreg:$0x0]  }
0x2: {  	s26 =	stileid.u32;
	s6 =	rddreg [dreg:$0x1]  }
0x3: {  	s11 =	rddreg [dreg:$0x2];
	s21 =	simm.s32 $0x0;
	s19 =	simm.s32 $0x80  }
0x4: {  	s20 =	simm.s32 $0x400;
	s28 =	simm.s32 $0x1C800;
	s29 =	simm.s32 $0x1  }
0x5: {  	s30 =	simm.s32 $0x19E00;
	s31 =	simm.s32 $0x0;
	s0 =	sand.u32 $0x1, s0  }
0x6: {  	s4 =	sshll.u32 s26, $0x7;
	[smem:$0x7FF] =	sst s21;
	s8 =	smul.u32 $0x4E000, s26  }
0x7: {  	s22 =	sadd.s32 $0x1FC00, s6;
	s24 =	sadd.s32 $0x46E00, s6;
	s15 =	smul.u32 $0x2700, s26  }
0x8: {  	p1 =	sne.s32 s26, $0xF;
	s21 =	simm.s32 $0x13880;
	p2 =	seq.s32 s26, $0xF  }
0x9: {  	s2 =	sshll.u32 s0, $0x4;
	s7 =	sand.u32 $0x380, s4;
	s23 =	ssub.s32 $0x2, s0  }
0xa: {  	p0 =	seq.s32 s0, $0x1;
	s14 =	smov.u32 s24;
	s2 =	sor.u32 s26, s2  }
0xb: {  	s9 =	sshrl.u32 s23, $0x1;
	s8 =	sshrl.u32 s8, $0x2;
	s25 =	sadd.s32 s22, s15  }
0xc: {  	s3 =	sshrl.u32 s2, $0x3;
	s2 =	sshll.u32 s2, $0xB;
	s16 =	ssub.s32 s23, s9  }
0xd: {  	s23 =	simm.s32 $0x50;
	s5 =	smul.u32 $0x13C00, s3;
	s3 =	rddreg [dreg:$0x3]  }
0xe: {  	_ =	strace $0x80000047;
	s2 =	sadd.s32 s2, s6;
	[dreg:$0x5] =	wrdreg s25  }
0xf: {  	s16 =	smax.u32 s16, $0x1;
	s25 =	simm.s32 $0x16000;
	s17 =	sadd.s32 s8, s3  }
0x10: {  	s8 =	sadd.s32 s11, s15;
	s10 =	sadd.s32 $0x138000, s3;
	s11 =	sadd.s32 $0x27000, s11  }
.Ltmp0:
0x11: {  	s13 =	sadd.s32 $0x5E00, s2;
	s15 =	sadd.s32 s24, s15;
	(pc) =	sbr.rel .LBB2_1-.Ltmp0, $4  }
0x12: {  	s24 =	simm.s32 $0x1A000;
	s5 =	sor.u32 s7, s5;
	s7 =	sshll.u32 s26, $0x6  }
0x13: {  	s17 =	sshrl.u32 s17, $0x3;
	s18 =	sshrl.u32 @!p1 s10, $0x3;
	s5 =	sshrl.u32 s5, $0x3  }
0x14: {  	s26 =	simm.s32 $0x2;
	s9 =	sor.u32 $0x1C02, s7;
	s12 =	sadd.s32 s5, s6  }
0x15: {  	s6 =	smov.u32 s22;
	s22 =	simm.s32 $0x3;
	s12 =	sadd.s32 $0x15E00, s12  }
.LBB2_6:
0x16: {  	s2 =	sadd.s32 $0x27000, s2;
	s4 =	sshrl.u32 s10, $0x3  }
0x17: {  	[hbm:s2], [sflag:s0] =	dma.local [spmem:s4], $0x100  }
0x18: {  	_ =	swait.ge [sflag:s22], $0x100  }
0x19: {  	[sflag:s22] =	ssyncset.done $0x0  }
0x1a: {  	[sflag:s22] =	ssyncadd.s32 $0xFFFFFF00  }
.LBB2_7:
0x1b: {  	s31 =	sadd.s32 $0x1, s31  }
0x1c: {  	p3 =	sne.s32 s31, s16  }
.Ltmp1:
0x1d: {  	_ = 	snop;
	(pc) =	sbr.rel @!p3 .LBB2_8-.Ltmp1, $1  }
0x1e: {  	_ =	sdelay $0x3  }
.LBB2_1:
0x1f: {  	[spmem:s17], [sflag:s9] =	dma.local [hbm:s8], $0x2700  }
0x20: {  	[spmem:s18], [sflag:s9] =	dma.local @!p1 [hbm:s11], $0x100  }
0x21: {  	[tilespmem:s21], [sflag:$0x3] =	stream.strided.gather [hbm4b:s12+s19], $0x2780, s20, s19, $0x38;
	[tilespmem:$0x1F000] =	vst v63  }
0x22: {  	_ =	swait.ge [sflag:s22], $0x2780  }
0x23: {  	[sflag:s22] =	ssyncset.done $0x0  }
0x24: {  	[sflag:s22] =	ssyncadd.s32 $0xFFFFD880  }
0x25: {  	[tilespmem:s24], [sflag:$0x1] =	stream.indirect.gather [hbm4b:s1+s23], $0x80, s21, s23, $0xb8;
	[tilespmem:$0x1F000] =	vst v63  }
0x26: {  	s0 =	simm.s32 $0x0  }
0x27: {  	[tilespmem:s25], [sflag:$0x3] =	stream.linear.gather [hbm4b:s13+s0], $0x3E80, $0x38;
	[tilespmem:$0x1F000] =	vst v63  }
0x28: {  	_ =	swait.ge [sflag:s22], $0x3E80  }
0x29: {  	[sflag:s22] =	ssyncset.done $0x0  }
0x2a: {  	[sflag:s22] =	ssyncadd.s32 $0xFFFFC180  }
0x2b: {  	_ =	swait.ge [sflag:s26], $0x2700  }
0x2c: {  	[sflag:s26] =	ssyncset.done $0x0  }
0x2d: {  	s0 =	simm.s32 @!p1 $0x2;
	[sflag:s26] =	ssyncadd.s32 $0xFFFFD900  }
0x2e: {  	_ =	swait.ge @!p1 [sflag:s0], $0x100  }
0x2f: {  	[sflag:s0] =	ssyncset.done @!p1 $0x0  }
0x30: {  	[sflag:s0] =	ssyncadd.s32 @!p1 $0xFFFFFF00  }
0x31: {  	s2 =	simm.s32 $0x138D0;
	[bflag:$0x0] =	sbarrier.arrive $0xFFFF  }
0x32: {  	[tilespmem:s28], [sflag:$0x2] =	stream.indirect.gather [hbm4b:s1+s23], $0x80, s2, s23, $0xb8;
	[tilespmem:$0x1F000] =	vst v63  }
0x33: {  	_ =	swait.ge [sflag:s29], $0x2800  }
0x34: {  	[sflag:s29] =	ssyncset.done $0x0  }
0x35: {  	s5 =	simm.s32 $0x16000;
	[sflag:s29] =	ssyncadd.s32 $0xFFFFD800  }
0x36: {  	[spmem:s3] =	stream.indirect.scatter.add.f32 [tilespmem:s24], [sflag:$0x3], $0x80, s5, s23, $0xb8;
	[tilespmem:$0x1F000] =	vst v63  }
0x37: {  	_ =	swait.ge [sflag:s22], $0x2800  }
0x38: {  	[sflag:s22] =	ssyncset.done $0x0  }
0x39: {  	s4 =	simm.s32 $0x13920;
	[sflag:s22] =	ssyncadd.s32 $0xFFFFD800  }
0x3a: {  	[tilespmem:s24], [sflag:$0x1] =	stream.indirect.gather [hbm4b:s1+s23], $0x80, s4, s23, $0xb8;
	[tilespmem:$0x1F000] =	vst v63  }
0x3b: {  	_ =	swait.ge [sflag:s26], $0x2800  }
0x3c: {  	[sflag:s26] =	ssyncset.done $0x0  }
0x3d: {  	s5 =	simm.s32 $0x16080;
	[sflag:s26] =	ssyncadd.s32 $0xFFFFD800  }
0x3e: {  	[spmem:s3] =	stream.indirect.scatter.add.f32 [tilespmem:s28], [sflag:$0x3], $0x80, s5, s23, $0xb8;
	[tilespmem:$0x1F000] =	vst v63  }
0x3f: {  	_ =	swait.ge [sflag:s22], $0x2800  }
0x40: {  	s0 =	simm.s32 $0x400;
	[sflag:s22] =	ssyncset.done $0x0  }
.LBB2_2:
0x41: {  	p3 =	sne.s32 s0, $0xF400;
	[sflag:s22] =	ssyncadd.s32 $0xFFFFD800;
	s2 =	sadd.s32 $0xA0, s2  }
0x42: {  	[tilespmem:s28], [sflag:$0x2] =	stream.indirect.gather [hbm4b:s1+s23], $0x80, s2, s23, $0xb8;
	[tilespmem:$0x1F000] =	vst v63  }
0x43: {  	s4 =	smov.u32 s0;
	s0 =	sadd.s32 $0x400, s0;
	_ =	swait.ge [sflag:s29], $0x2800  }
0x44: {  	s4 =	sshra.s32 s4, $0x2;
	[sflag:s29] =	ssyncset.done $0x0  }
0x45: {  	s5 =	sadd.s32 $0x16000, s4;
	[sflag:s29] =	ssyncadd.s32 $0xFFFFD800  }
0x46: {  	[spmem:s3] =	stream.indirect.scatter.add.f32 [tilespmem:s24], [sflag:$0x3], $0x80, s5, s23, $0xb8;
	[tilespmem:$0x1F000] =	vst v63  }
0x47: {  	_ =	swait.ge [sflag:s22], $0x2800  }
0x48: {  	[sflag:s22] =	ssyncset.done $0x0  }
0x49: {  	s5 =	sadd.s32 $0x50, s2;
	[sflag:s22] =	ssyncadd.s32 $0xFFFFD800  }
0x4a: {  	[tilespmem:s24], [sflag:$0x1] =	stream.indirect.gather [hbm4b:s1+s23], $0x80, s5, s23, $0xb8;
	[tilespmem:$0x1F000] =	vst v63  }
0x4b: {  	_ =	swait.ge [sflag:s26], $0x2800  }
.Ltmp2:
0x4c: {  	[sflag:s26] =	ssyncset.done $0x0;
	(pc) =	sbr.rel @p3 .LBB2_2-.Ltmp2, $4  }
0x4d: {  	s4 =	sadd.s32 $0x16080, s4;
	[sflag:s26] =	ssyncadd.s32 $0xFFFFD800  }
0x4e: {  	[spmem:s3] =	stream.indirect.scatter.add.f32 [tilespmem:s28], [sflag:$0x3], $0x80, s4, s23, $0xb8;
	[tilespmem:$0x1F000] =	vst v63  }
0x4f: {  	_ =	swait.ge [sflag:s22], $0x2800  }
0x50: {  	[sflag:s22] =	ssyncset.done $0x0  }
0x51: {  	[sflag:s22] =	ssyncadd.s32 $0xFFFFD800  }
0x52: {  	_ =	swait.ge [sflag:s29], $0x2800  }
0x53: {  	[sflag:s29] =	ssyncset.done $0x0  }
0x54: {  	[sflag:s29] =	ssyncadd.s32 $0xFFFFD800  }
0x55: {  	[spmem:s3] =	stream.indirect.scatter.add.f32 [tilespmem:s24], [sflag:$0x3], $0x80, s30, s23, $0xb8;
	[tilespmem:$0x1F000] =	vst v63  }
.Ltmp3:
0x56: {  	_ =	swait.ge [sflag:s22], $0x2800;
	(pc) =	sbr.rel @!p0 .LBB2_4-.Ltmp3, $4  }
0x57: {  	[sflag:s22] =	ssyncset.done $0x0  }
0x58: {  	[sflag:s22] =	ssyncadd.s32 $0xFFFFD800  }
0x59: {  	[bflag:$0x0] =	sbarrier.arrive $0xFFFF  }
0x5a: {  	s0 =	sor.u32 $0x1C03, s7  }
0x5b: {  	s0 =	sor.u32 $0x1C03, s7  }
0x5c: {  	[hbm:s15], [sflag:s0] =	dma.local [spmem:s17], $0x2700  }
.Ltmp4:
0x5d: {  	_ = 	snop;
	(pc) =	sbr.rel @p1 .LBB2_7-.Ltmp4, $4  }
.Ltmp5:
0x5e: {  	_ = 	snop;
	(pc) =	sbr.rel @!p1 .LBB2_6-.Ltmp5, $4  }
0x5f: {  	_ =	swait.ge [sflag:s22], $0x2700  }
0x60: {  	[sflag:s22] =	ssyncset.done $0x0  }
0x61: {  	s2 =	smov.u32 s14;
	[sflag:s22] =	ssyncadd.s32 $0xFFFFD900  }
0x62: {  	_ = 	snop  }
.LBB2_4:
0x63: {  	s2 =	rddreg [dreg:$0x5]  }
0x64: {  	[hbm:s2], [sflag:s0] =	dma.local [spmem:s17], $0x2700  }
.Ltmp6:
0x65: {  	_ = 	snop;
	(pc) =	sbr.rel @p2 .LBB2_6-.Ltmp6, $4  }
.Ltmp7:
0x66: {  	_ = 	snop;
	(pc) =	sbr.rel @!p2 .LBB2_7-.Ltmp7, $4  }
0x67: {  	_ =	swait.ge [sflag:s22], $0x2700  }
0x68: {  	[sflag:s22] =	ssyncset.done $0x0  }
0x69: {  	s2 =	smov.u32 s6;
	[sflag:s22] =	ssyncadd.s32 $0xFFFFD900  }
0x6a: {  	_ = 	snop  }
.LBB2_8:
0x6b: {  	_ =	sfence.sel $0x180000  }
0x6c: {  	[bflag:$0x0] =	sbarrier.arrive $0xFFFF  }
0x6d: {  	_ =	strace $0x90000047  }
0x6e: {  	s0 =	stileid.u32;
	[bflag:$0x2] =	sbarrier.arrive $0xFFFF  }
0x6f: {  	p0 =	sne.s32 s0, $0x0;
	s0 =	rddreg [dreg:$0x4]  }
0x70: {  	s0 =	sadd.s32 @!p0 $0x100000, s0  }
0x71: {  	[sflag:s0] =	ssyncadd.tile.s32 @!p0 $0x1;
	_ =	shalt  }
.Lfunc_end2:
_tile_overlayer_lowered:
.L_overlay_start_2:
0x72: {  	(tag) =	ssettag $0x2  }
0x73: {  	s0 =	rddreg [dreg:$0x0];
	s2 =	stileid.u32  }
0x74: {  	s1 =	rddreg [dreg:$0x1];
	p0 =	sne.s32 s2, $0x0  }
0x75: {  	s3 =	rddreg [dreg:$0x2];
	[bflag:$0x3] =	sbarrier.arrive $0xFFFF;
	s2 =	simm.s32 @!p0 $0x1C03  }
0x76: {  	[timem:s3], [sflag:s2] =	dma.local @!p0 [hbm:s0], s1  }
0x77: {  	s0 =	simm.s32 @!p0 $0x3  }
0x78: {  	_ =	swait.ge @!p0 [sflag:s0], s1  }
0x79: {  	s1 =	ssub.s32 @!p0 $0x0, s1;
	[sflag:s0] =	ssyncset.done @!p0 $0x0  }
0x7a: {  	[sflag:s0] =	ssyncadd.s32 @!p0 s1  }
0x7b: {  	[bflag:$0x3] =	sbarrier.arrive $0xFFFF  }
0x7c: {  	_ =	shalt  }

// kernel: kernel.18.cloned.1.call-start
scs
__scs_entry_jumppad:
0x0: {  	(pc) =	sbr.rel $0x88, $3  }
0x1: {  	(tag) =	ssettag $0x0;
	lr =	simm.s32 $0x1  }
0x2: {  	[smem:$0x3F96] =	sst lr;
	_ =	strace $0xD0000000  }
0x3: {  	_ = 	snop  }
0x4: {  	_ = 	snop  }
0x5: {  	_ = 	snop  }
0x6: {  	_ = 	snop  }
0x7: {  	_ = 	snop  }
__scs_overlays_trampoline_lowered:
0x8: {  	[smem:$0x3FA5] =	sst s0  }
0x9: {  	[smem:$0x3FA6] =	sst s1  }
0xa: {  	[smem:$0x3FA7] =	sst s2  }
0xb: {  	[smem:$0x3FA8] =	sst s3  }
0xc: {  	[smem:$0x3FA9] =	sst s4  }
0xd: {  	[smem:$0x3FAA] =	sst s5  }
0xe: {  	[smem:$0x3FAB] =	sst s6  }
0xf: {  	[smem:$0x3FAC] =	sst s7  }
0x10: {  	[smem:$0x3FAD] =	sst s8  }
0x11: {  	[smem:$0x3FAE] =	sst s9;
	s0 =	simm.s32 @!p0 $0x0  }
0x12: {  	s1 =	sld [smem:$0x3F94];
	s0 =	simm.s32 @p0 $0x1  }
0x13: {  	[smem:$0x3FAF] =	sst s0;
	s0 =	simm.s32 @!p1 $0x0  }
0x14: {  	s2 =	sld [smem:$0x3F93];
	s0 =	simm.s32 @p1 $0x1  }
0x15: {  	[smem:$0x3FB0] =	sst s0;
	s0 =	simm.s32 @!p2 $0x0  }
0x16: {  	s3 =	sld [smem:$0x3FDB];
	s0 =	simm.s32 @p2 $0x1  }
0x17: {  	s4 =	simm.s32 $0x1BF5;
	[smem:$0x3FB2] =	sst s0  }
0x18: {  	s0 =	sld [smem:$0x3F95];
	_ =	swait.ge [sflag:s4], $0x0  }
0x19: {  	s7 =	sld [smem:$0x3F96]  }
0x1a: {  	s8 =	sadd.s32 $0xFFFFE003, lr  }
0x1b: {  	s9 =	sadd.s32 $0xFFFFFEF7, lr;
	s5 =	simm.s32 $0xFFFFFFFF;
	p2 =	slt.u32 s8, $0xFFFFF086  }
0x1c: {  	p1 =	slt.u32 s9, $0xF7A;
	s5 =	simm.s32 @!p2 $0x0  }
0x1d: {  	s5 =	simm.s32 @p1 $0x1;
	p0 =	seq.s32 s7, s2  }
0x1e: {  	s7 =	smul.u32 @!p0 $0xF7A, s2;
	p2 =	seq.s32 @!p0 s5, $0x0  }
0x1f: {  	s9 =	smul.u32 $0xF7A, s1;
	s8 =	simm.s32 @!p0 $0x1BF5;
	p2 =	por !p2, p0  }
0x20: {  	[sflag:s8] =	ssyncset.s32 @!p0 $0xFFFFF086;
	s6 =	sadd.s32 @!p0 s3, s7;
	s7 =	simm.s32 @!p0 $0x108  }
0x21: {  	s3 =	sadd.s32 s3, s9;
	s6 =	sadd.s32 @!p0 $0x88, s6;
	s7 =	simm.s32 @p2 $0x1082  }
0x22: {  	[simem:s7], [sflag:s8] =	dma.local @!p0 [hbm:s6], $0xF7A  }
0x23: {  	s9 =	sor.u32 $0xD0000000, s2;
	s6 =	simm.s32 $0x108;
	_ =	swait.ge @!p0 [sflag:s8], $0x0  }
0x24: {  	s3 =	sadd.s32 $0x88, s3;
	s6 =	simm.s32 @!p1 $0x1082;
	[sflag:s4] =	ssyncset.s32 $0xFFFFF086  }
0x25: {  	[simem:s6], [sflag:s4] =	dma.local [hbm:s3], $0xF7A  }
0x26: {  	[smem:$0x3F96] =	sst s1;
	(tag) =	ssettag s2;
	_ =	strace s9  }
0x27: {  	s1 =	sld [smem:$0x3FA6]  }
0x28: {  	s2 =	sld [smem:$0x3FA7]  }
0x29: {  	s4 =	sld [smem:$0x3FA9]  }
0x2a: {  	p0 =	seq.s32 s5, $0x0;
	s5 =	sld [smem:$0x3FAA]  }
0x2b: {  	s6 =	sld [smem:$0x3FAB]  }
0x2c: {  	s7 =	sld [smem:$0x3FAC]  }
0x2d: {  	s3 =	simm.s32 $0x108;
	s8 =	sld [smem:$0x3FAD]  }
0x2e: {  	s3 =	simm.s32 @!p0 $0x1082;
	s9 =	sld [smem:$0x3FAE]  }
0x2f: {  	lr =	sadd.s32 s0, s3;
	s0 =	sld [smem:$0x3FA5]  }
0x30: {  	s3 =	sld [smem:$0x3FA8]  }
0x31: {  	[smem:$0x3FB1] =	sst s10  }
0x32: {  	s10 =	sld [smem:$0x3FAF];
	_ =	sdelay $0x3  }
0x33: {  	p0 =	seq.s32 s10, $0x1;
	s10 =	sld [smem:$0x3FB1];
	_ =	sdelay $0x3  }
0x34: {  	[smem:$0x3FB1] =	sst s10  }
0x35: {  	s10 =	sld [smem:$0x3FB0];
	_ =	sdelay $0x3  }
0x36: {  	p1 =	seq.s32 s10, $0x1;
	s10 =	sld [smem:$0x3FB1];
	_ =	sdelay $0x3  }
0x37: {  	[smem:$0x3FB1] =	sst s10  }
0x38: {  	s10 =	sld [smem:$0x3FB2]  }
0x39: {  	_ = 	snop;
	(pc) =	sbr.ind lr, $3  }
0x3a: {  	_ = 	snop  }
0x3b: {  	_ = 	snop  }
0x3c: {  	p2 =	seq.s32 s10, $0x1;
	s10 =	sld [smem:$0x3FB1]  }
0x3d: {  	_ =	shalt  }
0x3e: {  	_ =	shalt  }
0x3f: {  	_ =	shalt  }
0x40: {  	_ =	shalt  }
0x41: {  	_ =	shalt  }
0x42: {  	_ =	shalt  }
0x43: {  	_ =	shalt  }
0x44: {  	_ =	shalt  }
0x45: {  	_ =	shalt  }
0x46: {  	_ =	shalt  }
0x47: {  	_ =	shalt  }
0x48: {  	_ =	shalt  }
0x49: {  	_ =	shalt  }
0x4a: {  	_ =	shalt  }
0x4b: {  	_ =	shalt  }
0x4c: {  	_ =	shalt  }
0x4d: {  	_ =	shalt  }
0x4e: {  	_ =	shalt  }
0x4f: {  	_ =	shalt  }
0x50: {  	_ =	shalt  }
0x51: {  	_ =	shalt  }
0x52: {  	_ =	shalt  }
0x53: {  	_ =	shalt  }
0x54: {  	_ =	shalt  }
0x55: {  	_ =	shalt  }
0x56: {  	_ =	shalt  }
0x57: {  	_ =	shalt  }
0x58: {  	_ =	shalt  }
0x59: {  	_ =	shalt  }
0x5a: {  	_ =	shalt  }
0x5b: {  	_ =	shalt  }
0x5c: {  	_ =	shalt  }
0x5d: {  	_ =	shalt  }
0x5e: {  	_ =	shalt  }
0x5f: {  	_ =	shalt  }
0x60: {  	_ =	shalt  }
0x61: {  	_ =	shalt  }
0x62: {  	_ =	shalt  }
0x63: {  	_ =	shalt  }
0x64: {  	_ =	shalt  }
0x65: {  	_ =	shalt  }
0x66: {  	_ =	shalt  }
0x67: {  	_ =	shalt  }
0x68: {  	_ =	shalt  }
0x69: {  	_ =	shalt  }
0x6a: {  	_ =	shalt  }
0x6b: {  	_ =	shalt  }
0x6c: {  	_ =	shalt  }
0x6d: {  	_ =	shalt  }
0x6e: {  	_ =	shalt  }
0x6f: {  	_ =	shalt  }
0x70: {  	_ =	shalt  }
0x71: {  	_ =	shalt  }
0x72: {  	_ =	shalt  }
0x73: {  	_ =	shalt  }
0x74: {  	_ =	shalt  }
0x75: {  	_ =	shalt  }
0x76: {  	_ =	shalt  }
0x77: {  	_ =	shalt  }
0x78: {  	_ =	shalt  }
0x79: {  	_ =	shalt  }
0x7a: {  	_ =	shalt  }
0x7b: {  	_ =	shalt  }
0x7c: {  	_ =	shalt  }
0x7d: {  	_ =	shalt  }
0x7e: {  	_ =	shalt  }
0x7f: {  	_ =	shalt  }
0x80: {  	_ =	shalt  }
0x81: {  	_ =	shalt  }
0x82: {  	_ =	shalt  }
0x83: {  	_ =	shalt  }
0x84: {  	_ =	shalt  }
0x85: {  	_ =	shalt  }
0x86: {  	_ =	shalt  }
0x87: {  	_ =	shalt  }
.Lfunc_end0:
.L_simem_size_0:
called_computation.2_lowered:
.L_overlay_start_0:
0x88: {  	s2 =	sld [smem:$0x3FD9]  }
0x89: {  	s3 =	sld [smem:$0x3FFE];
	_ =	sdelay $0x1  }
0x8a: {  	s1 =	srdreg.scid  }
0x8b: {  	s0 =	sand.u32 $0x1, s1  }
0x8c: {  	s17 =	sshll.u32 s0, $0xA;
	s2 =	sadd.s32 s3, s2  }
0x8d: {  	s2 =	sadd.s32 s2, s17  }
0x8e: {  	[smem:$0x3FBD] =	sst s2  }
0x8f: {  	_ = 	snop  }
0x90: {  	s2 =	sld [smem:$0x3FD0];
	(tm) =	ssettm $0x1  }
0x91: {  	s18 =	sld [smem:$0x3FFB];
	_ =	sdelay $0x3  }
0x92: {  	_ =	strace s18  }
0x93: {  	s3 =	sld [smem:$0x3FFC];
	_ =	sdelay $0x3  }
0x94: {  	_ =	strace s3  }
0x95: {  	s3 =	sld [smem:$0x3FFD];
	_ =	sdelay $0x3  }
0x96: {  	_ =	strace s3  }
0x97: {  	_ =	strace $0x8FFFFFFF  }
0x98: {  	s19 =	sld [smem:$0x3FDB];
	_ =	sdelay $0x1  }
0x99: {  	s4 =	simm.s32 $_scs_section_size  }
0x9a: {  	s5 =	simm.s32 $_size__tile_overlayer_lowered;
	s6 =	simm.s32 $_tile_overlayer_lowered  }
0x9b: {  	s22 =	simm.s32 $0x1BFF;
	s21 =	sshll.u32 s6, $0x1;
	s3 =	sadd.s32 s4, s19  }
0x9c: {  	s7 =	simm.s32 $0x0;
	s20 =	sshll.u32 s5, $0x1;
	s5 =	sadd.s32 s21, s3  }
0x9d: {  	[timem:s7], [sflag:s22] =	dma.local [hbm:s5], s20  }
0x9e: {  	_ =	swait.ge [sflag:s22], s20  }
0x9f: {  	s4 =	ssub.s32 $0x0, s20;
	[sflag:s22] =	ssyncset.done $0x0  }
0xa0: {  	[sflag:s22] =	ssyncadd.s32 s4;
	_ =	sdelay $0x1  }
0xa1: {  	s23 =	simm.s32 $0x1B8B  }
0xa2: {  	_ =	swait.ge [sflag:s23], $0x1  }
0xa3: {  	[sflag:s23] =	ssyncset.done $0x0  }
0xa4: {  	s25 =	simm.s32 $0x1B8E;
	s24 =	sld [smem:$0x3FFE];
	[sflag:s23] =	ssyncadd.s32 $0xFFFFFFFF  }
0xa5: {  	s26 =	simm.s32 $execute0_lowered;
	[smem:$0x3FD2] =	sst s25  }
0xa6: {  	s5 =	sshll.u32 s26, $0x1;
	_ =	strace $0x8000004C;
	[dreg:$0x1] =	wrdreg $0xFFFFFFFF  }
0xa7: {  	s28 =	simm.s32 $_size_execute0_lowered;
	s3 =	sadd.s32 s3, s5;
	[dreg:$0x0] =	wrdreg $0x0  }
0xa8: {  	s5 =	sshll.u32 s28, $0x1;
	[dreg:$0x2] =	wrdreg s3  }
0xa9: {  	[dreg:$0x3] =	wrdreg s5  }
0xaa: {  	[dreg:$0x4] =	wrdreg $0xC0  }
0xab: {  	_ =	task [dreg:s7], $0x5FFFF  }
0xac: {  	[dreg:$0x1] =	wrdreg $0xFFFFFFFF  }
0xad: {  	[dreg:$0x0] =	wrdreg $0x60  }
0xae: {  	[dreg:$0x2] =	wrdreg s24  }
0xaf: {  	[dreg:$0x3] =	wrdreg s2  }
0xb0: {  	[dreg:$0x4] =	wrdreg $0x0  }
0xb1: {  	[dreg:$0x5] =	wrdreg $0x9  }
0xb2: {  	_ =	task.clear_ibuf [dreg:s7], $0x6FFFF;
	_ =	strace $0x9000004C  }
0xb3: {  	s29 =	simm.s32 $0x9;
	_ =	strace $0x8000004E  }
0xb4: {  	_ =	swait.ge [sflag:s29], $0x1  }
0xb5: {  	[sflag:s29] =	ssyncadd.s32 $0xFFFFFFFF  }
0xb6: {  	_ =	strace $0x9000004E  }
0xb7: {  	_ =	sfence  }
0xb8: {  	s30 =	sld [smem:$0x0];
	_ =	sdelay $0x2  }
0xb9: {  	s31 =	sshll.u32 s1, $0xD;
	s1 =	sshrl.u32 s1, $0x2  }
0xba: {  	s3 =	sand.u32 $0x4000, s31;
	s1 =	sadd.s32 s1, s30  }
0xbb: {  	s0 =	sor.u32 s3, s0;
	s1 =	sshll.u32 s1, $0x11  }
0xbc: {  	s0 =	sor.u32 s1, s0  }
0xbd: {  	s0 =	sadd.s32 $0x8F2B, s0  }
0xbe: {  	[sflag:s0] =	ssyncadd.remote.s32 $0x1  }
0xbf: {  	_ =	sfence.sel $0xFFFF  }
0xc0: {  	[dreg:$0x0] =	wrdreg $0xFFFFFFFF;
	(pc) =	sbr.abs _section_cstart, $3  }
0xc1: {  	[dreg:$0x1] =	wrdreg $0xFFFFFFFF  }
0xc2: {  	_ =	task.clear_ibuf [dreg:s7], $0x2FFFF;
	_ =	strace $0x9FFFFFFF  }
0xc3: {  	(tm) =	ssettm $0x7FFFFFFF  }
tec
execute0_lowered:
.L_overlay_start_1:
0x0: {  	(tag) =	ssettag $0x1  }
0x1: {  	s0 =	srdreg.scid;
	s6 =	rddreg [dreg:$0x0]  }
0x2: {  	s26 =	stileid.u32;
	s11 =	rddreg [dreg:$0x1]  }
0x3: {  	s2 =	rddreg [dreg:$0x2];
	s22 =	simm.s32 $0x0;
	s19 =	simm.s32 $0x80  }
0x4: {  	s20 =	simm.s32 $0x400;
	s21 =	simm.s32 $0x13880;
	s28 =	simm.s32 $0x1C800  }
0x5: {  	s29 =	simm.s32 $0x1;
	s30 =	simm.s32 $0x19E00;
	s31 =	simm.s32 $0x0  }
0x6: {  	s0 =	sand.u32 $0x1, s0;
	s5 =	sshll.u32 s26, $0x7;
	[smem:$0x7FF] =	sst s22  }
0x7: {  	s23 =	sadd.s32 $0x46E00, s6;
	s8 =	smul.u32 $0x4E000, s26;
	s24 =	sadd.s32 $0xC6800, s6  }
0x8: {  	s15 =	smul.u32 $0x2700, s26;
	s10 =	sadd.s32 $0x138000, s2;
	p1 =	sne.s32 s26, $0xF  }
0x9: {  	s22 =	simm.s32 $0x3;
	p2 =	seq.s32 s26, $0xF;
	s1 =	sshll.u32 s0, $0x4  }
0xa: {  	s5 =	sand.u32 $0x380, s5;
	_ =	strace $0x8000004D;
	s7 =	ssub.s32 $0x2, s0  }
0xb: {  	p0 =	seq.s32 s0, $0x1;
	s14 =	smov.u32 s24;
	s18 =	sshrl.u32 @!p1 s10, $0x3  }
0xc: {  	s1 =	sor.u32 s26, s1;
	s9 =	sshrl.u32 s7, $0x1;
	s8 =	sshrl.u32 s8, $0x2  }
0xd: {  	s25 =	sadd.s32 s23, s15;
	s3 =	sshrl.u32 s1, $0x3;
	s1 =	sshll.u32 s1, $0xB  }
0xe: {  	s16 =	ssub.s32 s7, s9;
	s7 =	sshll.u32 s26, $0x6;
	s17 =	sadd.s32 s8, s2  }
0xf: {  	s8 =	sadd.s32 s11, s15;
	s11 =	sadd.s32 $0x27000, s11;
	[dreg:$0x4] =	wrdreg s25  }
0x10: {  	s15 =	sadd.s32 s24, s15;
	s24 =	simm.s32 $0x1A000;
	s4 =	smul.u32 $0x13C00, s3  }
.Ltmp0:
0x11: {  	s25 =	simm.s32 $0x16000;
	s26 =	simm.s32 $0x2;
	(pc) =	sbr.rel .LBB2_1-.Ltmp0, $4  }
0x12: {  	s1 =	sadd.s32 s1, s6;
	s9 =	sor.u32 $0x1C02, s7;
	s4 =	sor.u32 s5, s4  }
0x13: {  	s16 =	smax.u32 s16, $0x1;
	s17 =	sshrl.u32 s17, $0x3;
	s5 =	sshrl.u32 s4, $0x3  }
0x14: {  	s13 =	sadd.s32 $0x5E00, s1;
	s4 =	sadd.s32 $0x1FC00, s6;
	s12 =	sadd.s32 s5, s6  }
0x15: {  	s6 =	smov.u32 s23;
	s23 =	simm.s32 $0x50;
	s12 =	sadd.s32 $0x15E00, s12  }
.LBB2_6:
0x16: {  	s1 =	sadd.s32 $0x27000, s1;
	s3 =	sshrl.u32 s10, $0x3  }
0x17: {  	[hbm:s1], [sflag:s0] =	dma.local [spmem:s3], $0x100  }
0x18: {  	_ =	swait.ge [sflag:s22], $0x100  }
0x19: {  	[sflag:s22] =	ssyncset.done $0x0  }
0x1a: {  	[sflag:s22] =	ssyncadd.s32 $0xFFFFFF00  }
.LBB2_7:
0x1b: {  	s31 =	sadd.s32 $0x1, s31  }
0x1c: {  	p3 =	sne.s32 s31, s16  }
.Ltmp1:
0x1d: {  	_ = 	snop;
	(pc) =	sbr.rel @!p3 .LBB2_8-.Ltmp1, $1  }
0x1e: {  	_ =	sdelay $0x3  }
.LBB2_1:
0x1f: {  	[spmem:s17], [sflag:s9] =	dma.local [hbm:s8], $0x2700  }
0x20: {  	[spmem:s18], [sflag:s9] =	dma.local @!p1 [hbm:s11], $0x100  }
0x21: {  	[tilespmem:s21], [sflag:$0x3] =	stream.strided.gather [hbm4b:s12+s19], $0x2780, s20, s19, $0x38;
	[tilespmem:$0x1F000] =	vst v63  }
0x22: {  	_ =	swait.ge [sflag:s22], $0x2780  }
0x23: {  	[sflag:s22] =	ssyncset.done $0x0  }
0x24: {  	[sflag:s22] =	ssyncadd.s32 $0xFFFFD880  }
0x25: {  	[tilespmem:s24], [sflag:$0x1] =	stream.indirect.gather [hbm4b:s4+s23], $0x80, s21, s23, $0xb8;
	[tilespmem:$0x1F000] =	vst v63  }
0x26: {  	s0 =	simm.s32 $0x0  }
0x27: {  	[tilespmem:s25], [sflag:$0x3] =	stream.linear.gather [hbm4b:s13+s0], $0x3E80, $0x38;
	[tilespmem:$0x1F000] =	vst v63  }
0x28: {  	_ =	swait.ge [sflag:s22], $0x3E80  }
0x29: {  	[sflag:s22] =	ssyncset.done $0x0  }
0x2a: {  	[sflag:s22] =	ssyncadd.s32 $0xFFFFC180  }
0x2b: {  	_ =	swait.ge [sflag:s26], $0x2700  }
0x2c: {  	[sflag:s26] =	ssyncset.done $0x0  }
0x2d: {  	s0 =	simm.s32 @!p1 $0x2;
	[sflag:s26] =	ssyncadd.s32 $0xFFFFD900  }
0x2e: {  	_ =	swait.ge @!p1 [sflag:s0], $0x100  }
0x2f: {  	[sflag:s0] =	ssyncset.done @!p1 $0x0  }
0x30: {  	[sflag:s0] =	ssyncadd.s32 @!p1 $0xFFFFFF00  }
0x31: {  	s1 =	simm.s32 $0x138D0;
	[bflag:$0x0] =	sbarrier.arrive $0xFFFF  }
0x32: {  	[tilespmem:s28], [sflag:$0x2] =	stream.indirect.gather [hbm4b:s4+s23], $0x80, s1, s23, $0xb8;
	[tilespmem:$0x1F000] =	vst v63  }
0x33: {  	_ =	swait.ge [sflag:s29], $0x2800  }
0x34: {  	[sflag:s29] =	ssyncset.done $0x0  }
0x35: {  	s5 =	simm.s32 $0x16000;
	[sflag:s29] =	ssyncadd.s32 $0xFFFFD800  }
0x36: {  	[spmem:s2] =	stream.indirect.scatter.add.f32 [tilespmem:s24], [sflag:$0x3], $0x80, s5, s23, $0xb8;
	[tilespmem:$0x1F000] =	vst v63  }
0x37: {  	_ =	swait.ge [sflag:s22], $0x2800  }
0x38: {  	[sflag:s22] =	ssyncset.done $0x0  }
0x39: {  	s3 =	simm.s32 $0x13920;
	[sflag:s22] =	ssyncadd.s32 $0xFFFFD800  }
0x3a: {  	[tilespmem:s24], [sflag:$0x1] =	stream.indirect.gather [hbm4b:s4+s23], $0x80, s3, s23, $0xb8;
	[tilespmem:$0x1F000] =	vst v63  }
0x3b: {  	_ =	swait.ge [sflag:s26], $0x2800  }
0x3c: {  	[sflag:s26] =	ssyncset.done $0x0  }
0x3d: {  	s5 =	simm.s32 $0x16080;
	[sflag:s26] =	ssyncadd.s32 $0xFFFFD800  }
0x3e: {  	[spmem:s2] =	stream.indirect.scatter.add.f32 [tilespmem:s28], [sflag:$0x3], $0x80, s5, s23, $0xb8;
	[tilespmem:$0x1F000] =	vst v63  }
0x3f: {  	_ =	swait.ge [sflag:s22], $0x2800  }
0x40: {  	s0 =	simm.s32 $0x400;
	[sflag:s22] =	ssyncset.done $0x0  }
.LBB2_2:
0x41: {  	p3 =	sne.s32 s0, $0xF400;
	[sflag:s22] =	ssyncadd.s32 $0xFFFFD800;
	s1 =	sadd.s32 $0xA0, s1  }
0x42: {  	[tilespmem:s28], [sflag:$0x2] =	stream.indirect.gather [hbm4b:s4+s23], $0x80, s1, s23, $0xb8;
	[tilespmem:$0x1F000] =	vst v63  }
0x43: {  	s3 =	smov.u32 s0;
	s0 =	sadd.s32 $0x400, s0;
	_ =	swait.ge [sflag:s29], $0x2800  }
0x44: {  	s3 =	sshra.s32 s3, $0x2;
	[sflag:s29] =	ssyncset.done $0x0  }
0x45: {  	s5 =	sadd.s32 $0x16000, s3;
	[sflag:s29] =	ssyncadd.s32 $0xFFFFD800  }
0x46: {  	[spmem:s2] =	stream.indirect.scatter.add.f32 [tilespmem:s24], [sflag:$0x3], $0x80, s5, s23, $0xb8;
	[tilespmem:$0x1F000] =	vst v63  }
0x47: {  	_ =	swait.ge [sflag:s22], $0x2800  }
0x48: {  	[sflag:s22] =	ssyncset.done $0x0  }
0x49: {  	s5 =	sadd.s32 $0x50, s1;
	[sflag:s22] =	ssyncadd.s32 $0xFFFFD800  }
0x4a: {  	[tilespmem:s24], [sflag:$0x1] =	stream.indirect.gather [hbm4b:s4+s23], $0x80, s5, s23, $0xb8;
	[tilespmem:$0x1F000] =	vst v63  }
0x4b: {  	_ =	swait.ge [sflag:s26], $0x2800  }
.Ltmp2:
0x4c: {  	[sflag:s26] =	ssyncset.done $0x0;
	(pc) =	sbr.rel @p3 .LBB2_2-.Ltmp2, $4  }
0x4d: {  	s3 =	sadd.s32 $0x16080, s3;
	[sflag:s26] =	ssyncadd.s32 $0xFFFFD800  }
0x4e: {  	[spmem:s2] =	stream.indirect.scatter.add.f32 [tilespmem:s28], [sflag:$0x3], $0x80, s3, s23, $0xb8;
	[tilespmem:$0x1F000] =	vst v63  }
0x4f: {  	_ =	swait.ge [sflag:s22], $0x2800  }
0x50: {  	[sflag:s22] =	ssyncset.done $0x0  }
0x51: {  	[sflag:s22] =	ssyncadd.s32 $0xFFFFD800  }
0x52: {  	_ =	swait.ge [sflag:s29], $0x2800  }
0x53: {  	[sflag:s29] =	ssyncset.done $0x0  }
0x54: {  	[sflag:s29] =	ssyncadd.s32 $0xFFFFD800  }
0x55: {  	[spmem:s2] =	stream.indirect.scatter.add.f32 [tilespmem:s24], [sflag:$0x3], $0x80, s30, s23, $0xb8;
	[tilespmem:$0x1F000] =	vst v63  }
.Ltmp3:
0x56: {  	_ =	swait.ge [sflag:s22], $0x2800;
	(pc) =	sbr.rel @!p0 .LBB2_4-.Ltmp3, $4  }
0x57: {  	[sflag:s22] =	ssyncset.done $0x0  }
0x58: {  	[sflag:s22] =	ssyncadd.s32 $0xFFFFD800  }
0x59: {  	[bflag:$0x0] =	sbarrier.arrive $0xFFFF  }
0x5a: {  	s0 =	sor.u32 $0x1C03, s7  }
0x5b: {  	s0 =	sor.u32 $0x1C03, s7  }
0x5c: {  	[hbm:s15], [sflag:s0] =	dma.local [spmem:s17], $0x2700  }
.Ltmp4:
0x5d: {  	_ = 	snop;
	(pc) =	sbr.rel @p1 .LBB2_7-.Ltmp4, $4  }
.Ltmp5:
0x5e: {  	_ = 	snop;
	(pc) =	sbr.rel @!p1 .LBB2_6-.Ltmp5, $4  }
0x5f: {  	_ =	swait.ge [sflag:s22], $0x2700  }
0x60: {  	[sflag:s22] =	ssyncset.done $0x0  }
0x61: {  	s1 =	smov.u32 s14;
	[sflag:s22] =	ssyncadd.s32 $0xFFFFD900  }
0x62: {  	_ = 	snop  }
.LBB2_4:
0x63: {  	s1 =	rddreg [dreg:$0x4]  }
0x64: {  	[hbm:s1], [sflag:s0] =	dma.local [spmem:s17], $0x2700  }
.Ltmp6:
0x65: {  	_ = 	snop;
	(pc) =	sbr.rel @p2 .LBB2_6-.Ltmp6, $4  }
.Ltmp7:
0x66: {  	_ = 	snop;
	(pc) =	sbr.rel @!p2 .LBB2_7-.Ltmp7, $4  }
0x67: {  	_ =	swait.ge [sflag:s22], $0x2700  }
0x68: {  	[sflag:s22] =	ssyncset.done $0x0  }
0x69: {  	s1 =	smov.u32 s6;
	[sflag:s22] =	ssyncadd.s32 $0xFFFFD900  }
0x6a: {  	_ = 	snop  }
.LBB2_8:
0x6b: {  	_ =	sfence.sel $0x180000  }
0x6c: {  	[bflag:$0x0] =	sbarrier.arrive $0xFFFF  }
0x6d: {  	_ =	strace $0x9000004D  }
0x6e: {  	s0 =	stileid.u32;
	[bflag:$0x2] =	sbarrier.arrive $0xFFFF  }
0x6f: {  	p0 =	sne.s32 s0, $0x0;
	s0 =	rddreg [dreg:$0x3]  }
0x70: {  	s0 =	sadd.s32 @!p0 $0x100000, s0  }
0x71: {  	[sflag:s0] =	ssyncadd.tile.s32 @!p0 $0x1;
	_ =	shalt  }
.Lfunc_end2:
_tile_overlayer_lowered:
.L_overlay_start_2:
0x72: {  	(tag) =	ssettag $0x2  }
0x73: {  	s0 =	rddreg [dreg:$0x0];
	s2 =	stileid.u32  }
0x74: {  	s1 =	rddreg [dreg:$0x1];
	p0 =	sne.s32 s2, $0x0  }
0x75: {  	s3 =	rddreg [dreg:$0x2];
	[bflag:$0x3] =	sbarrier.arrive $0xFFFF;
	s2 =	simm.s32 @!p0 $0x1C03  }
0x76: {  	[timem:s3], [sflag:s2] =	dma.local @!p0 [hbm:s0], s1  }
0x77: {  	s0 =	simm.s32 @!p0 $0x3  }
0x78: {  	_ =	swait.ge @!p0 [sflag:s0], s1  }
0x79: {  	s1 =	ssub.s32 @!p0 $0x0, s1;
	[sflag:s0] =	ssyncset.done @!p0 $0x0  }
0x7a: {  	[sflag:s0] =	ssyncadd.s32 @!p0 s1  }
0x7b: {  	[bflag:$0x3] =	sbarrier.arrive $0xFFFF  }
0x7c: {  	_ =	shalt  }

// kernel: kernel.21.cloned.1.call-start
scs
__scs_entry_jumppad:
0x0: {  	(pc) =	sbr.rel $0x88, $3  }
0x1: {  	(tag) =	ssettag $0x0;
	lr =	simm.s32 $0x1  }
0x2: {  	[smem:$0x3F96] =	sst lr;
	_ =	strace $0xD0000000  }
0x3: {  	_ = 	snop  }
0x4: {  	_ = 	snop  }
0x5: {  	_ = 	snop  }
0x6: {  	_ = 	snop  }
0x7: {  	_ = 	snop  }
__scs_overlays_trampoline_lowered:
0x8: {  	[smem:$0x3FA5] =	sst s0  }
0x9: {  	[smem:$0x3FA6] =	sst s1  }
0xa: {  	[smem:$0x3FA7] =	sst s2  }
0xb: {  	[smem:$0x3FA8] =	sst s3  }
0xc: {  	[smem:$0x3FA9] =	sst s4  }
0xd: {  	[smem:$0x3FAA] =	sst s5  }
0xe: {  	[smem:$0x3FAB] =	sst s6  }
0xf: {  	[smem:$0x3FAC] =	sst s7  }
0x10: {  	[smem:$0x3FAD] =	sst s8  }
0x11: {  	[smem:$0x3FAE] =	sst s9;
	s0 =	simm.s32 @!p0 $0x0  }
0x12: {  	s1 =	sld [smem:$0x3F94];
	s0 =	simm.s32 @p0 $0x1  }
0x13: {  	[smem:$0x3FAF] =	sst s0;
	s0 =	simm.s32 @!p1 $0x0  }
0x14: {  	s2 =	sld [smem:$0x3F93];
	s0 =	simm.s32 @p1 $0x1  }
0x15: {  	[smem:$0x3FB0] =	sst s0;
	s0 =	simm.s32 @!p2 $0x0  }
0x16: {  	s3 =	sld [smem:$0x3FDB];
	s0 =	simm.s32 @p2 $0x1  }
0x17: {  	s4 =	simm.s32 $0x1BF5;
	[smem:$0x3FB2] =	sst s0  }
0x18: {  	s0 =	sld [smem:$0x3F95];
	_ =	swait.ge [sflag:s4], $0x0  }
0x19: {  	s7 =	sld [smem:$0x3F96]  }
0x1a: {  	s8 =	sadd.s32 $0xFFFFE003, lr  }
0x1b: {  	s9 =	sadd.s32 $0xFFFFFEF7, lr;
	s5 =	simm.s32 $0xFFFFFFFF;
	p2 =	slt.u32 s8, $0xFFFFF086  }
0x1c: {  	p1 =	slt.u32 s9, $0xF7A;
	s5 =	simm.s32 @!p2 $0x0  }
0x1d: {  	s5 =	simm.s32 @p1 $0x1;
	p0 =	seq.s32 s7, s2  }
0x1e: {  	s7 =	smul.u32 @!p0 $0xF7A, s2;
	p2 =	seq.s32 @!p0 s5, $0x0  }
0x1f: {  	s9 =	smul.u32 $0xF7A, s1;
	s8 =	simm.s32 @!p0 $0x1BF5;
	p2 =	por !p2, p0  }
0x20: {  	[sflag:s8] =	ssyncset.s32 @!p0 $0xFFFFF086;
	s6 =	sadd.s32 @!p0 s3, s7;
	s7 =	simm.s32 @!p0 $0x108  }
0x21: {  	s3 =	sadd.s32 s3, s9;
	s6 =	sadd.s32 @!p0 $0x88, s6;
	s7 =	simm.s32 @p2 $0x1082  }
0x22: {  	[simem:s7], [sflag:s8] =	dma.local @!p0 [hbm:s6], $0xF7A  }
0x23: {  	s9 =	sor.u32 $0xD0000000, s2;
	s6 =	simm.s32 $0x108;
	_ =	swait.ge @!p0 [sflag:s8], $0x0  }
0x24: {  	s3 =	sadd.s32 $0x88, s3;
	s6 =	simm.s32 @!p1 $0x1082;
	[sflag:s4] =	ssyncset.s32 $0xFFFFF086  }
0x25: {  	[simem:s6], [sflag:s4] =	dma.local [hbm:s3], $0xF7A  }
0x26: {  	[smem:$0x3F96] =	sst s1;
	(tag) =	ssettag s2;
	_ =	strace s9  }
0x27: {  	s1 =	sld [smem:$0x3FA6]  }
0x28: {  	s2 =	sld [smem:$0x3FA7]  }
0x29: {  	s4 =	sld [smem:$0x3FA9]  }
0x2a: {  	p0 =	seq.s32 s5, $0x0;
	s5 =	sld [smem:$0x3FAA]  }
0x2b: {  	s6 =	sld [smem:$0x3FAB]  }
0x2c: {  	s7 =	sld [smem:$0x3FAC]  }
0x2d: {  	s3 =	simm.s32 $0x108;
	s8 =	sld [smem:$0x3FAD]  }
0x2e: {  	s3 =	simm.s32 @!p0 $0x1082;
	s9 =	sld [smem:$0x3FAE]  }
0x2f: {  	lr =	sadd.s32 s0, s3;
	s0 =	sld [smem:$0x3FA5]  }
0x30: {  	s3 =	sld [smem:$0x3FA8]  }
0x31: {  	[smem:$0x3FB1] =	sst s10  }
0x32: {  	s10 =	sld [smem:$0x3FAF];
	_ =	sdelay $0x3  }
0x33: {  	p0 =	seq.s32 s10, $0x1;
	s10 =	sld [smem:$0x3FB1];
	_ =	sdelay $0x3  }
0x34: {  	[smem:$0x3FB1] =	sst s10  }
0x35: {  	s10 =	sld [smem:$0x3FB0];
	_ =	sdelay $0x3  }
0x36: {  	p1 =	seq.s32 s10, $0x1;
	s10 =	sld [smem:$0x3FB1];
	_ =	sdelay $0x3  }
0x37: {  	[smem:$0x3FB1] =	sst s10  }
0x38: {  	s10 =	sld [smem:$0x3FB2]  }
0x39: {  	_ = 	snop;
	(pc) =	sbr.ind lr, $3  }
0x3a: {  	_ = 	snop  }
0x3b: {  	_ = 	snop  }
0x3c: {  	p2 =	seq.s32 s10, $0x1;
	s10 =	sld [smem:$0x3FB1]  }
0x3d: {  	_ =	shalt  }
0x3e: {  	_ =	shalt  }
0x3f: {  	_ =	shalt  }
0x40: {  	_ =	shalt  }
0x41: {  	_ =	shalt  }
0x42: {  	_ =	shalt  }
0x43: {  	_ =	shalt  }
0x44: {  	_ =	shalt  }
0x45: {  	_ =	shalt  }
0x46: {  	_ =	shalt  }
0x47: {  	_ =	shalt  }
0x48: {  	_ =	shalt  }
0x49: {  	_ =	shalt  }
0x4a: {  	_ =	shalt  }
0x4b: {  	_ =	shalt  }
0x4c: {  	_ =	shalt  }
0x4d: {  	_ =	shalt  }
0x4e: {  	_ =	shalt  }
0x4f: {  	_ =	shalt  }
0x50: {  	_ =	shalt  }
0x51: {  	_ =	shalt  }
0x52: {  	_ =	shalt  }
0x53: {  	_ =	shalt  }
0x54: {  	_ =	shalt  }
0x55: {  	_ =	shalt  }
0x56: {  	_ =	shalt  }
0x57: {  	_ =	shalt  }
0x58: {  	_ =	shalt  }
0x59: {  	_ =	shalt  }
0x5a: {  	_ =	shalt  }
0x5b: {  	_ =	shalt  }
0x5c: {  	_ =	shalt  }
0x5d: {  	_ =	shalt  }
0x5e: {  	_ =	shalt  }
0x5f: {  	_ =	shalt  }
0x60: {  	_ =	shalt  }
0x61: {  	_ =	shalt  }
0x62: {  	_ =	shalt  }
0x63: {  	_ =	shalt  }
0x64: {  	_ =	shalt  }
0x65: {  	_ =	shalt  }
0x66: {  	_ =	shalt  }
0x67: {  	_ =	shalt  }
0x68: {  	_ =	shalt  }
0x69: {  	_ =	shalt  }
0x6a: {  	_ =	shalt  }
0x6b: {  	_ =	shalt  }
0x6c: {  	_ =	shalt  }
0x6d: {  	_ =	shalt  }
0x6e: {  	_ =	shalt  }
0x6f: {  	_ =	shalt  }
0x70: {  	_ =	shalt  }
0x71: {  	_ =	shalt  }
0x72: {  	_ =	shalt  }
0x73: {  	_ =	shalt  }
0x74: {  	_ =	shalt  }
0x75: {  	_ =	shalt  }
0x76: {  	_ =	shalt  }
0x77: {  	_ =	shalt  }
0x78: {  	_ =	shalt  }
0x79: {  	_ =	shalt  }
0x7a: {  	_ =	shalt  }
0x7b: {  	_ =	shalt  }
0x7c: {  	_ =	shalt  }
0x7d: {  	_ =	shalt  }
0x7e: {  	_ =	shalt  }
0x7f: {  	_ =	shalt  }
0x80: {  	_ =	shalt  }
0x81: {  	_ =	shalt  }
0x82: {  	_ =	shalt  }
0x83: {  	_ =	shalt  }
0x84: {  	_ =	shalt  }
0x85: {  	_ =	shalt  }
0x86: {  	_ =	shalt  }
0x87: {  	_ =	shalt  }
.Lfunc_end0:
.L_simem_size_0:
called_computation.3_lowered:
.L_overlay_start_0:
0x88: {  	s2 =	sld [smem:$0x3FD9]  }
0x89: {  	s3 =	sld [smem:$0x3FFE];
	_ =	sdelay $0x1  }
0x8a: {  	s1 =	srdreg.scid  }
0x8b: {  	s0 =	sand.u32 $0x1, s1  }
0x8c: {  	s17 =	sshll.u32 s0, $0xA;
	s2 =	sadd.s32 s3, s2  }
0x8d: {  	s2 =	sadd.s32 s2, s17  }
0x8e: {  	[smem:$0x3FBD] =	sst s2  }
0x8f: {  	_ = 	snop  }
0x90: {  	s2 =	sld [smem:$0x3FD0];
	(tm) =	ssettm $0x1  }
0x91: {  	s18 =	sld [smem:$0x3FFB];
	_ =	sdelay $0x3  }
0x92: {  	_ =	strace s18  }
0x93: {  	s3 =	sld [smem:$0x3FFC];
	_ =	sdelay $0x3  }
0x94: {  	_ =	strace s3  }
0x95: {  	s3 =	sld [smem:$0x3FFD];
	_ =	sdelay $0x3  }
0x96: {  	_ =	strace s3  }
0x97: {  	_ =	strace $0x8FFFFFFF  }
0x98: {  	s19 =	sld [smem:$0x3FDB];
	_ =	sdelay $0x1  }
0x99: {  	s4 =	simm.s32 $_scs_section_size  }
0x9a: {  	s5 =	simm.s32 $_size__tile_overlayer_lowered;
	s6 =	simm.s32 $_tile_overlayer_lowered  }
0x9b: {  	s22 =	simm.s32 $0x1BFF;
	s21 =	sshll.u32 s6, $0x1;
	s3 =	sadd.s32 s4, s19  }
0x9c: {  	s7 =	simm.s32 $0x0;
	s20 =	sshll.u32 s5, $0x1;
	s5 =	sadd.s32 s21, s3  }
0x9d: {  	[timem:s7], [sflag:s22] =	dma.local [hbm:s5], s20  }
0x9e: {  	_ =	swait.ge [sflag:s22], s20  }
0x9f: {  	s4 =	ssub.s32 $0x0, s20;
	[sflag:s22] =	ssyncset.done $0x0  }
0xa0: {  	[sflag:s22] =	ssyncadd.s32 s4;
	_ =	sdelay $0x1  }
0xa1: {  	s23 =	simm.s32 $0x1B8B  }
0xa2: {  	_ =	swait.ge [sflag:s23], $0x1  }
0xa3: {  	[sflag:s23] =	ssyncset.done $0x0  }
0xa4: {  	s25 =	simm.s32 $0x1B8E;
	s24 =	sld [smem:$0x3FFE];
	[sflag:s23] =	ssyncadd.s32 $0xFFFFFFFF  }
0xa5: {  	s26 =	simm.s32 $execute0_lowered;
	[smem:$0x3FD2] =	sst s25  }
0xa6: {  	s5 =	sshll.u32 s26, $0x1;
	_ =	strace $0x8000004F;
	[dreg:$0x1] =	wrdreg $0xFFFFFFFF  }
0xa7: {  	s28 =	simm.s32 $_size_execute0_lowered;
	s3 =	sadd.s32 s3, s5;
	[dreg:$0x0] =	wrdreg $0x0  }
0xa8: {  	s5 =	sshll.u32 s28, $0x1;
	[dreg:$0x2] =	wrdreg s3  }
0xa9: {  	[dreg:$0x3] =	wrdreg s5  }
0xaa: {  	[dreg:$0x4] =	wrdreg $0xC0  }
0xab: {  	_ =	task [dreg:s7], $0x5FFFF  }
0xac: {  	[dreg:$0x1] =	wrdreg $0xFFFFFFFF  }
0xad: {  	[dreg:$0x0] =	wrdreg $0x60  }
0xae: {  	[dreg:$0x2] =	wrdreg s24  }
0xaf: {  	[dreg:$0x3] =	wrdreg s2  }
0xb0: {  	[dreg:$0x4] =	wrdreg $0x0  }
0xb1: {  	[dreg:$0x5] =	wrdreg $0x9  }
0xb2: {  	_ =	task.clear_ibuf [dreg:s7], $0x6FFFF;
	_ =	strace $0x9000004F  }
0xb3: {  	s29 =	simm.s32 $0x9;
	_ =	strace $0x80000051  }
0xb4: {  	_ =	swait.ge [sflag:s29], $0x1  }
0xb5: {  	[sflag:s29] =	ssyncadd.s32 $0xFFFFFFFF  }
0xb6: {  	_ =	strace $0x90000051  }
0xb7: {  	_ =	sfence  }
0xb8: {  	s30 =	sld [smem:$0x0];
	_ =	sdelay $0x2  }
0xb9: {  	s31 =	sshll.u32 s1, $0xD;
	s1 =	sshrl.u32 s1, $0x2  }
0xba: {  	s3 =	sand.u32 $0x4000, s31;
	s1 =	sadd.s32 s1, s30  }
0xbb: {  	s0 =	sor.u32 s3, s0;
	s1 =	sshll.u32 s1, $0x11  }
0xbc: {  	s0 =	sor.u32 s1, s0  }
0xbd: {  	s0 =	sadd.s32 $0x8F2B, s0  }
0xbe: {  	[sflag:s0] =	ssyncadd.remote.s32 $0x1  }
0xbf: {  	_ =	sfence.sel $0xFFFF  }
0xc0: {  	[dreg:$0x0] =	wrdreg $0xFFFFFFFF;
	(pc) =	sbr.abs _section_cstart, $3  }
0xc1: {  	[dreg:$0x1] =	wrdreg $0xFFFFFFFF  }
0xc2: {  	_ =	task.clear_ibuf [dreg:s7], $0x2FFFF;
	_ =	strace $0x9FFFFFFF  }
0xc3: {  	(tm) =	ssettm $0x7FFFFFFF  }
tec
execute0_lowered:
.L_overlay_start_1:
0x0: {  	(tag) =	ssettag $0x1  }
0x1: {  	s0 =	srdreg.scid;
	s6 =	rddreg [dreg:$0x0]  }
0x2: {  	s26 =	stileid.u32;
	s11 =	rddreg [dreg:$0x1]  }
0x3: {  	s2 =	rddreg [dreg:$0x2];
	s22 =	simm.s32 $0x0;
	s19 =	simm.s32 $0x80  }
0x4: {  	s20 =	simm.s32 $0x400;
	s21 =	simm.s32 $0x13880;
	s28 =	simm.s32 $0x1C800  }
0x5: {  	s29 =	simm.s32 $0x1;
	s30 =	simm.s32 $0x19E00;
	s31 =	simm.s32 $0x0  }
0x6: {  	s0 =	sand.u32 $0x1, s0;
	s5 =	sshll.u32 s26, $0x7;
	[smem:$0x7FF] =	sst s22  }
0x7: {  	s23 =	sadd.s32 $0x46E00, s6;
	s8 =	smul.u32 $0x4E000, s26;
	s24 =	sadd.s32 $0x6E000, s6  }
0x8: {  	s15 =	smul.u32 $0x2700, s26;
	s10 =	sadd.s32 $0x138000, s2;
	p1 =	sne.s32 s26, $0xF  }
0x9: {  	s22 =	simm.s32 $0x3;
	p2 =	seq.s32 s26, $0xF;
	s1 =	sshll.u32 s0, $0x4  }
0xa: {  	s5 =	sand.u32 $0x380, s5;
	_ =	strace $0x80000050;
	s7 =	ssub.s32 $0x2, s0  }
0xb: {  	p0 =	seq.s32 s0, $0x1;
	s14 =	smov.u32 s24;
	s18 =	sshrl.u32 @!p1 s10, $0x3  }
0xc: {  	s1 =	sor.u32 s26, s1;
	s9 =	sshrl.u32 s7, $0x1;
	s8 =	sshrl.u32 s8, $0x2  }
0xd: {  	s25 =	sadd.s32 s23, s15;
	s3 =	sshrl.u32 s1, $0x3;
	s1 =	sshll.u32 s1, $0xB  }
0xe: {  	s16 =	ssub.s32 s7, s9;
	s7 =	sshll.u32 s26, $0x6;
	s17 =	sadd.s32 s8, s2  }
0xf: {  	s8 =	sadd.s32 s11, s15;
	s11 =	sadd.s32 $0x27000, s11;
	[dreg:$0x4] =	wrdreg s25  }
0x10: {  	s15 =	sadd.s32 s24, s15;
	s24 =	simm.s32 $0x1A000;
	s4 =	smul.u32 $0x13C00, s3  }
.Ltmp0:
0x11: {  	s25 =	simm.s32 $0x16000;
	s26 =	simm.s32 $0x2;
	(pc) =	sbr.rel .LBB2_1-.Ltmp0, $4  }
0x12: {  	s1 =	sadd.s32 s1, s6;
	s9 =	sor.u32 $0x1C02, s7;
	s4 =	sor.u32 s5, s4  }
0x13: {  	s16 =	smax.u32 s16, $0x1;
	s17 =	sshrl.u32 s17, $0x3;
	s5 =	sshrl.u32 s4, $0x3  }
0x14: {  	s13 =	sadd.s32 $0x5E00, s1;
	s4 =	sadd.s32 $0x1FC00, s6;
	s12 =	sadd.s32 s5, s6  }
0x15: {  	s6 =	smov.u32 s23;
	s23 =	simm.s32 $0x50;
	s12 =	sadd.s32 $0x15E00, s12  }
.LBB2_6:
0x16: {  	s1 =	sadd.s32 $0x27000, s1;
	s3 =	sshrl.u32 s10, $0x3  }
0x17: {  	[hbm:s1], [sflag:s0] =	dma.local [spmem:s3], $0x100  }
0x18: {  	_ =	swait.ge [sflag:s22], $0x100  }
0x19: {  	[sflag:s22] =	ssyncset.done $0x0  }
0x1a: {  	[sflag:s22] =	ssyncadd.s32 $0xFFFFFF00  }
.LBB2_7:
0x1b: {  	s31 =	sadd.s32 $0x1, s31  }
0x1c: {  	p3 =	sne.s32 s31, s16  }
.Ltmp1:
0x1d: {  	_ = 	snop;
	(pc) =	sbr.rel @!p3 .LBB2_8-.Ltmp1, $1  }
0x1e: {  	_ =	sdelay $0x3  }
.LBB2_1:
0x1f: {  	[spmem:s17], [sflag:s9] =	dma.local [hbm:s8], $0x2700  }
0x20: {  	[spmem:s18], [sflag:s9] =	dma.local @!p1 [hbm:s11], $0x100  }
0x21: {  	[tilespmem:s21], [sflag:$0x3] =	stream.strided.gather [hbm4b:s12+s19], $0x2780, s20, s19, $0x38;
	[tilespmem:$0x1F000] =	vst v63  }
0x22: {  	_ =	swait.ge [sflag:s22], $0x2780  }
0x23: {  	[sflag:s22] =	ssyncset.done $0x0  }
0x24: {  	[sflag:s22] =	ssyncadd.s32 $0xFFFFD880  }
0x25: {  	[tilespmem:s24], [sflag:$0x1] =	stream.indirect.gather [hbm4b:s4+s23], $0x80, s21, s23, $0xb8;
	[tilespmem:$0x1F000] =	vst v63  }
0x26: {  	s0 =	simm.s32 $0x0  }
0x27: {  	[tilespmem:s25], [sflag:$0x3] =	stream.linear.gather [hbm4b:s13+s0], $0x3E80, $0x38;
	[tilespmem:$0x1F000] =	vst v63  }
0x28: {  	_ =	swait.ge [sflag:s22], $0x3E80  }
0x29: {  	[sflag:s22] =	ssyncset.done $0x0  }
0x2a: {  	[sflag:s22] =	ssyncadd.s32 $0xFFFFC180  }
0x2b: {  	_ =	swait.ge [sflag:s26], $0x2700  }
0x2c: {  	[sflag:s26] =	ssyncset.done $0x0  }
0x2d: {  	s0 =	simm.s32 @!p1 $0x2;
	[sflag:s26] =	ssyncadd.s32 $0xFFFFD900  }
0x2e: {  	_ =	swait.ge @!p1 [sflag:s0], $0x100  }
0x2f: {  	[sflag:s0] =	ssyncset.done @!p1 $0x0  }
0x30: {  	[sflag:s0] =	ssyncadd.s32 @!p1 $0xFFFFFF00  }
0x31: {  	s1 =	simm.s32 $0x138D0;
	[bflag:$0x0] =	sbarrier.arrive $0xFFFF  }
0x32: {  	[tilespmem:s28], [sflag:$0x2] =	stream.indirect.gather [hbm4b:s4+s23], $0x80, s1, s23, $0xb8;
	[tilespmem:$0x1F000] =	vst v63  }
0x33: {  	_ =	swait.ge [sflag:s29], $0x2800  }
0x34: {  	[sflag:s29] =	ssyncset.done $0x0  }
0x35: {  	s5 =	simm.s32 $0x16000;
	[sflag:s29] =	ssyncadd.s32 $0xFFFFD800  }
0x36: {  	[spmem:s2] =	stream.indirect.scatter.add.f32 [tilespmem:s24], [sflag:$0x3], $0x80, s5, s23, $0xb8;
	[tilespmem:$0x1F000] =	vst v63  }
0x37: {  	_ =	swait.ge [sflag:s22], $0x2800  }
0x38: {  	[sflag:s22] =	ssyncset.done $0x0  }
0x39: {  	s3 =	simm.s32 $0x13920;
	[sflag:s22] =	ssyncadd.s32 $0xFFFFD800  }
0x3a: {  	[tilespmem:s24], [sflag:$0x1] =	stream.indirect.gather [hbm4b:s4+s23], $0x80, s3, s23, $0xb8;
	[tilespmem:$0x1F000] =	vst v63  }
0x3b: {  	_ =	swait.ge [sflag:s26], $0x2800  }
0x3c: {  	[sflag:s26] =	ssyncset.done $0x0  }
0x3d: {  	s5 =	simm.s32 $0x16080;
	[sflag:s26] =	ssyncadd.s32 $0xFFFFD800  }
0x3e: {  	[spmem:s2] =	stream.indirect.scatter.add.f32 [tilespmem:s28], [sflag:$0x3], $0x80, s5, s23, $0xb8;
	[tilespmem:$0x1F000] =	vst v63  }
0x3f: {  	_ =	swait.ge [sflag:s22], $0x2800  }
0x40: {  	s0 =	simm.s32 $0x400;
	[sflag:s22] =	ssyncset.done $0x0  }
.LBB2_2:
0x41: {  	p3 =	sne.s32 s0, $0xF400;
	[sflag:s22] =	ssyncadd.s32 $0xFFFFD800;
	s1 =	sadd.s32 $0xA0, s1  }
0x42: {  	[tilespmem:s28], [sflag:$0x2] =	stream.indirect.gather [hbm4b:s4+s23], $0x80, s1, s23, $0xb8;
	[tilespmem:$0x1F000] =	vst v63  }
0x43: {  	s3 =	smov.u32 s0;
	s0 =	sadd.s32 $0x400, s0;
	_ =	swait.ge [sflag:s29], $0x2800  }
0x44: {  	s3 =	sshra.s32 s3, $0x2;
	[sflag:s29] =	ssyncset.done $0x0  }
0x45: {  	s5 =	sadd.s32 $0x16000, s3;
	[sflag:s29] =	ssyncadd.s32 $0xFFFFD800  }
0x46: {  	[spmem:s2] =	stream.indirect.scatter.add.f32 [tilespmem:s24], [sflag:$0x3], $0x80, s5, s23, $0xb8;
	[tilespmem:$0x1F000] =	vst v63  }
0x47: {  	_ =	swait.ge [sflag:s22], $0x2800  }
0x48: {  	[sflag:s22] =	ssyncset.done $0x0  }
0x49: {  	s5 =	sadd.s32 $0x50, s1;
	[sflag:s22] =	ssyncadd.s32 $0xFFFFD800  }
0x4a: {  	[tilespmem:s24], [sflag:$0x1] =	stream.indirect.gather [hbm4b:s4+s23], $0x80, s5, s23, $0xb8;
	[tilespmem:$0x1F000] =	vst v63  }
0x4b: {  	_ =	swait.ge [sflag:s26], $0x2800  }
.Ltmp2:
0x4c: {  	[sflag:s26] =	ssyncset.done $0x0;
	(pc) =	sbr.rel @p3 .LBB2_2-.Ltmp2, $4  }
0x4d: {  	s3 =	sadd.s32 $0x16080, s3;
	[sflag:s26] =	ssyncadd.s32 $0xFFFFD800  }
0x4e: {  	[spmem:s2] =	stream.indirect.scatter.add.f32 [tilespmem:s28], [sflag:$0x3], $0x80, s3, s23, $0xb8;
	[tilespmem:$0x1F000] =	vst v63  }
0x4f: {  	_ =	swait.ge [sflag:s22], $0x2800  }
0x50: {  	[sflag:s22] =	ssyncset.done $0x0  }
0x51: {  	[sflag:s22] =	ssyncadd.s32 $0xFFFFD800  }
0x52: {  	_ =	swait.ge [sflag:s29], $0x2800  }
0x53: {  	[sflag:s29] =	ssyncset.done $0x0  }
0x54: {  	[sflag:s29] =	ssyncadd.s32 $0xFFFFD800  }
0x55: {  	[spmem:s2] =	stream.indirect.scatter.add.f32 [tilespmem:s24], [sflag:$0x3], $0x80, s30, s23, $0xb8;
	[tilespmem:$0x1F000] =	vst v63  }
.Ltmp3:
0x56: {  	_ =	swait.ge [sflag:s22], $0x2800;
	(pc) =	sbr.rel @!p0 .LBB2_4-.Ltmp3, $4  }
0x57: {  	[sflag:s22] =	ssyncset.done $0x0  }
0x58: {  	[sflag:s22] =	ssyncadd.s32 $0xFFFFD800  }
0x59: {  	[bflag:$0x0] =	sbarrier.arrive $0xFFFF  }
0x5a: {  	s0 =	sor.u32 $0x1C03, s7  }
0x5b: {  	s0 =	sor.u32 $0x1C03, s7  }
0x5c: {  	[hbm:s15], [sflag:s0] =	dma.local [spmem:s17], $0x2700  }
.Ltmp4:
0x5d: {  	_ = 	snop;
	(pc) =	sbr.rel @p1 .LBB2_7-.Ltmp4, $4  }
.Ltmp5:
0x5e: {  	_ = 	snop;
	(pc) =	sbr.rel @!p1 .LBB2_6-.Ltmp5, $4  }
0x5f: {  	_ =	swait.ge [sflag:s22], $0x2700  }
0x60: {  	[sflag:s22] =	ssyncset.done $0x0  }
0x61: {  	s1 =	smov.u32 s14;
	[sflag:s22] =	ssyncadd.s32 $0xFFFFD900  }
0x62: {  	_ = 	snop  }
.LBB2_4:
0x63: {  	s1 =	rddreg [dreg:$0x4]  }
0x64: {  	[hbm:s1], [sflag:s0] =	dma.local [spmem:s17], $0x2700  }
.Ltmp6:
0x65: {  	_ = 	snop;
	(pc) =	sbr.rel @p2 .LBB2_6-.Ltmp6, $4  }
.Ltmp7:
0x66: {  	_ = 	snop;
	(pc) =	sbr.rel @!p2 .LBB2_7-.Ltmp7, $4  }
0x67: {  	_ =	swait.ge [sflag:s22], $0x2700  }
0x68: {  	[sflag:s22] =	ssyncset.done $0x0  }
0x69: {  	s1 =	smov.u32 s6;
	[sflag:s22] =	ssyncadd.s32 $0xFFFFD900  }
0x6a: {  	_ = 	snop  }
.LBB2_8:
0x6b: {  	_ =	sfence.sel $0x180000  }
0x6c: {  	[bflag:$0x0] =	sbarrier.arrive $0xFFFF  }
0x6d: {  	_ =	strace $0x90000050  }
0x6e: {  	s0 =	stileid.u32;
	[bflag:$0x2] =	sbarrier.arrive $0xFFFF  }
0x6f: {  	p0 =	sne.s32 s0, $0x0;
	s0 =	rddreg [dreg:$0x3]  }
0x70: {  	s0 =	sadd.s32 @!p0 $0x100000, s0  }
0x71: {  	[sflag:s0] =	ssyncadd.tile.s32 @!p0 $0x1;
	_ =	shalt  }
.Lfunc_end2:
_tile_overlayer_lowered:
.L_overlay_start_2:
0x72: {  	(tag) =	ssettag $0x2  }
0x73: {  	s0 =	rddreg [dreg:$0x0];
	s2 =	stileid.u32  }
0x74: {  	s1 =	rddreg [dreg:$0x1];
	p0 =	sne.s32 s2, $0x0  }
0x75: {  	s3 =	rddreg [dreg:$0x2];
	[bflag:$0x3] =	sbarrier.arrive $0xFFFF;
	s2 =	simm.s32 @!p0 $0x1C03  }
0x76: {  	[timem:s3], [sflag:s2] =	dma.local @!p0 [hbm:s0], s1  }
0x77: {  	s0 =	simm.s32 @!p0 $0x3  }
0x78: {  	_ =	swait.ge @!p0 [sflag:s0], s1  }
0x79: {  	s1 =	ssub.s32 @!p0 $0x0, s1;
	[sflag:s0] =	ssyncset.done @!p0 $0x0  }
0x7a: {  	[sflag:s0] =	ssyncadd.s32 @!p0 s1  }
0x7b: {  	[bflag:$0x3] =	sbarrier.arrive $0xFFFF  }
0x7c: {  	_ =	shalt  }

</sc_bundles>
